<compile_context>
chip_gen: v7x
topology: tpu7x:2x2x1
jax: 0.10.2.dev20260603
libtpu: 0.0.44.dev20260713+nightly
codegen_flags: <defaults>
</compile_context>

<pallas_src>
import functools

import jax
import jax.numpy as jnp
from jax import lax
from jax.experimental import pallas as pl
from jax.experimental.pallas import tpu as pltpu
from jax.experimental.pallas import tpu_sc as plsc

N = 100000
D = 128
S = 256
L = 16
NC = 2
NS = 16
NW = NC * NS
SEG_PER_W = S // NW
R = 128
NBUF = 6
KV = D // L
PIECE = 6248
SL = 6288
NT = 17


def _body(x_hbm, batch_hbm, wb_hbm, out_hbm, slice_v, lbv_v, lbtab_v, xbuf_v,
          wb_v, stage_v, bnd_s, lbsh_sh, sem):
    cid = lax.axis_index("c")
    sid = lax.axis_index("s")
    wid = cid * NS + sid

    pltpu.sync_copy(wb_hbm, wb_v)

    bstart = pl.multiple_of(jnp.minimum(sid * PIECE, N - SL), 8)
    pltpu.sync_copy(batch_hbm.at[pl.ds(bstart, SL)], slice_v)
    poff = sid * PIECE - bstart
    plen = jnp.where(sid == NS - 1, N - (NS - 1) * PIECE, PIECE)

    for g in range(NT):
        tg = g * L + lax.iota(jnp.int32, L)
        lo0 = jnp.full((L,), poff, jnp.int32)
        hi0 = jnp.full((L,), poff + plen, jnp.int32)

        def sbody(_, c):
            lo, hi = c
            act = lo < hi
            mid = lax.shift_right_logical(lo + hi, 1)
            vals = plsc.load_gather(slice_v, [jnp.minimum(mid, SL - 1)])
            less = vals < tg
            lo = jnp.where(act & less, mid + 1, lo)
            hi = jnp.where(act & (~less), mid, hi)
            return lo, hi

        lo, _ = lax.fori_loop(0, 13, sbody, (lo0, hi0))
        lbv_v[pl.ds(g * L, L)] = lo - poff

    pltpu.sync_copy(lbv_v, lbsh_sh.at[pl.ds(sid * NT * L, NT * L)])
    plsc.subcore_barrier()
    pltpu.sync_copy(lbsh_sh, lbtab_v)

    g0 = lax.shift_right_logical(wid, 1)
    par = wid & 1
    offa = pl.multiple_of(g0 * L, 16)
    offb = pl.multiple_of(jnp.minimum(g0 + 1, NT - 1) * L, 16)
    ba = lbtab_v[pl.ds(offa, L)]
    bb = lbtab_v[pl.ds(offb, L)]
    for t in range(1, NS):
        ba = ba + lbtab_v[pl.ds(t * NT * L + offa, L)]
        bb = bb + lbtab_v[pl.ds(t * NT * L + offb, L)]

    for i in range(SEG_PER_W + 1):
        v1 = ba[i + SEG_PER_W] if i < SEG_PER_W else bb[0]
        bnd_s[i] = jnp.where(par == 0, ba[i], v1)

    w = [wb_v[0, pl.ds(k * L, L)] for k in range(KV)]
    bvec = wb_v[1, pl.ds(0, L)]

    zero = jnp.zeros((L,), jnp.float32)
    ninf = jnp.full((L,), -jnp.inf, jnp.float32)

    for j in range(SEG_PER_W):
        for k in range(KV):
            stage_v[j, pl.ds(k * L, L)] = zero
            stage_v[j, pl.ds(D + k * L, L)] = ninf

    r0 = jnp.where(par == 0, ba[0], ba[SEG_PER_W])
    range_end = jnp.where(par == 0, ba[SEG_PER_W], bb[0])
    dbase0 = pl.multiple_of(jnp.minimum(r0 & ~7, N - R), 8)
    nch = jnp.where(r0 < range_end, (range_end - dbase0 + R - 1) // R, 0)

    def issue(c, _):
        cs = pl.multiple_of(jnp.minimum(dbase0 + c * R, N - R), 8)
        pltpu.async_copy(x_hbm.at[pl.ds(cs, R)],
                         xbuf_v.at[pl.ds(pl.multiple_of(c * R, 8), R)], sem)
        return 0

    lax.fori_loop(0, jnp.minimum(nch, NBUF), issue, 0)

    @pl.when(nch > 0)
    def _wait0():
        pltpu.make_async_copy(
            x_hbm.at[pl.ds(0, R)], xbuf_v.at[pl.ds(0, R)], sem).wait()

    def wcond(c):
        return c[0] < range_end

    def wbody(c):
        r, j, ci, dp = c[0], c[1], c[2], c[3]
        maxs = c[4:4 + KV]
        xsp = c[4 + KV:4 + 2 * KV]

        dbase = pl.multiple_of(jnp.minimum(dbase0 + ci * R, N - R), 8)
        seg_end = bnd_s[j + 1]
        chunk_end = dbase + R
        stop = jnp.minimum(seg_end, chunk_end)
        need_next = (stop == chunk_end) & (stop < range_end)

        prow = lax.rem(ci, NBUF) * R + (r - dbase)

        def row(i, c2):
            maxs = c2[:KV]
            xsp = c2[KV:2 * KV]
            dp = c2[2 * KV]
            ri = prow + i
            xs = [xbuf_v[ri, pl.ds(k * L, L)] for k in range(KV)]
            acc = xs[0] * w[0]
            for k in range(1, KV):
                acc = acc + xs[k] * w[k]
            d = jnp.sum(acc)
            sv = 1.0 / (1.0 + jnp.exp(-(dp + bvec)))
            sums = c2[2 * KV + 1:]
            nsums = tuple(sums[k] + sv * xsp[k] for k in range(KV))
            nmaxs = tuple(jnp.maximum(maxs[k], xs[k]) for k in range(KV))
            return nmaxs + tuple(xs) + (d,) + nsums

        st = lax.fori_loop(0, stop - r, row,
                           maxs + xsp + (dp,) + c[4 + 2 * KV:])
        maxs = st[:KV]
        xsp = st[KV:2 * KV]
        dp = st[2 * KV]
        sums = st[2 * KV + 1:]

        def do_flush(op):
            sums, maxs, xsp, dp, j = op
            sv = 1.0 / (1.0 + jnp.exp(-(dp + bvec)))
            for k in range(KV):
                stage_v[j, pl.ds(k * L, L)] = sums[k] + sv * xsp[k]
                stage_v[j, pl.ds(D + k * L, L)] = maxs[k]
            return ((zero,) * KV, (ninf,) * KV, (zero,) * KV,
                    jnp.float32(0.0), j + 1)

        sums, maxs, xsp, dp, j = lax.cond(
            stop == seg_end, do_flush, lambda op: op,
            (tuple(sums), tuple(maxs), tuple(xsp), dp, j))

        @pl.when(need_next & (ci + NBUF < nch))
        def _refill():
            cs = pl.multiple_of(jnp.minimum(dbase0 + (ci + NBUF) * R, N - R), 8)
            pltpu.async_copy(
                x_hbm.at[pl.ds(cs, R)],
                xbuf_v.at[pl.ds(pl.multiple_of(lax.rem(ci, NBUF) * R, 8), R)],
                sem)

        @pl.when(need_next)
        def _wait_next():
            pltpu.make_async_copy(
                x_hbm.at[pl.ds(0, R)], xbuf_v.at[pl.ds(0, R)], sem).wait()

        ci = jnp.where(need_next, ci + 1, ci)
        return (stop, j, ci, dp) + tuple(maxs) + tuple(xsp) + tuple(sums)

    init = ((r0, jnp.int32(0), jnp.int32(0), jnp.float32(0.0))
            + (ninf,) * KV + (zero,) * KV + (zero,) * KV)
    lax.while_loop(wcond, wbody, init)

    pltpu.sync_copy(stage_v, out_hbm.at[pl.ds(wid * SEG_PER_W, SEG_PER_W)])


@jax.jit
def kernel(x, batch, W, b):
    batch32 = batch.astype(jnp.int32)
    wb = jnp.concatenate(
        [W.astype(jnp.float32),
         jnp.broadcast_to(b.astype(jnp.float32).reshape(1, 1), (1, D))], axis=0)
    mesh = plsc.VectorSubcoreMesh(core_axis_name="c", subcore_axis_name="s")
    fn = functools.partial(
        pl.kernel,
        out_type=jax.ShapeDtypeStruct((S, 2 * D), jnp.float32),
        mesh=mesh,
        compiler_params=pltpu.CompilerParams(needs_layout_passes=False),
        scratch_types=[
            pltpu.VMEM((SL,), jnp.int32),
            pltpu.VMEM((NT * L,), jnp.int32),
            pltpu.VMEM((NS * NT * L,), jnp.int32),
            pltpu.VMEM((NBUF * R, D), jnp.float32),
            pltpu.VMEM((2, D), jnp.float32),
            pltpu.VMEM((SEG_PER_W, 2 * D), jnp.float32),
            pltpu.SMEM((L,), jnp.int32),
            pltpu.VMEM_SHARED((NS * NT * L,), jnp.int32),
            pltpu.SemaphoreType.DMA,
        ],
    )(_body)
    return fn(x, batch32, wb)

# --- scband reference (transcript-rebuilt; emitter-appended) ---
"""Pipeline reference for scband-readout-phase-82686710383217 (READ-ONLY COPY).

The authoritative reference and input builder live on the scoring server;
editing this copy changes nothing except your own understanding.
"""

import jax, jax.numpy as jnp
import numpy as np

NUM_SEGMENTS = 256
DIM = 128
N = 100000

def setup_inputs(seed: int = 0) -> dict:
    key = jax.random.key(seed)
    k1, k2, k3 = jax.random.split(key, 3)
    x = jax.random.normal(k1, (N, DIM), dtype=jnp.float32)
    batch = jnp.sort(jax.random.randint(k2, (N,), 0, NUM_SEGMENTS, dtype=jnp.int64))
    # Linear(dim, 1): xavier_uniform weight, zero bias
    limit = np.sqrt(6.0 / (DIM + 1))
    W = jax.random.uniform(k3, (1, DIM), dtype=jnp.float32, minval=-limit, maxval=limit)
    b = jnp.zeros((1,), dtype=jnp.float32)
    return {"x": x, "batch": batch, "W": W, "b": b}

def reference(x, batch, W, b):
    weighted = x @ W.T + b            # [N, 1]
    score = jax.nn.sigmoid(weighted)  # [N, 1]
    out1 = jax.ops.segment_sum(score * x, batch, num_segments=NUM_SEGMENTS)
    out2 = jax.ops.segment_max(x, batch, num_segments=NUM_SEGMENTS)
    return jnp.concatenate([out1, out2], axis=1)

if __name__ == "__main__":
    import jax
    _d = setup_inputs()
    print(jax.jit(kernel)(*tuple(_d.values())))

</pallas_src>

<mosaic_0001>
#map = affine_map<(d0, d1) -> (0, 0)>
#map1 = affine_map<(d0, d1) -> (0)>
module attributes {stable_mosaic.version = 14 : i64} {
  func.func @_body(%arg0: i32, %arg1: i32, %arg2: memref<100000x128xf32, #tpu.memory_space<hbm>>, %arg3: memref<100000xi32, #tpu.memory_space<hbm>>, %arg4: memref<2x128xf32, #tpu.memory_space<hbm>>, %arg5: memref<256x256xf32, #tpu.memory_space<hbm>>, %arg6: memref<6288xi32, #tpu.memory_space<vmem>>, %arg7: memref<272xi32, #tpu.memory_space<vmem>>, %arg8: memref<4352xi32, #tpu.memory_space<vmem>>, %arg9: memref<768x128xf32, #tpu.memory_space<vmem>>, %arg10: memref<2x128xf32, #tpu.memory_space<vmem>>, %arg11: memref<8x256xf32, #tpu.memory_space<vmem>>, %arg12: memref<16xi32, #tpu.memory_space<smem>>, %arg13: memref<4352xi32, #tpu.memory_space<vmem_shared>>, %arg14: memref<!tpu.dma_semaphore, #tpu.memory_space<semaphore_mem>>) attributes {dimension_semantics = [#tpu.dimension_semantics<core_parallel>, #tpu.dimension_semantics<subcore_parallel>], iteration_bounds = array<i64: 2, 16>, scalar_prefetch = 0 : i64, scratch_operands = 9 : i64, tpu.core_type = #tpu.core_type<sc_vector_subcore>, window_params = [{transform_indices = #map}, {transform_indices = #map1}, {transform_indices = #map}, {transform_indices = #map}]} {
    %mul3A = arith.constant 16 : i32
    %mul3A_0 = arith.muli %arg0, %mul3A : i32
    %add3A = arith.addi %mul3A_0, %arg1 : i32
    "tpu.region"() ({
      %run_scoped3A = tpu.sem_alloc : memref<!tpu.dma_semaphore, #tpu.memory_space<semaphore_mem>>
      tpu.enqueue_dma source(%arg4 : memref<2x128xf32, #tpu.memory_space<hbm>>) target(%arg10 : memref<2x128xf32, #tpu.memory_space<vmem>>) target_semaphore(%run_scoped3A : memref<!tpu.dma_semaphore, #tpu.memory_space<semaphore_mem>>)
      tpu.wait_dma2 semaphore(%run_scoped3A : memref<!tpu.dma_semaphore, #tpu.memory_space<semaphore_mem>>) src(%arg4 : memref<2x128xf32, #tpu.memory_space<hbm>>) dst(%arg10 : memref<2x128xf32, #tpu.memory_space<vmem>>)
      tpu.yield
    }) : () -> ()
    %mul3A_1 = arith.constant 6248 : i32
    %mul3A_2 = arith.muli %arg1, %mul3A_1 : i32
    %min3A = arith.constant 93712 : i32
    %min3A_3 = arith.minsi %mul3A_2, %min3A : i32
    %multiple_of3A = tpu.assume_multiple %min3A_3, 8 : i32
    "tpu.region"() ({
      %run_scoped3A = tpu.sem_alloc : memref<!tpu.dma_semaphore, #tpu.memory_space<semaphore_mem>>
      %dma_start3A = tpu.memref_slice %arg3[%multiple_of3A] : memref<100000xi32, #tpu.memory_space<hbm>> -> memref<6288xi32, #tpu.memory_space<hbm>>
      %dma_start3A_1169 = tpu.memref_slice %arg3[%multiple_of3A] : memref<100000xi32, #tpu.memory_space<hbm>> -> memref<6288xi32, #tpu.memory_space<hbm>>
      tpu.enqueue_dma source(%dma_start3A_1169 : memref<6288xi32, #tpu.memory_space<hbm>>) target(%arg6 : memref<6288xi32, #tpu.memory_space<vmem>>) target_semaphore(%run_scoped3A : memref<!tpu.dma_semaphore, #tpu.memory_space<semaphore_mem>>)
      %dma_wait3A = tpu.memref_slice %arg3[%multiple_of3A] : memref<100000xi32, #tpu.memory_space<hbm>> -> memref<6288xi32, #tpu.memory_space<hbm>>
      %dma_wait3A_1170 = tpu.memref_slice %arg3[%multiple_of3A] : memref<100000xi32, #tpu.memory_space<hbm>> -> memref<6288xi32, #tpu.memory_space<hbm>>
      tpu.wait_dma2 semaphore(%run_scoped3A : memref<!tpu.dma_semaphore, #tpu.memory_space<semaphore_mem>>) src(%dma_wait3A_1170 : memref<6288xi32, #tpu.memory_space<hbm>>) dst(%arg6 : memref<6288xi32, #tpu.memory_space<vmem>>)
      tpu.yield
    }) : () -> ()
    %mul3A_4 = arith.constant 6248 : i32
    %mul3A_5 = arith.muli %arg1, %mul3A_4 : i32
    %sub3A = arith.subi %mul3A_5, %multiple_of3A : i32
    %eq3A = arith.constant 15 : i32
    %eq3A_6 = arith.cmpi eq, %arg1, %eq3A : i32
    %jit3A = arith.constant 6280 : i32
    %jit3A_7 = arith.constant 6248 : i32
    %select_n3A = arith.select %eq3A_6, %jit3A, %jit3A_7 : i32
    %iota3A = tpu.iota {dimensions = array<i32: 0>} : vector<16xi32>
    %add3A_8 = arith.constant 0 : i32
    %add3A_9 = vector.broadcast %add3A_8 : i32 to vector<16xi32>
    %add3A_10 = arith.addi %add3A_9, %iota3A : vector<16xi32>
    %broadcast_in_dim3A = vector.broadcast %sub3A : i32 to vector<16xi32>
    %add3A_11 = arith.addi %sub3A, %select_n3A : i32
    %broadcast_in_dim3A_12 = vector.broadcast %add3A_11 : i32 to vector<16xi32>
    %scan3A = arith.constant 0 : i32
    %scan3A_13 = arith.constant 13 : i32
    %scan3A_14 = arith.addi %scan3A, %scan3A_13 : i32
    %scan3A_15 = arith.constant 1 : i32
    %scan3A_16:2 = scf.for %scan3A_1169 = %scan3A to %scan3A_14 step %scan3A_15 iter_args(%scan3A_1170 = %broadcast_in_dim3A, %scan3A_1171 = %broadcast_in_dim3A_12) -> (vector<16xi32>, vector<16xi32>)  : i32 {
      %lt3A_1172 = arith.cmpi slt, %scan3A_1170, %scan3A_1171 : vector<16xi32>
      %add3A_1173 = arith.addi %scan3A_1170, %scan3A_1171 : vector<16xi32>
      %shift_right_logical3A_1174 = arith.constant 1 : i32
      %shift_right_logical3A_1175 = vector.broadcast %shift_right_logical3A_1174 : i32 to vector<16xi32>
      %shift_right_logical3A_1176 = arith.shrui %add3A_1173, %shift_right_logical3A_1175 : vector<16xi32>
      %min3A_1177 = arith.constant 6287 : i32
      %min3A_1178 = vector.broadcast %min3A_1177 : i32 to vector<16xi32>
      %min3A_1179 = arith.minsi %shift_right_logical3A_1176, %min3A_1178 : vector<16xi32>
      %gather3A = tpu.vector_load_idx %arg6[%min3A_1179] : memref<6288xi32, #tpu.memory_space<vmem>>[vector<16xi32>], vector<16xi32>,
      %lt3A_1180 = arith.cmpi slt, %gather3A, %add3A_10 : vector<16xi32>
      %and3A_1181 = arith.andi %lt3A_1172, %lt3A_1180 : vector<16xi1>
      %add3A_1182 = arith.constant 1 : i32
      %add3A_1183 = vector.broadcast %add3A_1182 : i32 to vector<16xi32>
      %add3A_1184 = arith.addi %shift_right_logical3A_1176, %add3A_1183 : vector<16xi32>
      %select_n3A_1185 = arith.select %and3A_1181, %add3A_1184, %scan3A_1170 : vector<16xi1>, vector<16xi32>
      %not3A = arith.constant dense<true> : vector<16xi1>
      %not3A_1186 = arith.xori %lt3A_1180, %not3A : vector<16xi1>
      %and3A_1187 = arith.andi %lt3A_1172, %not3A_1186 : vector<16xi1>
      %select_n3A_1188 = arith.select %and3A_1187, %shift_right_logical3A_1176, %scan3A_1171 : vector<16xi1>, vector<16xi32>
      scf.yield %select_n3A_1185, %select_n3A_1188 : vector<16xi32>, vector<16xi32>
    }
    %scan3A_17 = arith.constant 13 : i32
    %sub3A_18 = vector.broadcast %sub3A : i32 to vector<16xi32>
    %sub3A_19 = arith.subi %scan3A_16#0, %sub3A_18 : vector<16xi32>
    %swap3A = arith.constant 0 : index
    %swap3A_20 = tpu.vector_load %arg7[%swap3A] {strides = array<i32>} : memref<272xi32, #tpu.memory_space<vmem>>, vector<16xi32>,
    tpu.vector_store %arg7[%swap3A], %sub3A_19 {strides = array<i32>} : memref<272xi32, #tpu.memory_space<vmem>>, vector<16xi32>,
    %iota3A_21 = tpu.iota {dimensions = array<i32: 0>} : vector<16xi32>
    %add3A_22 = arith.constant 16 : i32
    %add3A_23 = vector.broadcast %add3A_22 : i32 to vector<16xi32>
    %add3A_24 = arith.addi %add3A_23, %iota3A_21 : vector<16xi32>
    %broadcast_in_dim3A_25 = vector.broadcast %sub3A : i32 to vector<16xi32>
    %add3A_26 = arith.addi %sub3A, %select_n3A : i32
    %broadcast_in_dim3A_27 = vector.broadcast %add3A_26 : i32 to vector<16xi32>
    %scan3A_28 = arith.constant 0 : i32
    %scan3A_29 = arith.constant 13 : i32
    %scan3A_30 = arith.addi %scan3A_28, %scan3A_29 : i32
    %scan3A_31 = arith.constant 1 : i32
    %scan3A_32:2 = scf.for %scan3A_1169 = %scan3A_28 to %scan3A_30 step %scan3A_31 iter_args(%scan3A_1170 = %broadcast_in_dim3A_25, %scan3A_1171 = %broadcast_in_dim3A_27) -> (vector<16xi32>, vector<16xi32>)  : i32 {
      %lt3A_1172 = arith.cmpi slt, %scan3A_1170, %scan3A_1171 : vector<16xi32>
      %add3A_1173 = arith.addi %scan3A_1170, %scan3A_1171 : vector<16xi32>
      %shift_right_logical3A_1174 = arith.constant 1 : i32
      %shift_right_logical3A_1175 = vector.broadcast %shift_right_logical3A_1174 : i32 to vector<16xi32>
      %shift_right_logical3A_1176 = arith.shrui %add3A_1173, %shift_right_logical3A_1175 : vector<16xi32>
      %min3A_1177 = arith.constant 6287 : i32
      %min3A_1178 = vector.broadcast %min3A_1177 : i32 to vector<16xi32>
      %min3A_1179 = arith.minsi %shift_right_logical3A_1176, %min3A_1178 : vector<16xi32>
      %gather3A = tpu.vector_load_idx %arg6[%min3A_1179] : memref<6288xi32, #tpu.memory_space<vmem>>[vector<16xi32>], vector<16xi32>,
      %lt3A_1180 = arith.cmpi slt, %gather3A, %add3A_24 : vector<16xi32>
      %and3A_1181 = arith.andi %lt3A_1172, %lt3A_1180 : vector<16xi1>
      %add3A_1182 = arith.constant 1 : i32
      %add3A_1183 = vector.broadcast %add3A_1182 : i32 to vector<16xi32>
      %add3A_1184 = arith.addi %shift_right_logical3A_1176, %add3A_1183 : vector<16xi32>
      %select_n3A_1185 = arith.select %and3A_1181, %add3A_1184, %scan3A_1170 : vector<16xi1>, vector<16xi32>
      %not3A = arith.constant dense<true> : vector<16xi1>
      %not3A_1186 = arith.xori %lt3A_1180, %not3A : vector<16xi1>
      %and3A_1187 = arith.andi %lt3A_1172, %not3A_1186 : vector<16xi1>
      %select_n3A_1188 = arith.select %and3A_1187, %shift_right_logical3A_1176, %scan3A_1171 : vector<16xi1>, vector<16xi32>
      scf.yield %select_n3A_1185, %select_n3A_1188 : vector<16xi32>, vector<16xi32>
    }
    %scan3A_33 = arith.constant 13 : i32
    %sub3A_34 = vector.broadcast %sub3A : i32 to vector<16xi32>
    %sub3A_35 = arith.subi %scan3A_32#0, %sub3A_34 : vector<16xi32>
    %swap3A_36 = arith.constant 16 : index
    %swap3A_37 = tpu.vector_load %arg7[%swap3A_36] {strides = array<i32>} : memref<272xi32, #tpu.memory_space<vmem>>, vector<16xi32>,
    tpu.vector_store %arg7[%swap3A_36], %sub3A_35 {strides = array<i32>} : memref<272xi32, #tpu.memory_space<vmem>>, vector<16xi32>,
    %iota3A_38 = tpu.iota {dimensions = array<i32: 0>} : vector<16xi32>
    %add3A_39 = arith.constant 32 : i32
    %add3A_40 = vector.broadcast %add3A_39 : i32 to vector<16xi32>
    %add3A_41 = arith.addi %add3A_40, %iota3A_38 : vector<16xi32>
    %broadcast_in_dim3A_42 = vector.broadcast %sub3A : i32 to vector<16xi32>
    %add3A_43 = arith.addi %sub3A, %select_n3A : i32
    %broadcast_in_dim3A_44 = vector.broadcast %add3A_43 : i32 to vector<16xi32>
    %scan3A_45 = arith.constant 0 : i32
    %scan3A_46 = arith.constant 13 : i32
    %scan3A_47 = arith.addi %scan3A_45, %scan3A_46 : i32
    %scan3A_48 = arith.constant 1 : i32
    %scan3A_49:2 = scf.for %scan3A_1169 = %scan3A_45 to %scan3A_47 step %scan3A_48 iter_args(%scan3A_1170 = %broadcast_in_dim3A_42, %scan3A_1171 = %broadcast_in_dim3A_44) -> (vector<16xi32>, vector<16xi32>)  : i32 {
      %lt3A_1172 = arith.cmpi slt, %scan3A_1170, %scan3A_1171 : vector<16xi32>
      %add3A_1173 = arith.addi %scan3A_1170, %scan3A_1171 : vector<16xi32>
      %shift_right_logical3A_1174 = arith.constant 1 : i32
      %shift_right_logical3A_1175 = vector.broadcast %shift_right_logical3A_1174 : i32 to vector<16xi32>
      %shift_right_logical3A_1176 = arith.shrui %add3A_1173, %shift_right_logical3A_1175 : vector<16xi32>
      %min3A_1177 = arith.constant 6287 : i32
      %min3A_1178 = vector.broadcast %min3A_1177 : i32 to vector<16xi32>
      %min3A_1179 = arith.minsi %shift_right_logical3A_1176, %min3A_1178 : vector<16xi32>
      %gather3A = tpu.vector_load_idx %arg6[%min3A_1179] : memref<6288xi32, #tpu.memory_space<vmem>>[vector<16xi32>], vector<16xi32>,
      %lt3A_1180 = arith.cmpi slt, %gather3A, %add3A_41 : vector<16xi32>
      %and3A_1181 = arith.andi %lt3A_1172, %lt3A_1180 : vector<16xi1>
      %add3A_1182 = arith.constant 1 : i32
      %add3A_1183 = vector.broadcast %add3A_1182 : i32 to vector<16xi32>
      %add3A_1184 = arith.addi %shift_right_logical3A_1176, %add3A_1183 : vector<16xi32>
      %select_n3A_1185 = arith.select %and3A_1181, %add3A_1184, %scan3A_1170 : vector<16xi1>, vector<16xi32>
      %not3A = arith.constant dense<true> : vector<16xi1>
      %not3A_1186 = arith.xori %lt3A_1180, %not3A : vector<16xi1>
      %and3A_1187 = arith.andi %lt3A_1172, %not3A_1186 : vector<16xi1>
      %select_n3A_1188 = arith.select %and3A_1187, %shift_right_logical3A_1176, %scan3A_1171 : vector<16xi1>, vector<16xi32>
      scf.yield %select_n3A_1185, %select_n3A_1188 : vector<16xi32>, vector<16xi32>
    }
    %scan3A_50 = arith.constant 13 : i32
    %sub3A_51 = vector.broadcast %sub3A : i32 to vector<16xi32>
    %sub3A_52 = arith.subi %scan3A_49#0, %sub3A_51 : vector<16xi32>
    %swap3A_53 = arith.constant 32 : index
    %swap3A_54 = tpu.vector_load %arg7[%swap3A_53] {strides = array<i32>} : memref<272xi32, #tpu.memory_space<vmem>>, vector<16xi32>,
    tpu.vector_store %arg7[%swap3A_53], %sub3A_52 {strides = array<i32>} : memref<272xi32, #tpu.memory_space<vmem>>, vector<16xi32>,
    %iota3A_55 = tpu.iota {dimensions = array<i32: 0>} : vector<16xi32>
    %add3A_56 = arith.constant 48 : i32
    %add3A_57 = vector.broadcast %add3A_56 : i32 to vector<16xi32>
    %add3A_58 = arith.addi %add3A_57, %iota3A_55 : vector<16xi32>
    %broadcast_in_dim3A_59 = vector.broadcast %sub3A : i32 to vector<16xi32>
    %add3A_60 = arith.addi %sub3A, %select_n3A : i32
    %broadcast_in_dim3A_61 = vector.broadcast %add3A_60 : i32 to vector<16xi32>
    %scan3A_62 = arith.constant 0 : i32
    %scan3A_63 = arith.constant 13 : i32
    %scan3A_64 = arith.addi %scan3A_62, %scan3A_63 : i32
    %scan3A_65 = arith.constant 1 : i32
    %scan3A_66:2 = scf.for %scan3A_1169 = %scan3A_62 to %scan3A_64 step %scan3A_65 iter_args(%scan3A_1170 = %broadcast_in_dim3A_59, %scan3A_1171 = %broadcast_in_dim3A_61) -> (vector<16xi32>, vector<16xi32>)  : i32 {
      %lt3A_1172 = arith.cmpi slt, %scan3A_1170, %scan3A_1171 : vector<16xi32>
      %add3A_1173 = arith.addi %scan3A_1170, %scan3A_1171 : vector<16xi32>
      %shift_right_logical3A_1174 = arith.constant 1 : i32
      %shift_right_logical3A_1175 = vector.broadcast %shift_right_logical3A_1174 : i32 to vector<16xi32>
      %shift_right_logical3A_1176 = arith.shrui %add3A_1173, %shift_right_logical3A_1175 : vector<16xi32>
      %min3A_1177 = arith.constant 6287 : i32
      %min3A_1178 = vector.broadcast %min3A_1177 : i32 to vector<16xi32>
      %min3A_1179 = arith.minsi %shift_right_logical3A_1176, %min3A_1178 : vector<16xi32>
      %gather3A = tpu.vector_load_idx %arg6[%min3A_1179] : memref<6288xi32, #tpu.memory_space<vmem>>[vector<16xi32>], vector<16xi32>,
      %lt3A_1180 = arith.cmpi slt, %gather3A, %add3A_58 : vector<16xi32>
      %and3A_1181 = arith.andi %lt3A_1172, %lt3A_1180 : vector<16xi1>
      %add3A_1182 = arith.constant 1 : i32
      %add3A_1183 = vector.broadcast %add3A_1182 : i32 to vector<16xi32>
      %add3A_1184 = arith.addi %shift_right_logical3A_1176, %add3A_1183 : vector<16xi32>
      %select_n3A_1185 = arith.select %and3A_1181, %add3A_1184, %scan3A_1170 : vector<16xi1>, vector<16xi32>
      %not3A = arith.constant dense<true> : vector<16xi1>
      %not3A_1186 = arith.xori %lt3A_1180, %not3A : vector<16xi1>
      %and3A_1187 = arith.andi %lt3A_1172, %not3A_1186 : vector<16xi1>
      %select_n3A_1188 = arith.select %and3A_1187, %shift_right_logical3A_1176, %scan3A_1171 : vector<16xi1>, vector<16xi32>
      scf.yield %select_n3A_1185, %select_n3A_1188 : vector<16xi32>, vector<16xi32>
    }
    %scan3A_67 = arith.constant 13 : i32
    %sub3A_68 = vector.broadcast %sub3A : i32 to vector<16xi32>
    %sub3A_69 = arith.subi %scan3A_66#0, %sub3A_68 : vector<16xi32>
    %swap3A_70 = arith.constant 48 : index
    %swap3A_71 = tpu.vector_load %arg7[%swap3A_70] {strides = array<i32>} : memref<272xi32, #tpu.memory_space<vmem>>, vector<16xi32>,
    tpu.vector_store %arg7[%swap3A_70], %sub3A_69 {strides = array<i32>} : memref<272xi32, #tpu.memory_space<vmem>>, vector<16xi32>,
    %iota3A_72 = tpu.iota {dimensions = array<i32: 0>} : vector<16xi32>
    %add3A_73 = arith.constant 64 : i32
    %add3A_74 = vector.broadcast %add3A_73 : i32 to vector<16xi32>
    %add3A_75 = arith.addi %add3A_74, %iota3A_72 : vector<16xi32>
    %broadcast_in_dim3A_76 = vector.broadcast %sub3A : i32 to vector<16xi32>
    %add3A_77 = arith.addi %sub3A, %select_n3A : i32
    %broadcast_in_dim3A_78 = vector.broadcast %add3A_77 : i32 to vector<16xi32>
    %scan3A_79 = arith.constant 0 : i32
    %scan3A_80 = arith.constant 13 : i32
    %scan3A_81 = arith.addi %scan3A_79, %scan3A_80 : i32
    %scan3A_82 = arith.constant 1 : i32
    %scan3A_83:2 = scf.for %scan3A_1169 = %scan3A_79 to %scan3A_81 step %scan3A_82 iter_args(%scan3A_1170 = %broadcast_in_dim3A_76, %scan3A_1171 = %broadcast_in_dim3A_78) -> (vector<16xi32>, vector<16xi32>)  : i32 {
      %lt3A_1172 = arith.cmpi slt, %scan3A_1170, %scan3A_1171 : vector<16xi32>
      %add3A_1173 = arith.addi %scan3A_1170, %scan3A_1171 : vector<16xi32>
      %shift_right_logical3A_1174 = arith.constant 1 : i32
      %shift_right_logical3A_1175 = vector.broadcast %shift_right_logical3A_1174 : i32 to vector<16xi32>
      %shift_right_logical3A_1176 = arith.shrui %add3A_1173, %shift_right_logical3A_1175 : vector<16xi32>
      %min3A_1177 = arith.constant 6287 : i32
      %min3A_1178 = vector.broadcast %min3A_1177 : i32 to vector<16xi32>
      %min3A_1179 = arith.minsi %shift_right_logical3A_1176, %min3A_1178 : vector<16xi32>
      %gather3A = tpu.vector_load_idx %arg6[%min3A_1179] : memref<6288xi32, #tpu.memory_space<vmem>>[vector<16xi32>], vector<16xi32>,
      %lt3A_1180 = arith.cmpi slt, %gather3A, %add3A_75 : vector<16xi32>
      %and3A_1181 = arith.andi %lt3A_1172, %lt3A_1180 : vector<16xi1>
      %add3A_1182 = arith.constant 1 : i32
      %add3A_1183 = vector.broadcast %add3A_1182 : i32 to vector<16xi32>
      %add3A_1184 = arith.addi %shift_right_logical3A_1176, %add3A_1183 : vector<16xi32>
      %select_n3A_1185 = arith.select %and3A_1181, %add3A_1184, %scan3A_1170 : vector<16xi1>, vector<16xi32>
      %not3A = arith.constant dense<true> : vector<16xi1>
      %not3A_1186 = arith.xori %lt3A_1180, %not3A : vector<16xi1>
      %and3A_1187 = arith.andi %lt3A_1172, %not3A_1186 : vector<16xi1>
      %select_n3A_1188 = arith.select %and3A_1187, %shift_right_logical3A_1176, %scan3A_1171 : vector<16xi1>, vector<16xi32>
      scf.yield %select_n3A_1185, %select_n3A_1188 : vector<16xi32>, vector<16xi32>
    }
    %scan3A_84 = arith.constant 13 : i32
    %sub3A_85 = vector.broadcast %sub3A : i32 to vector<16xi32>
    %sub3A_86 = arith.subi %scan3A_83#0, %sub3A_85 : vector<16xi32>
    %swap3A_87 = arith.constant 64 : index
    %swap3A_88 = tpu.vector_load %arg7[%swap3A_87] {strides = array<i32>} : memref<272xi32, #tpu.memory_space<vmem>>, vector<16xi32>,
    tpu.vector_store %arg7[%swap3A_87], %sub3A_86 {strides = array<i32>} : memref<272xi32, #tpu.memory_space<vmem>>, vector<16xi32>,
    %iota3A_89 = tpu.iota {dimensions = array<i32: 0>} : vector<16xi32>
    %add3A_90 = arith.constant 80 : i32
    %add3A_91 = vector.broadcast %add3A_90 : i32 to vector<16xi32>
    %add3A_92 = arith.addi %add3A_91, %iota3A_89 : vector<16xi32>
    %broadcast_in_dim3A_93 = vector.broadcast %sub3A : i32 to vector<16xi32>
    %add3A_94 = arith.addi %sub3A, %select_n3A : i32
    %broadcast_in_dim3A_95 = vector.broadcast %add3A_94 : i32 to vector<16xi32>
    %scan3A_96 = arith.constant 0 : i32
    %scan3A_97 = arith.constant 13 : i32
    %scan3A_98 = arith.addi %scan3A_96, %scan3A_97 : i32
    %scan3A_99 = arith.constant 1 : i32
    %scan3A_100:2 = scf.for %scan3A_1169 = %scan3A_96 to %scan3A_98 step %scan3A_99 iter_args(%scan3A_1170 = %broadcast_in_dim3A_93, %scan3A_1171 = %broadcast_in_dim3A_95) -> (vector<16xi32>, vector<16xi32>)  : i32 {
      %lt3A_1172 = arith.cmpi slt, %scan3A_1170, %scan3A_1171 : vector<16xi32>
      %add3A_1173 = arith.addi %scan3A_1170, %scan3A_1171 : vector<16xi32>
      %shift_right_logical3A_1174 = arith.constant 1 : i32
      %shift_right_logical3A_1175 = vector.broadcast %shift_right_logical3A_1174 : i32 to vector<16xi32>
      %shift_right_logical3A_1176 = arith.shrui %add3A_1173, %shift_right_logical3A_1175 : vector<16xi32>
      %min3A_1177 = arith.constant 6287 : i32
      %min3A_1178 = vector.broadcast %min3A_1177 : i32 to vector<16xi32>
      %min3A_1179 = arith.minsi %shift_right_logical3A_1176, %min3A_1178 : vector<16xi32>
      %gather3A = tpu.vector_load_idx %arg6[%min3A_1179] : memref<6288xi32, #tpu.memory_space<vmem>>[vector<16xi32>], vector<16xi32>,
      %lt3A_1180 = arith.cmpi slt, %gather3A, %add3A_92 : vector<16xi32>
      %and3A_1181 = arith.andi %lt3A_1172, %lt3A_1180 : vector<16xi1>
      %add3A_1182 = arith.constant 1 : i32
      %add3A_1183 = vector.broadcast %add3A_1182 : i32 to vector<16xi32>
      %add3A_1184 = arith.addi %shift_right_logical3A_1176, %add3A_1183 : vector<16xi32>
      %select_n3A_1185 = arith.select %and3A_1181, %add3A_1184, %scan3A_1170 : vector<16xi1>, vector<16xi32>
      %not3A = arith.constant dense<true> : vector<16xi1>
      %not3A_1186 = arith.xori %lt3A_1180, %not3A : vector<16xi1>
      %and3A_1187 = arith.andi %lt3A_1172, %not3A_1186 : vector<16xi1>
      %select_n3A_1188 = arith.select %and3A_1187, %shift_right_logical3A_1176, %scan3A_1171 : vector<16xi1>, vector<16xi32>
      scf.yield %select_n3A_1185, %select_n3A_1188 : vector<16xi32>, vector<16xi32>
    }
    %scan3A_101 = arith.constant 13 : i32
    %sub3A_102 = vector.broadcast %sub3A : i32 to vector<16xi32>
    %sub3A_103 = arith.subi %scan3A_100#0, %sub3A_102 : vector<16xi32>
    %swap3A_104 = arith.constant 80 : index
    %swap3A_105 = tpu.vector_load %arg7[%swap3A_104] {strides = array<i32>} : memref<272xi32, #tpu.memory_space<vmem>>, vector<16xi32>,
    tpu.vector_store %arg7[%swap3A_104], %sub3A_103 {strides = array<i32>} : memref<272xi32, #tpu.memory_space<vmem>>, vector<16xi32>,
    %iota3A_106 = tpu.iota {dimensions = array<i32: 0>} : vector<16xi32>
    %add3A_107 = arith.constant 96 : i32
    %add3A_108 = vector.broadcast %add3A_107 : i32 to vector<16xi32>
    %add3A_109 = arith.addi %add3A_108, %iota3A_106 : vector<16xi32>
    %broadcast_in_dim3A_110 = vector.broadcast %sub3A : i32 to vector<16xi32>
    %add3A_111 = arith.addi %sub3A, %select_n3A : i32
    %broadcast_in_dim3A_112 = vector.broadcast %add3A_111 : i32 to vector<16xi32>
    %scan3A_113 = arith.constant 0 : i32
    %scan3A_114 = arith.constant 13 : i32
    %scan3A_115 = arith.addi %scan3A_113, %scan3A_114 : i32
    %scan3A_116 = arith.constant 1 : i32
    %scan3A_117:2 = scf.for %scan3A_1169 = %scan3A_113 to %scan3A_115 step %scan3A_116 iter_args(%scan3A_1170 = %broadcast_in_dim3A_110, %scan3A_1171 = %broadcast_in_dim3A_112) -> (vector<16xi32>, vector<16xi32>)  : i32 {
      %lt3A_1172 = arith.cmpi slt, %scan3A_1170, %scan3A_1171 : vector<16xi32>
      %add3A_1173 = arith.addi %scan3A_1170, %scan3A_1171 : vector<16xi32>
      %shift_right_logical3A_1174 = arith.constant 1 : i32
      %shift_right_logical3A_1175 = vector.broadcast %shift_right_logical3A_1174 : i32 to vector<16xi32>
      %shift_right_logical3A_1176 = arith.shrui %add3A_1173, %shift_right_logical3A_1175 : vector<16xi32>
      %min3A_1177 = arith.constant 6287 : i32
      %min3A_1178 = vector.broadcast %min3A_1177 : i32 to vector<16xi32>
      %min3A_1179 = arith.minsi %shift_right_logical3A_1176, %min3A_1178 : vector<16xi32>
      %gather3A = tpu.vector_load_idx %arg6[%min3A_1179] : memref<6288xi32, #tpu.memory_space<vmem>>[vector<16xi32>], vector<16xi32>,
      %lt3A_1180 = arith.cmpi slt, %gather3A, %add3A_109 : vector<16xi32>
      %and3A_1181 = arith.andi %lt3A_1172, %lt3A_1180 : vector<16xi1>
      %add3A_1182 = arith.constant 1 : i32
      %add3A_1183 = vector.broadcast %add3A_1182 : i32 to vector<16xi32>
      %add3A_1184 = arith.addi %shift_right_logical3A_1176, %add3A_1183 : vector<16xi32>
      %select_n3A_1185 = arith.select %and3A_1181, %add3A_1184, %scan3A_1170 : vector<16xi1>, vector<16xi32>
      %not3A = arith.constant dense<true> : vector<16xi1>
      %not3A_1186 = arith.xori %lt3A_1180, %not3A : vector<16xi1>
      %and3A_1187 = arith.andi %lt3A_1172, %not3A_1186 : vector<16xi1>
      %select_n3A_1188 = arith.select %and3A_1187, %shift_right_logical3A_1176, %scan3A_1171 : vector<16xi1>, vector<16xi32>
      scf.yield %select_n3A_1185, %select_n3A_1188 : vector<16xi32>, vector<16xi32>
    }
    %scan3A_118 = arith.constant 13 : i32
    %sub3A_119 = vector.broadcast %sub3A : i32 to vector<16xi32>
    %sub3A_120 = arith.subi %scan3A_117#0, %sub3A_119 : vector<16xi32>
    %swap3A_121 = arith.constant 96 : index
    %swap3A_122 = tpu.vector_load %arg7[%swap3A_121] {strides = array<i32>} : memref<272xi32, #tpu.memory_space<vmem>>, vector<16xi32>,
    tpu.vector_store %arg7[%swap3A_121], %sub3A_120 {strides = array<i32>} : memref<272xi32, #tpu.memory_space<vmem>>, vector<16xi32>,
    %iota3A_123 = tpu.iota {dimensions = array<i32: 0>} : vector<16xi32>
    %add3A_124 = arith.constant 112 : i32
    %add3A_125 = vector.broadcast %add3A_124 : i32 to vector<16xi32>
    %add3A_126 = arith.addi %add3A_125, %iota3A_123 : vector<16xi32>
    %broadcast_in_dim3A_127 = vector.broadcast %sub3A : i32 to vector<16xi32>
    %add3A_128 = arith.addi %sub3A, %select_n3A : i32
    %broadcast_in_dim3A_129 = vector.broadcast %add3A_128 : i32 to vector<16xi32>
    %scan3A_130 = arith.constant 0 : i32
    %scan3A_131 = arith.constant 13 : i32
    %scan3A_132 = arith.addi %scan3A_130, %scan3A_131 : i32
    %scan3A_133 = arith.constant 1 : i32
    %scan3A_134:2 = scf.for %scan3A_1169 = %scan3A_130 to %scan3A_132 step %scan3A_133 iter_args(%scan3A_1170 = %broadcast_in_dim3A_127, %scan3A_1171 = %broadcast_in_dim3A_129) -> (vector<16xi32>, vector<16xi32>)  : i32 {
      %lt3A_1172 = arith.cmpi slt, %scan3A_1170, %scan3A_1171 : vector<16xi32>
      %add3A_1173 = arith.addi %scan3A_1170, %scan3A_1171 : vector<16xi32>
      %shift_right_logical3A_1174 = arith.constant 1 : i32
      %shift_right_logical3A_1175 = vector.broadcast %shift_right_logical3A_1174 : i32 to vector<16xi32>
      %shift_right_logical3A_1176 = arith.shrui %add3A_1173, %shift_right_logical3A_1175 : vector<16xi32>
      %min3A_1177 = arith.constant 6287 : i32
      %min3A_1178 = vector.broadcast %min3A_1177 : i32 to vector<16xi32>
      %min3A_1179 = arith.minsi %shift_right_logical3A_1176, %min3A_1178 : vector<16xi32>
      %gather3A = tpu.vector_load_idx %arg6[%min3A_1179] : memref<6288xi32, #tpu.memory_space<vmem>>[vector<16xi32>], vector<16xi32>,
      %lt3A_1180 = arith.cmpi slt, %gather3A, %add3A_126 : vector<16xi32>
      %and3A_1181 = arith.andi %lt3A_1172, %lt3A_1180 : vector<16xi1>
      %add3A_1182 = arith.constant 1 : i32
      %add3A_1183 = vector.broadcast %add3A_1182 : i32 to vector<16xi32>
      %add3A_1184 = arith.addi %shift_right_logical3A_1176, %add3A_1183 : vector<16xi32>
      %select_n3A_1185 = arith.select %and3A_1181, %add3A_1184, %scan3A_1170 : vector<16xi1>, vector<16xi32>
      %not3A = arith.constant dense<true> : vector<16xi1>
      %not3A_1186 = arith.xori %lt3A_1180, %not3A : vector<16xi1>
      %and3A_1187 = arith.andi %lt3A_1172, %not3A_1186 : vector<16xi1>
      %select_n3A_1188 = arith.select %and3A_1187, %shift_right_logical3A_1176, %scan3A_1171 : vector<16xi1>, vector<16xi32>
      scf.yield %select_n3A_1185, %select_n3A_1188 : vector<16xi32>, vector<16xi32>
    }
    %scan3A_135 = arith.constant 13 : i32
    %sub3A_136 = vector.broadcast %sub3A : i32 to vector<16xi32>
    %sub3A_137 = arith.subi %scan3A_134#0, %sub3A_136 : vector<16xi32>
    %swap3A_138 = arith.constant 112 : index
    %swap3A_139 = tpu.vector_load %arg7[%swap3A_138] {strides = array<i32>} : memref<272xi32, #tpu.memory_space<vmem>>, vector<16xi32>,
    tpu.vector_store %arg7[%swap3A_138], %sub3A_137 {strides = array<i32>} : memref<272xi32, #tpu.memory_space<vmem>>, vector<16xi32>,
    %iota3A_140 = tpu.iota {dimensions = array<i32: 0>} : vector<16xi32>
    %add3A_141 = arith.constant 128 : i32
    %add3A_142 = vector.broadcast %add3A_141 : i32 to vector<16xi32>
    %add3A_143 = arith.addi %add3A_142, %iota3A_140 : vector<16xi32>
    %broadcast_in_dim3A_144 = vector.broadcast %sub3A : i32 to vector<16xi32>
    %add3A_145 = arith.addi %sub3A, %select_n3A : i32
    %broadcast_in_dim3A_146 = vector.broadcast %add3A_145 : i32 to vector<16xi32>
    %scan3A_147 = arith.constant 0 : i32
    %scan3A_148 = arith.constant 13 : i32
    %scan3A_149 = arith.addi %scan3A_147, %scan3A_148 : i32
    %scan3A_150 = arith.constant 1 : i32
    %scan3A_151:2 = scf.for %scan3A_1169 = %scan3A_147 to %scan3A_149 step %scan3A_150 iter_args(%scan3A_1170 = %broadcast_in_dim3A_144, %scan3A_1171 = %broadcast_in_dim3A_146) -> (vector<16xi32>, vector<16xi32>)  : i32 {
      %lt3A_1172 = arith.cmpi slt, %scan3A_1170, %scan3A_1171 : vector<16xi32>
      %add3A_1173 = arith.addi %scan3A_1170, %scan3A_1171 : vector<16xi32>
      %shift_right_logical3A_1174 = arith.constant 1 : i32
      %shift_right_logical3A_1175 = vector.broadcast %shift_right_logical3A_1174 : i32 to vector<16xi32>
      %shift_right_logical3A_1176 = arith.shrui %add3A_1173, %shift_right_logical3A_1175 : vector<16xi32>
      %min3A_1177 = arith.constant 6287 : i32
      %min3A_1178 = vector.broadcast %min3A_1177 : i32 to vector<16xi32>
      %min3A_1179 = arith.minsi %shift_right_logical3A_1176, %min3A_1178 : vector<16xi32>
      %gather3A = tpu.vector_load_idx %arg6[%min3A_1179] : memref<6288xi32, #tpu.memory_space<vmem>>[vector<16xi32>], vector<16xi32>,
      %lt3A_1180 = arith.cmpi slt, %gather3A, %add3A_143 : vector<16xi32>
      %and3A_1181 = arith.andi %lt3A_1172, %lt3A_1180 : vector<16xi1>
      %add3A_1182 = arith.constant 1 : i32
      %add3A_1183 = vector.broadcast %add3A_1182 : i32 to vector<16xi32>
      %add3A_1184 = arith.addi %shift_right_logical3A_1176, %add3A_1183 : vector<16xi32>
      %select_n3A_1185 = arith.select %and3A_1181, %add3A_1184, %scan3A_1170 : vector<16xi1>, vector<16xi32>
      %not3A = arith.constant dense<true> : vector<16xi1>
      %not3A_1186 = arith.xori %lt3A_1180, %not3A : vector<16xi1>
      %and3A_1187 = arith.andi %lt3A_1172, %not3A_1186 : vector<16xi1>
      %select_n3A_1188 = arith.select %and3A_1187, %shift_right_logical3A_1176, %scan3A_1171 : vector<16xi1>, vector<16xi32>
      scf.yield %select_n3A_1185, %select_n3A_1188 : vector<16xi32>, vector<16xi32>
    }
    %scan3A_152 = arith.constant 13 : i32
    %sub3A_153 = vector.broadcast %sub3A : i32 to vector<16xi32>
    %sub3A_154 = arith.subi %scan3A_151#0, %sub3A_153 : vector<16xi32>
    %swap3A_155 = arith.constant 128 : index
    %swap3A_156 = tpu.vector_load %arg7[%swap3A_155] {strides = array<i32>} : memref<272xi32, #tpu.memory_space<vmem>>, vector<16xi32>,
    tpu.vector_store %arg7[%swap3A_155], %sub3A_154 {strides = array<i32>} : memref<272xi32, #tpu.memory_space<vmem>>, vector<16xi32>,
    %iota3A_157 = tpu.iota {dimensions = array<i32: 0>} : vector<16xi32>
    %add3A_158 = arith.constant 144 : i32
    %add3A_159 = vector.broadcast %add3A_158 : i32 to vector<16xi32>
    %add3A_160 = arith.addi %add3A_159, %iota3A_157 : vector<16xi32>
    %broadcast_in_dim3A_161 = vector.broadcast %sub3A : i32 to vector<16xi32>
    %add3A_162 = arith.addi %sub3A, %select_n3A : i32
    %broadcast_in_dim3A_163 = vector.broadcast %add3A_162 : i32 to vector<16xi32>
    %scan3A_164 = arith.constant 0 : i32
    %scan3A_165 = arith.constant 13 : i32
    %scan3A_166 = arith.addi %scan3A_164, %scan3A_165 : i32
    %scan3A_167 = arith.constant 1 : i32
    %scan3A_168:2 = scf.for %scan3A_1169 = %scan3A_164 to %scan3A_166 step %scan3A_167 iter_args(%scan3A_1170 = %broadcast_in_dim3A_161, %scan3A_1171 = %broadcast_in_dim3A_163) -> (vector<16xi32>, vector<16xi32>)  : i32 {
      %lt3A_1172 = arith.cmpi slt, %scan3A_1170, %scan3A_1171 : vector<16xi32>
      %add3A_1173 = arith.addi %scan3A_1170, %scan3A_1171 : vector<16xi32>
      %shift_right_logical3A_1174 = arith.constant 1 : i32
      %shift_right_logical3A_1175 = vector.broadcast %shift_right_logical3A_1174 : i32 to vector<16xi32>
      %shift_right_logical3A_1176 = arith.shrui %add3A_1173, %shift_right_logical3A_1175 : vector<16xi32>
      %min3A_1177 = arith.constant 6287 : i32
      %min3A_1178 = vector.broadcast %min3A_1177 : i32 to vector<16xi32>
      %min3A_1179 = arith.minsi %shift_right_logical3A_1176, %min3A_1178 : vector<16xi32>
      %gather3A = tpu.vector_load_idx %arg6[%min3A_1179] : memref<6288xi32, #tpu.memory_space<vmem>>[vector<16xi32>], vector<16xi32>,
      %lt3A_1180 = arith.cmpi slt, %gather3A, %add3A_160 : vector<16xi32>
      %and3A_1181 = arith.andi %lt3A_1172, %lt3A_1180 : vector<16xi1>
      %add3A_1182 = arith.constant 1 : i32
      %add3A_1183 = vector.broadcast %add3A_1182 : i32 to vector<16xi32>
      %add3A_1184 = arith.addi %shift_right_logical3A_1176, %add3A_1183 : vector<16xi32>
      %select_n3A_1185 = arith.select %and3A_1181, %add3A_1184, %scan3A_1170 : vector<16xi1>, vector<16xi32>
      %not3A = arith.constant dense<true> : vector<16xi1>
      %not3A_1186 = arith.xori %lt3A_1180, %not3A : vector<16xi1>
      %and3A_1187 = arith.andi %lt3A_1172, %not3A_1186 : vector<16xi1>
      %select_n3A_1188 = arith.select %and3A_1187, %shift_right_logical3A_1176, %scan3A_1171 : vector<16xi1>, vector<16xi32>
      scf.yield %select_n3A_1185, %select_n3A_1188 : vector<16xi32>, vector<16xi32>
    }
    %scan3A_169 = arith.constant 13 : i32
    %sub3A_170 = vector.broadcast %sub3A : i32 to vector<16xi32>
    %sub3A_171 = arith.subi %scan3A_168#0, %sub3A_170 : vector<16xi32>
    %swap3A_172 = arith.constant 144 : index
    %swap3A_173 = tpu.vector_load %arg7[%swap3A_172] {strides = array<i32>} : memref<272xi32, #tpu.memory_space<vmem>>, vector<16xi32>,
    tpu.vector_store %arg7[%swap3A_172], %sub3A_171 {strides = array<i32>} : memref<272xi32, #tpu.memory_space<vmem>>, vector<16xi32>,
    %iota3A_174 = tpu.iota {dimensions = array<i32: 0>} : vector<16xi32>
    %add3A_175 = arith.constant 160 : i32
    %add3A_176 = vector.broadcast %add3A_175 : i32 to vector<16xi32>
    %add3A_177 = arith.addi %add3A_176, %iota3A_174 : vector<16xi32>
    %broadcast_in_dim3A_178 = vector.broadcast %sub3A : i32 to vector<16xi32>
    %add3A_179 = arith.addi %sub3A, %select_n3A : i32
    %broadcast_in_dim3A_180 = vector.broadcast %add3A_179 : i32 to vector<16xi32>
    %scan3A_181 = arith.constant 0 : i32
    %scan3A_182 = arith.constant 13 : i32
    %scan3A_183 = arith.addi %scan3A_181, %scan3A_182 : i32
    %scan3A_184 = arith.constant 1 : i32
    %scan3A_185:2 = scf.for %scan3A_1169 = %scan3A_181 to %scan3A_183 step %scan3A_184 iter_args(%scan3A_1170 = %broadcast_in_dim3A_178, %scan3A_1171 = %broadcast_in_dim3A_180) -> (vector<16xi32>, vector<16xi32>)  : i32 {
      %lt3A_1172 = arith.cmpi slt, %scan3A_1170, %scan3A_1171 : vector<16xi32>
      %add3A_1173 = arith.addi %scan3A_1170, %scan3A_1171 : vector<16xi32>
      %shift_right_logical3A_1174 = arith.constant 1 : i32
      %shift_right_logical3A_1175 = vector.broadcast %shift_right_logical3A_1174 : i32 to vector<16xi32>
      %shift_right_logical3A_1176 = arith.shrui %add3A_1173, %shift_right_logical3A_1175 : vector<16xi32>
      %min3A_1177 = arith.constant 6287 : i32
      %min3A_1178 = vector.broadcast %min3A_1177 : i32 to vector<16xi32>
      %min3A_1179 = arith.minsi %shift_right_logical3A_1176, %min3A_1178 : vector<16xi32>
      %gather3A = tpu.vector_load_idx %arg6[%min3A_1179] : memref<6288xi32, #tpu.memory_space<vmem>>[vector<16xi32>], vector<16xi32>,
      %lt3A_1180 = arith.cmpi slt, %gather3A, %add3A_177 : vector<16xi32>
      %and3A_1181 = arith.andi %lt3A_1172, %lt3A_1180 : vector<16xi1>
      %add3A_1182 = arith.constant 1 : i32
      %add3A_1183 = vector.broadcast %add3A_1182 : i32 to vector<16xi32>
      %add3A_1184 = arith.addi %shift_right_logical3A_1176, %add3A_1183 : vector<16xi32>
      %select_n3A_1185 = arith.select %and3A_1181, %add3A_1184, %scan3A_1170 : vector<16xi1>, vector<16xi32>
      %not3A = arith.constant dense<true> : vector<16xi1>
      %not3A_1186 = arith.xori %lt3A_1180, %not3A : vector<16xi1>
      %and3A_1187 = arith.andi %lt3A_1172, %not3A_1186 : vector<16xi1>
      %select_n3A_1188 = arith.select %and3A_1187, %shift_right_logical3A_1176, %scan3A_1171 : vector<16xi1>, vector<16xi32>
      scf.yield %select_n3A_1185, %select_n3A_1188 : vector<16xi32>, vector<16xi32>
    }
    %scan3A_186 = arith.constant 13 : i32
    %sub3A_187 = vector.broadcast %sub3A : i32 to vector<16xi32>
    %sub3A_188 = arith.subi %scan3A_185#0, %sub3A_187 : vector<16xi32>
    %swap3A_189 = arith.constant 160 : index
    %swap3A_190 = tpu.vector_load %arg7[%swap3A_189] {strides = array<i32>} : memref<272xi32, #tpu.memory_space<vmem>>, vector<16xi32>,
    tpu.vector_store %arg7[%swap3A_189], %sub3A_188 {strides = array<i32>} : memref<272xi32, #tpu.memory_space<vmem>>, vector<16xi32>,
    %iota3A_191 = tpu.iota {dimensions = array<i32: 0>} : vector<16xi32>
    %add3A_192 = arith.constant 176 : i32
    %add3A_193 = vector.broadcast %add3A_192 : i32 to vector<16xi32>
    %add3A_194 = arith.addi %add3A_193, %iota3A_191 : vector<16xi32>
    %broadcast_in_dim3A_195 = vector.broadcast %sub3A : i32 to vector<16xi32>
    %add3A_196 = arith.addi %sub3A, %select_n3A : i32
    %broadcast_in_dim3A_197 = vector.broadcast %add3A_196 : i32 to vector<16xi32>
    %scan3A_198 = arith.constant 0 : i32
    %scan3A_199 = arith.constant 13 : i32
    %scan3A_200 = arith.addi %scan3A_198, %scan3A_199 : i32
    %scan3A_201 = arith.constant 1 : i32
    %scan3A_202:2 = scf.for %scan3A_1169 = %scan3A_198 to %scan3A_200 step %scan3A_201 iter_args(%scan3A_1170 = %broadcast_in_dim3A_195, %scan3A_1171 = %broadcast_in_dim3A_197) -> (vector<16xi32>, vector<16xi32>)  : i32 {
      %lt3A_1172 = arith.cmpi slt, %scan3A_1170, %scan3A_1171 : vector<16xi32>
      %add3A_1173 = arith.addi %scan3A_1170, %scan3A_1171 : vector<16xi32>
      %shift_right_logical3A_1174 = arith.constant 1 : i32
      %shift_right_logical3A_1175 = vector.broadcast %shift_right_logical3A_1174 : i32 to vector<16xi32>
      %shift_right_logical3A_1176 = arith.shrui %add3A_1173, %shift_right_logical3A_1175 : vector<16xi32>
      %min3A_1177 = arith.constant 6287 : i32
      %min3A_1178 = vector.broadcast %min3A_1177 : i32 to vector<16xi32>
      %min3A_1179 = arith.minsi %shift_right_logical3A_1176, %min3A_1178 : vector<16xi32>
      %gather3A = tpu.vector_load_idx %arg6[%min3A_1179] : memref<6288xi32, #tpu.memory_space<vmem>>[vector<16xi32>], vector<16xi32>,
      %lt3A_1180 = arith.cmpi slt, %gather3A, %add3A_194 : vector<16xi32>
      %and3A_1181 = arith.andi %lt3A_1172, %lt3A_1180 : vector<16xi1>
      %add3A_1182 = arith.constant 1 : i32
      %add3A_1183 = vector.broadcast %add3A_1182 : i32 to vector<16xi32>
      %add3A_1184 = arith.addi %shift_right_logical3A_1176, %add3A_1183 : vector<16xi32>
      %select_n3A_1185 = arith.select %and3A_1181, %add3A_1184, %scan3A_1170 : vector<16xi1>, vector<16xi32>
      %not3A = arith.constant dense<true> : vector<16xi1>
      %not3A_1186 = arith.xori %lt3A_1180, %not3A : vector<16xi1>
      %and3A_1187 = arith.andi %lt3A_1172, %not3A_1186 : vector<16xi1>
      %select_n3A_1188 = arith.select %and3A_1187, %shift_right_logical3A_1176, %scan3A_1171 : vector<16xi1>, vector<16xi32>
      scf.yield %select_n3A_1185, %select_n3A_1188 : vector<16xi32>, vector<16xi32>
    }
    %scan3A_203 = arith.constant 13 : i32
    %sub3A_204 = vector.broadcast %sub3A : i32 to vector<16xi32>
    %sub3A_205 = arith.subi %scan3A_202#0, %sub3A_204 : vector<16xi32>
    %swap3A_206 = arith.constant 176 : index
    %swap3A_207 = tpu.vector_load %arg7[%swap3A_206] {strides = array<i32>} : memref<272xi32, #tpu.memory_space<vmem>>, vector<16xi32>,
    tpu.vector_store %arg7[%swap3A_206], %sub3A_205 {strides = array<i32>} : memref<272xi32, #tpu.memory_space<vmem>>, vector<16xi32>,
    %iota3A_208 = tpu.iota {dimensions = array<i32: 0>} : vector<16xi32>
    %add3A_209 = arith.constant 192 : i32
    %add3A_210 = vector.broadcast %add3A_209 : i32 to vector<16xi32>
    %add3A_211 = arith.addi %add3A_210, %iota3A_208 : vector<16xi32>
    %broadcast_in_dim3A_212 = vector.broadcast %sub3A : i32 to vector<16xi32>
    %add3A_213 = arith.addi %sub3A, %select_n3A : i32
    %broadcast_in_dim3A_214 = vector.broadcast %add3A_213 : i32 to vector<16xi32>
    %scan3A_215 = arith.constant 0 : i32
    %scan3A_216 = arith.constant 13 : i32
    %scan3A_217 = arith.addi %scan3A_215, %scan3A_216 : i32
    %scan3A_218 = arith.constant 1 : i32
    %scan3A_219:2 = scf.for %scan3A_1169 = %scan3A_215 to %scan3A_217 step %scan3A_218 iter_args(%scan3A_1170 = %broadcast_in_dim3A_212, %scan3A_1171 = %broadcast_in_dim3A_214) -> (vector<16xi32>, vector<16xi32>)  : i32 {
      %lt3A_1172 = arith.cmpi slt, %scan3A_1170, %scan3A_1171 : vector<16xi32>
      %add3A_1173 = arith.addi %scan3A_1170, %scan3A_1171 : vector<16xi32>
      %shift_right_logical3A_1174 = arith.constant 1 : i32
      %shift_right_logical3A_1175 = vector.broadcast %shift_right_logical3A_1174 : i32 to vector<16xi32>
      %shift_right_logical3A_1176 = arith.shrui %add3A_1173, %shift_right_logical3A_1175 : vector<16xi32>
      %min3A_1177 = arith.constant 6287 : i32
      %min3A_1178 = vector.broadcast %min3A_1177 : i32 to vector<16xi32>
      %min3A_1179 = arith.minsi %shift_right_logical3A_1176, %min3A_1178 : vector<16xi32>
      %gather3A = tpu.vector_load_idx %arg6[%min3A_1179] : memref<6288xi32, #tpu.memory_space<vmem>>[vector<16xi32>], vector<16xi32>,
      %lt3A_1180 = arith.cmpi slt, %gather3A, %add3A_211 : vector<16xi32>
      %and3A_1181 = arith.andi %lt3A_1172, %lt3A_1180 : vector<16xi1>
      %add3A_1182 = arith.constant 1 : i32
      %add3A_1183 = vector.broadcast %add3A_1182 : i32 to vector<16xi32>
      %add3A_1184 = arith.addi %shift_right_logical3A_1176, %add3A_1183 : vector<16xi32>
      %select_n3A_1185 = arith.select %and3A_1181, %add3A_1184, %scan3A_1170 : vector<16xi1>, vector<16xi32>
      %not3A = arith.constant dense<true> : vector<16xi1>
      %not3A_1186 = arith.xori %lt3A_1180, %not3A : vector<16xi1>
      %and3A_1187 = arith.andi %lt3A_1172, %not3A_1186 : vector<16xi1>
      %select_n3A_1188 = arith.select %and3A_1187, %shift_right_logical3A_1176, %scan3A_1171 : vector<16xi1>, vector<16xi32>
      scf.yield %select_n3A_1185, %select_n3A_1188 : vector<16xi32>, vector<16xi32>
    }
    %scan3A_220 = arith.constant 13 : i32
    %sub3A_221 = vector.broadcast %sub3A : i32 to vector<16xi32>
    %sub3A_222 = arith.subi %scan3A_219#0, %sub3A_221 : vector<16xi32>
    %swap3A_223 = arith.constant 192 : index
    %swap3A_224 = tpu.vector_load %arg7[%swap3A_223] {strides = array<i32>} : memref<272xi32, #tpu.memory_space<vmem>>, vector<16xi32>,
    tpu.vector_store %arg7[%swap3A_223], %sub3A_222 {strides = array<i32>} : memref<272xi32, #tpu.memory_space<vmem>>, vector<16xi32>,
    %iota3A_225 = tpu.iota {dimensions = array<i32: 0>} : vector<16xi32>
    %add3A_226 = arith.constant 208 : i32
    %add3A_227 = vector.broadcast %add3A_226 : i32 to vector<16xi32>
    %add3A_228 = arith.addi %add3A_227, %iota3A_225 : vector<16xi32>
    %broadcast_in_dim3A_229 = vector.broadcast %sub3A : i32 to vector<16xi32>
    %add3A_230 = arith.addi %sub3A, %select_n3A : i32
    %broadcast_in_dim3A_231 = vector.broadcast %add3A_230 : i32 to vector<16xi32>
    %scan3A_232 = arith.constant 0 : i32
    %scan3A_233 = arith.constant 13 : i32
    %scan3A_234 = arith.addi %scan3A_232, %scan3A_233 : i32
    %scan3A_235 = arith.constant 1 : i32
    %scan3A_236:2 = scf.for %scan3A_1169 = %scan3A_232 to %scan3A_234 step %scan3A_235 iter_args(%scan3A_1170 = %broadcast_in_dim3A_229, %scan3A_1171 = %broadcast_in_dim3A_231) -> (vector<16xi32>, vector<16xi32>)  : i32 {
      %lt3A_1172 = arith.cmpi slt, %scan3A_1170, %scan3A_1171 : vector<16xi32>
      %add3A_1173 = arith.addi %scan3A_1170, %scan3A_1171 : vector<16xi32>
      %shift_right_logical3A_1174 = arith.constant 1 : i32
      %shift_right_logical3A_1175 = vector.broadcast %shift_right_logical3A_1174 : i32 to vector<16xi32>
      %shift_right_logical3A_1176 = arith.shrui %add3A_1173, %shift_right_logical3A_1175 : vector<16xi32>
      %min3A_1177 = arith.constant 6287 : i32
      %min3A_1178 = vector.broadcast %min3A_1177 : i32 to vector<16xi32>
      %min3A_1179 = arith.minsi %shift_right_logical3A_1176, %min3A_1178 : vector<16xi32>
      %gather3A = tpu.vector_load_idx %arg6[%min3A_1179] : memref<6288xi32, #tpu.memory_space<vmem>>[vector<16xi32>], vector<16xi32>,
      %lt3A_1180 = arith.cmpi slt, %gather3A, %add3A_228 : vector<16xi32>
      %and3A_1181 = arith.andi %lt3A_1172, %lt3A_1180 : vector<16xi1>
      %add3A_1182 = arith.constant 1 : i32
      %add3A_1183 = vector.broadcast %add3A_1182 : i32 to vector<16xi32>
      %add3A_1184 = arith.addi %shift_right_logical3A_1176, %add3A_1183 : vector<16xi32>
      %select_n3A_1185 = arith.select %and3A_1181, %add3A_1184, %scan3A_1170 : vector<16xi1>, vector<16xi32>
      %not3A = arith.constant dense<true> : vector<16xi1>
      %not3A_1186 = arith.xori %lt3A_1180, %not3A : vector<16xi1>
      %and3A_1187 = arith.andi %lt3A_1172, %not3A_1186 : vector<16xi1>
      %select_n3A_1188 = arith.select %and3A_1187, %shift_right_logical3A_1176, %scan3A_1171 : vector<16xi1>, vector<16xi32>
      scf.yield %select_n3A_1185, %select_n3A_1188 : vector<16xi32>, vector<16xi32>
    }
    %scan3A_237 = arith.constant 13 : i32
    %sub3A_238 = vector.broadcast %sub3A : i32 to vector<16xi32>
    %sub3A_239 = arith.subi %scan3A_236#0, %sub3A_238 : vector<16xi32>
    %swap3A_240 = arith.constant 208 : index
    %swap3A_241 = tpu.vector_load %arg7[%swap3A_240] {strides = array<i32>} : memref<272xi32, #tpu.memory_space<vmem>>, vector<16xi32>,
    tpu.vector_store %arg7[%swap3A_240], %sub3A_239 {strides = array<i32>} : memref<272xi32, #tpu.memory_space<vmem>>, vector<16xi32>,
    %iota3A_242 = tpu.iota {dimensions = array<i32: 0>} : vector<16xi32>
    %add3A_243 = arith.constant 224 : i32
    %add3A_244 = vector.broadcast %add3A_243 : i32 to vector<16xi32>
    %add3A_245 = arith.addi %add3A_244, %iota3A_242 : vector<16xi32>
    %broadcast_in_dim3A_246 = vector.broadcast %sub3A : i32 to vector<16xi32>
    %add3A_247 = arith.addi %sub3A, %select_n3A : i32
    %broadcast_in_dim3A_248 = vector.broadcast %add3A_247 : i32 to vector<16xi32>
    %scan3A_249 = arith.constant 0 : i32
    %scan3A_250 = arith.constant 13 : i32
    %scan3A_251 = arith.addi %scan3A_249, %scan3A_250 : i32
    %scan3A_252 = arith.constant 1 : i32
    %scan3A_253:2 = scf.for %scan3A_1169 = %scan3A_249 to %scan3A_251 step %scan3A_252 iter_args(%scan3A_1170 = %broadcast_in_dim3A_246, %scan3A_1171 = %broadcast_in_dim3A_248) -> (vector<16xi32>, vector<16xi32>)  : i32 {
      %lt3A_1172 = arith.cmpi slt, %scan3A_1170, %scan3A_1171 : vector<16xi32>
      %add3A_1173 = arith.addi %scan3A_1170, %scan3A_1171 : vector<16xi32>
      %shift_right_logical3A_1174 = arith.constant 1 : i32
      %shift_right_logical3A_1175 = vector.broadcast %shift_right_logical3A_1174 : i32 to vector<16xi32>
      %shift_right_logical3A_1176 = arith.shrui %add3A_1173, %shift_right_logical3A_1175 : vector<16xi32>
      %min3A_1177 = arith.constant 6287 : i32
      %min3A_1178 = vector.broadcast %min3A_1177 : i32 to vector<16xi32>
      %min3A_1179 = arith.minsi %shift_right_logical3A_1176, %min3A_1178 : vector<16xi32>
      %gather3A = tpu.vector_load_idx %arg6[%min3A_1179] : memref<6288xi32, #tpu.memory_space<vmem>>[vector<16xi32>], vector<16xi32>,
      %lt3A_1180 = arith.cmpi slt, %gather3A, %add3A_245 : vector<16xi32>
      %and3A_1181 = arith.andi %lt3A_1172, %lt3A_1180 : vector<16xi1>
      %add3A_1182 = arith.constant 1 : i32
      %add3A_1183 = vector.broadcast %add3A_1182 : i32 to vector<16xi32>
      %add3A_1184 = arith.addi %shift_right_logical3A_1176, %add3A_1183 : vector<16xi32>
      %select_n3A_1185 = arith.select %and3A_1181, %add3A_1184, %scan3A_1170 : vector<16xi1>, vector<16xi32>
      %not3A = arith.constant dense<true> : vector<16xi1>
      %not3A_1186 = arith.xori %lt3A_1180, %not3A : vector<16xi1>
      %and3A_1187 = arith.andi %lt3A_1172, %not3A_1186 : vector<16xi1>
      %select_n3A_1188 = arith.select %and3A_1187, %shift_right_logical3A_1176, %scan3A_1171 : vector<16xi1>, vector<16xi32>
      scf.yield %select_n3A_1185, %select_n3A_1188 : vector<16xi32>, vector<16xi32>
    }
    %scan3A_254 = arith.constant 13 : i32
    %sub3A_255 = vector.broadcast %sub3A : i32 to vector<16xi32>
    %sub3A_256 = arith.subi %scan3A_253#0, %sub3A_255 : vector<16xi32>
    %swap3A_257 = arith.constant 224 : index
    %swap3A_258 = tpu.vector_load %arg7[%swap3A_257] {strides = array<i32>} : memref<272xi32, #tpu.memory_space<vmem>>, vector<16xi32>,
    tpu.vector_store %arg7[%swap3A_257], %sub3A_256 {strides = array<i32>} : memref<272xi32, #tpu.memory_space<vmem>>, vector<16xi32>,
    %iota3A_259 = tpu.iota {dimensions = array<i32: 0>} : vector<16xi32>
    %add3A_260 = arith.constant 240 : i32
    %add3A_261 = vector.broadcast %add3A_260 : i32 to vector<16xi32>
    %add3A_262 = arith.addi %add3A_261, %iota3A_259 : vector<16xi32>
    %broadcast_in_dim3A_263 = vector.broadcast %sub3A : i32 to vector<16xi32>
    %add3A_264 = arith.addi %sub3A, %select_n3A : i32
    %broadcast_in_dim3A_265 = vector.broadcast %add3A_264 : i32 to vector<16xi32>
    %scan3A_266 = arith.constant 0 : i32
    %scan3A_267 = arith.constant 13 : i32
    %scan3A_268 = arith.addi %scan3A_266, %scan3A_267 : i32
    %scan3A_269 = arith.constant 1 : i32
    %scan3A_270:2 = scf.for %scan3A_1169 = %scan3A_266 to %scan3A_268 step %scan3A_269 iter_args(%scan3A_1170 = %broadcast_in_dim3A_263, %scan3A_1171 = %broadcast_in_dim3A_265) -> (vector<16xi32>, vector<16xi32>)  : i32 {
      %lt3A_1172 = arith.cmpi slt, %scan3A_1170, %scan3A_1171 : vector<16xi32>
      %add3A_1173 = arith.addi %scan3A_1170, %scan3A_1171 : vector<16xi32>
      %shift_right_logical3A_1174 = arith.constant 1 : i32
      %shift_right_logical3A_1175 = vector.broadcast %shift_right_logical3A_1174 : i32 to vector<16xi32>
      %shift_right_logical3A_1176 = arith.shrui %add3A_1173, %shift_right_logical3A_1175 : vector<16xi32>
      %min3A_1177 = arith.constant 6287 : i32
      %min3A_1178 = vector.broadcast %min3A_1177 : i32 to vector<16xi32>
      %min3A_1179 = arith.minsi %shift_right_logical3A_1176, %min3A_1178 : vector<16xi32>
      %gather3A = tpu.vector_load_idx %arg6[%min3A_1179] : memref<6288xi32, #tpu.memory_space<vmem>>[vector<16xi32>], vector<16xi32>,
      %lt3A_1180 = arith.cmpi slt, %gather3A, %add3A_262 : vector<16xi32>
      %and3A_1181 = arith.andi %lt3A_1172, %lt3A_1180 : vector<16xi1>
      %add3A_1182 = arith.constant 1 : i32
      %add3A_1183 = vector.broadcast %add3A_1182 : i32 to vector<16xi32>
      %add3A_1184 = arith.addi %shift_right_logical3A_1176, %add3A_1183 : vector<16xi32>
      %select_n3A_1185 = arith.select %and3A_1181, %add3A_1184, %scan3A_1170 : vector<16xi1>, vector<16xi32>
      %not3A = arith.constant dense<true> : vector<16xi1>
      %not3A_1186 = arith.xori %lt3A_1180, %not3A : vector<16xi1>
      %and3A_1187 = arith.andi %lt3A_1172, %not3A_1186 : vector<16xi1>
      %select_n3A_1188 = arith.select %and3A_1187, %shift_right_logical3A_1176, %scan3A_1171 : vector<16xi1>, vector<16xi32>
      scf.yield %select_n3A_1185, %select_n3A_1188 : vector<16xi32>, vector<16xi32>
    }
    %scan3A_271 = arith.constant 13 : i32
    %sub3A_272 = vector.broadcast %sub3A : i32 to vector<16xi32>
    %sub3A_273 = arith.subi %scan3A_270#0, %sub3A_272 : vector<16xi32>
    %swap3A_274 = arith.constant 240 : index
    %swap3A_275 = tpu.vector_load %arg7[%swap3A_274] {strides = array<i32>} : memref<272xi32, #tpu.memory_space<vmem>>, vector<16xi32>,
    tpu.vector_store %arg7[%swap3A_274], %sub3A_273 {strides = array<i32>} : memref<272xi32, #tpu.memory_space<vmem>>, vector<16xi32>,
    %iota3A_276 = tpu.iota {dimensions = array<i32: 0>} : vector<16xi32>
    %add3A_277 = arith.constant 256 : i32
    %add3A_278 = vector.broadcast %add3A_277 : i32 to vector<16xi32>
    %add3A_279 = arith.addi %add3A_278, %iota3A_276 : vector<16xi32>
    %broadcast_in_dim3A_280 = vector.broadcast %sub3A : i32 to vector<16xi32>
    %add3A_281 = arith.addi %sub3A, %select_n3A : i32
    %broadcast_in_dim3A_282 = vector.broadcast %add3A_281 : i32 to vector<16xi32>
    %scan3A_283 = arith.constant 0 : i32
    %scan3A_284 = arith.constant 13 : i32
    %scan3A_285 = arith.addi %scan3A_283, %scan3A_284 : i32
    %scan3A_286 = arith.constant 1 : i32
    %scan3A_287:2 = scf.for %scan3A_1169 = %scan3A_283 to %scan3A_285 step %scan3A_286 iter_args(%scan3A_1170 = %broadcast_in_dim3A_280, %scan3A_1171 = %broadcast_in_dim3A_282) -> (vector<16xi32>, vector<16xi32>)  : i32 {
      %lt3A_1172 = arith.cmpi slt, %scan3A_1170, %scan3A_1171 : vector<16xi32>
      %add3A_1173 = arith.addi %scan3A_1170, %scan3A_1171 : vector<16xi32>
      %shift_right_logical3A_1174 = arith.constant 1 : i32
      %shift_right_logical3A_1175 = vector.broadcast %shift_right_logical3A_1174 : i32 to vector<16xi32>
      %shift_right_logical3A_1176 = arith.shrui %add3A_1173, %shift_right_logical3A_1175 : vector<16xi32>
      %min3A_1177 = arith.constant 6287 : i32
      %min3A_1178 = vector.broadcast %min3A_1177 : i32 to vector<16xi32>
      %min3A_1179 = arith.minsi %shift_right_logical3A_1176, %min3A_1178 : vector<16xi32>
      %gather3A = tpu.vector_load_idx %arg6[%min3A_1179] : memref<6288xi32, #tpu.memory_space<vmem>>[vector<16xi32>], vector<16xi32>,
      %lt3A_1180 = arith.cmpi slt, %gather3A, %add3A_279 : vector<16xi32>
      %and3A_1181 = arith.andi %lt3A_1172, %lt3A_1180 : vector<16xi1>
      %add3A_1182 = arith.constant 1 : i32
      %add3A_1183 = vector.broadcast %add3A_1182 : i32 to vector<16xi32>
      %add3A_1184 = arith.addi %shift_right_logical3A_1176, %add3A_1183 : vector<16xi32>
      %select_n3A_1185 = arith.select %and3A_1181, %add3A_1184, %scan3A_1170 : vector<16xi1>, vector<16xi32>
      %not3A = arith.constant dense<true> : vector<16xi1>
      %not3A_1186 = arith.xori %lt3A_1180, %not3A : vector<16xi1>
      %and3A_1187 = arith.andi %lt3A_1172, %not3A_1186 : vector<16xi1>
      %select_n3A_1188 = arith.select %and3A_1187, %shift_right_logical3A_1176, %scan3A_1171 : vector<16xi1>, vector<16xi32>
      scf.yield %select_n3A_1185, %select_n3A_1188 : vector<16xi32>, vector<16xi32>
    }
    %scan3A_288 = arith.constant 13 : i32
    %sub3A_289 = vector.broadcast %sub3A : i32 to vector<16xi32>
    %sub3A_290 = arith.subi %scan3A_287#0, %sub3A_289 : vector<16xi32>
    %swap3A_291 = arith.constant 256 : index
    %swap3A_292 = tpu.vector_load %arg7[%swap3A_291] {strides = array<i32>} : memref<272xi32, #tpu.memory_space<vmem>>, vector<16xi32>,
    tpu.vector_store %arg7[%swap3A_291], %sub3A_290 {strides = array<i32>} : memref<272xi32, #tpu.memory_space<vmem>>, vector<16xi32>,
    %mul3A_293 = arith.constant 17 : i32
    %mul3A_294 = arith.muli %arg1, %mul3A_293 : i32
    %mul3A_295 = arith.constant 16 : i32
    %mul3A_296 = arith.muli %mul3A_294, %mul3A_295 : i32
    "tpu.region"() ({
      %run_scoped3A = tpu.sem_alloc : memref<!tpu.dma_semaphore, #tpu.memory_space<semaphore_mem>>
      %dma_start3A = tpu.memref_slice %arg13[%mul3A_296] : memref<4352xi32, #tpu.memory_space<vmem_shared>> -> memref<272xi32, #tpu.memory_space<vmem_shared>>
      %dma_start3A_1169 = tpu.memref_slice %arg13[%mul3A_296] : memref<4352xi32, #tpu.memory_space<vmem_shared>> -> memref<272xi32, #tpu.memory_space<vmem_shared>>
      tpu.enqueue_dma source(%arg7 : memref<272xi32, #tpu.memory_space<vmem>>) target(%dma_start3A_1169 : memref<272xi32, #tpu.memory_space<vmem_shared>>) target_semaphore(%run_scoped3A : memref<!tpu.dma_semaphore, #tpu.memory_space<semaphore_mem>>)
      %dma_wait3A = tpu.memref_slice %arg13[%mul3A_296] : memref<4352xi32, #tpu.memory_space<vmem_shared>> -> memref<272xi32, #tpu.memory_space<vmem_shared>>
      %dma_wait3A_1170 = tpu.memref_slice %arg13[%mul3A_296] : memref<4352xi32, #tpu.memory_space<vmem_shared>> -> memref<272xi32, #tpu.memory_space<vmem_shared>>
      tpu.wait_dma2 semaphore(%run_scoped3A : memref<!tpu.dma_semaphore, #tpu.memory_space<semaphore_mem>>) src(%arg7 : memref<272xi32, #tpu.memory_space<vmem>>) dst(%dma_wait3A_1170 : memref<272xi32, #tpu.memory_space<vmem_shared>>)
      tpu.yield
    }) : () -> ()
    %barrier3A = arith.constant 0 : index
    tpu.barrier barrier_id(%barrier3A)
    "tpu.region"() ({
      %run_scoped3A = tpu.sem_alloc : memref<!tpu.dma_semaphore, #tpu.memory_space<semaphore_mem>>
      tpu.enqueue_dma source(%arg13 : memref<4352xi32, #tpu.memory_space<vmem_shared>>) target(%arg8 : memref<4352xi32, #tpu.memory_space<vmem>>) target_semaphore(%run_scoped3A : memref<!tpu.dma_semaphore, #tpu.memory_space<semaphore_mem>>)
      tpu.wait_dma2 semaphore(%run_scoped3A : memref<!tpu.dma_semaphore, #tpu.memory_space<semaphore_mem>>) src(%arg13 : memref<4352xi32, #tpu.memory_space<vmem_shared>>) dst(%arg8 : memref<4352xi32, #tpu.memory_space<vmem>>)
      tpu.yield
    }) : () -> ()
    %shift_right_logical3A = arith.constant 1 : i32
    %shift_right_logical3A_297 = arith.shrui %add3A, %shift_right_logical3A : i32
    %and3A = arith.constant 1 : i32
    %and3A_298 = arith.andi %add3A, %and3A : i32
    %mul3A_299 = arith.constant 16 : i32
    %mul3A_300 = arith.muli %shift_right_logical3A_297, %mul3A_299 : i32
    %multiple_of3A_301 = tpu.assume_multiple %mul3A_300, 16 : i32
    %add3A_302 = arith.constant 1 : i32
    %add3A_303 = arith.addi %shift_right_logical3A_297, %add3A_302 : i32
    %min3A_304 = arith.constant 16 : i32
    %min3A_305 = arith.minsi %add3A_303, %min3A_304 : i32
    %mul3A_306 = arith.constant 16 : i32
    %mul3A_307 = arith.muli %min3A_305, %mul3A_306 : i32
    %multiple_of3A_308 = tpu.assume_multiple %mul3A_307, 16 : i32
    %get3A = arith.index_cast %multiple_of3A_301 : i32 to index
    %get3A_309 = tpu.vector_load %arg8[%get3A] {strides = array<i32>} : memref<4352xi32, #tpu.memory_space<vmem>>, vector<16xi32>,
    %get3A_310 = arith.index_cast %multiple_of3A_308 : i32 to index
    %get3A_311 = tpu.vector_load %arg8[%get3A_310] {strides = array<i32>} : memref<4352xi32, #tpu.memory_space<vmem>>, vector<16xi32>,
    %add3A_312 = arith.constant 272 : i32
    %add3A_313 = arith.addi %add3A_312, %multiple_of3A_301 : i32
    %get3A_314 = arith.index_cast %add3A_313 : i32 to index
    %get3A_315 = tpu.vector_load %arg8[%get3A_314] {strides = array<i32>} : memref<4352xi32, #tpu.memory_space<vmem>>, vector<16xi32>,
    %add3A_316 = arith.addi %get3A_309, %get3A_315 : vector<16xi32>
    %add3A_317 = arith.constant 272 : i32
    %add3A_318 = arith.addi %add3A_317, %multiple_of3A_308 : i32
    %get3A_319 = arith.index_cast %add3A_318 : i32 to index
    %get3A_320 = tpu.vector_load %arg8[%get3A_319] {strides = array<i32>} : memref<4352xi32, #tpu.memory_space<vmem>>, vector<16xi32>,
    %add3A_321 = arith.addi %get3A_311, %get3A_320 : vector<16xi32>
    %add3A_322 = arith.constant 544 : i32
    %add3A_323 = arith.addi %add3A_322, %multiple_of3A_301 : i32
    %get3A_324 = arith.index_cast %add3A_323 : i32 to index
    %get3A_325 = tpu.vector_load %arg8[%get3A_324] {strides = array<i32>} : memref<4352xi32, #tpu.memory_space<vmem>>, vector<16xi32>,
    %add3A_326 = arith.addi %add3A_316, %get3A_325 : vector<16xi32>
    %add3A_327 = arith.constant 544 : i32
    %add3A_328 = arith.addi %add3A_327, %multiple_of3A_308 : i32
    %get3A_329 = arith.index_cast %add3A_328 : i32 to index
    %get3A_330 = tpu.vector_load %arg8[%get3A_329] {strides = array<i32>} : memref<4352xi32, #tpu.memory_space<vmem>>, vector<16xi32>,
    %add3A_331 = arith.addi %add3A_321, %get3A_330 : vector<16xi32>
    %add3A_332 = arith.constant 816 : i32
    %add3A_333 = arith.addi %add3A_332, %multiple_of3A_301 : i32
    %get3A_334 = arith.index_cast %add3A_333 : i32 to index
    %get3A_335 = tpu.vector_load %arg8[%get3A_334] {strides = array<i32>} : memref<4352xi32, #tpu.memory_space<vmem>>, vector<16xi32>,
    %add3A_336 = arith.addi %add3A_326, %get3A_335 : vector<16xi32>
    %add3A_337 = arith.constant 816 : i32
    %add3A_338 = arith.addi %add3A_337, %multiple_of3A_308 : i32
    %get3A_339 = arith.index_cast %add3A_338 : i32 to index
    %get3A_340 = tpu.vector_load %arg8[%get3A_339] {strides = array<i32>} : memref<4352xi32, #tpu.memory_space<vmem>>, vector<16xi32>,
    %add3A_341 = arith.addi %add3A_331, %get3A_340 : vector<16xi32>
    %add3A_342 = arith.constant 1088 : i32
    %add3A_343 = arith.addi %add3A_342, %multiple_of3A_301 : i32
    %get3A_344 = arith.index_cast %add3A_343 : i32 to index
    %get3A_345 = tpu.vector_load %arg8[%get3A_344] {strides = array<i32>} : memref<4352xi32, #tpu.memory_space<vmem>>, vector<16xi32>,
    %add3A_346 = arith.addi %add3A_336, %get3A_345 : vector<16xi32>
    %add3A_347 = arith.constant 1088 : i32
    %add3A_348 = arith.addi %add3A_347, %multiple_of3A_308 : i32
    %get3A_349 = arith.index_cast %add3A_348 : i32 to index
    %get3A_350 = tpu.vector_load %arg8[%get3A_349] {strides = array<i32>} : memref<4352xi32, #tpu.memory_space<vmem>>, vector<16xi32>,
    %add3A_351 = arith.addi %add3A_341, %get3A_350 : vector<16xi32>
    %add3A_352 = arith.constant 1360 : i32
    %add3A_353 = arith.addi %add3A_352, %multiple_of3A_301 : i32
    %get3A_354 = arith.index_cast %add3A_353 : i32 to index
    %get3A_355 = tpu.vector_load %arg8[%get3A_354] {strides = array<i32>} : memref<4352xi32, #tpu.memory_space<vmem>>, vector<16xi32>,
    %add3A_356 = arith.addi %add3A_346, %get3A_355 : vector<16xi32>
    %add3A_357 = arith.constant 1360 : i32
    %add3A_358 = arith.addi %add3A_357, %multiple_of3A_308 : i32
    %get3A_359 = arith.index_cast %add3A_358 : i32 to index
    %get3A_360 = tpu.vector_load %arg8[%get3A_359] {strides = array<i32>} : memref<4352xi32, #tpu.memory_space<vmem>>, vector<16xi32>,
    %add3A_361 = arith.addi %add3A_351, %get3A_360 : vector<16xi32>
    %add3A_362 = arith.constant 1632 : i32
    %add3A_363 = arith.addi %add3A_362, %multiple_of3A_301 : i32
    %get3A_364 = arith.index_cast %add3A_363 : i32 to index
    %get3A_365 = tpu.vector_load %arg8[%get3A_364] {strides = array<i32>} : memref<4352xi32, #tpu.memory_space<vmem>>, vector<16xi32>,
    %add3A_366 = arith.addi %add3A_356, %get3A_365 : vector<16xi32>
    %add3A_367 = arith.constant 1632 : i32
    %add3A_368 = arith.addi %add3A_367, %multiple_of3A_308 : i32
    %get3A_369 = arith.index_cast %add3A_368 : i32 to index
    %get3A_370 = tpu.vector_load %arg8[%get3A_369] {strides = array<i32>} : memref<4352xi32, #tpu.memory_space<vmem>>, vector<16xi32>,
    %add3A_371 = arith.addi %add3A_361, %get3A_370 : vector<16xi32>
    %add3A_372 = arith.constant 1904 : i32
    %add3A_373 = arith.addi %add3A_372, %multiple_of3A_301 : i32
    %get3A_374 = arith.index_cast %add3A_373 : i32 to index
    %get3A_375 = tpu.vector_load %arg8[%get3A_374] {strides = array<i32>} : memref<4352xi32, #tpu.memory_space<vmem>>, vector<16xi32>,
    %add3A_376 = arith.addi %add3A_366, %get3A_375 : vector<16xi32>
    %add3A_377 = arith.constant 1904 : i32
    %add3A_378 = arith.addi %add3A_377, %multiple_of3A_308 : i32
    %get3A_379 = arith.index_cast %add3A_378 : i32 to index
    %get3A_380 = tpu.vector_load %arg8[%get3A_379] {strides = array<i32>} : memref<4352xi32, #tpu.memory_space<vmem>>, vector<16xi32>,
    %add3A_381 = arith.addi %add3A_371, %get3A_380 : vector<16xi32>
    %add3A_382 = arith.constant 2176 : i32
    %add3A_383 = arith.addi %add3A_382, %multiple_of3A_301 : i32
    %get3A_384 = arith.index_cast %add3A_383 : i32 to index
    %get3A_385 = tpu.vector_load %arg8[%get3A_384] {strides = array<i32>} : memref<4352xi32, #tpu.memory_space<vmem>>, vector<16xi32>,
    %add3A_386 = arith.addi %add3A_376, %get3A_385 : vector<16xi32>
    %add3A_387 = arith.constant 2176 : i32
    %add3A_388 = arith.addi %add3A_387, %multiple_of3A_308 : i32
    %get3A_389 = arith.index_cast %add3A_388 : i32 to index
    %get3A_390 = tpu.vector_load %arg8[%get3A_389] {strides = array<i32>} : memref<4352xi32, #tpu.memory_space<vmem>>, vector<16xi32>,
    %add3A_391 = arith.addi %add3A_381, %get3A_390 : vector<16xi32>
    %add3A_392 = arith.constant 2448 : i32
    %add3A_393 = arith.addi %add3A_392, %multiple_of3A_301 : i32
    %get3A_394 = arith.index_cast %add3A_393 : i32 to index
    %get3A_395 = tpu.vector_load %arg8[%get3A_394] {strides = array<i32>} : memref<4352xi32, #tpu.memory_space<vmem>>, vector<16xi32>,
    %add3A_396 = arith.addi %add3A_386, %get3A_395 : vector<16xi32>
    %add3A_397 = arith.constant 2448 : i32
    %add3A_398 = arith.addi %add3A_397, %multiple_of3A_308 : i32
    %get3A_399 = arith.index_cast %add3A_398 : i32 to index
    %get3A_400 = tpu.vector_load %arg8[%get3A_399] {strides = array<i32>} : memref<4352xi32, #tpu.memory_space<vmem>>, vector<16xi32>,
    %add3A_401 = arith.addi %add3A_391, %get3A_400 : vector<16xi32>
    %add3A_402 = arith.constant 2720 : i32
    %add3A_403 = arith.addi %add3A_402, %multiple_of3A_301 : i32
    %get3A_404 = arith.index_cast %add3A_403 : i32 to index
    %get3A_405 = tpu.vector_load %arg8[%get3A_404] {strides = array<i32>} : memref<4352xi32, #tpu.memory_space<vmem>>, vector<16xi32>,
    %add3A_406 = arith.addi %add3A_396, %get3A_405 : vector<16xi32>
    %add3A_407 = arith.constant 2720 : i32
    %add3A_408 = arith.addi %add3A_407, %multiple_of3A_308 : i32
    %get3A_409 = arith.index_cast %add3A_408 : i32 to index
    %get3A_410 = tpu.vector_load %arg8[%get3A_409] {strides = array<i32>} : memref<4352xi32, #tpu.memory_space<vmem>>, vector<16xi32>,
    %add3A_411 = arith.addi %add3A_401, %get3A_410 : vector<16xi32>
    %add3A_412 = arith.constant 2992 : i32
    %add3A_413 = arith.addi %add3A_412, %multiple_of3A_301 : i32
    %get3A_414 = arith.index_cast %add3A_413 : i32 to index
    %get3A_415 = tpu.vector_load %arg8[%get3A_414] {strides = array<i32>} : memref<4352xi32, #tpu.memory_space<vmem>>, vector<16xi32>,
    %add3A_416 = arith.addi %add3A_406, %get3A_415 : vector<16xi32>
    %add3A_417 = arith.constant 2992 : i32
    %add3A_418 = arith.addi %add3A_417, %multiple_of3A_308 : i32
    %get3A_419 = arith.index_cast %add3A_418 : i32 to index
    %get3A_420 = tpu.vector_load %arg8[%get3A_419] {strides = array<i32>} : memref<4352xi32, #tpu.memory_space<vmem>>, vector<16xi32>,
    %add3A_421 = arith.addi %add3A_411, %get3A_420 : vector<16xi32>
    %add3A_422 = arith.constant 3264 : i32
    %add3A_423 = arith.addi %add3A_422, %multiple_of3A_301 : i32
    %get3A_424 = arith.index_cast %add3A_423 : i32 to index
    %get3A_425 = tpu.vector_load %arg8[%get3A_424] {strides = array<i32>} : memref<4352xi32, #tpu.memory_space<vmem>>, vector<16xi32>,
    %add3A_426 = arith.addi %add3A_416, %get3A_425 : vector<16xi32>
    %add3A_427 = arith.constant 3264 : i32
    %add3A_428 = arith.addi %add3A_427, %multiple_of3A_308 : i32
    %get3A_429 = arith.index_cast %add3A_428 : i32 to index
    %get3A_430 = tpu.vector_load %arg8[%get3A_429] {strides = array<i32>} : memref<4352xi32, #tpu.memory_space<vmem>>, vector<16xi32>,
    %add3A_431 = arith.addi %add3A_421, %get3A_430 : vector<16xi32>
    %add3A_432 = arith.constant 3536 : i32
    %add3A_433 = arith.addi %add3A_432, %multiple_of3A_301 : i32
    %get3A_434 = arith.index_cast %add3A_433 : i32 to index
    %get3A_435 = tpu.vector_load %arg8[%get3A_434] {strides = array<i32>} : memref<4352xi32, #tpu.memory_space<vmem>>, vector<16xi32>,
    %add3A_436 = arith.addi %add3A_426, %get3A_435 : vector<16xi32>
    %add3A_437 = arith.constant 3536 : i32
    %add3A_438 = arith.addi %add3A_437, %multiple_of3A_308 : i32
    %get3A_439 = arith.index_cast %add3A_438 : i32 to index
    %get3A_440 = tpu.vector_load %arg8[%get3A_439] {strides = array<i32>} : memref<4352xi32, #tpu.memory_space<vmem>>, vector<16xi32>,
    %add3A_441 = arith.addi %add3A_431, %get3A_440 : vector<16xi32>
    %add3A_442 = arith.constant 3808 : i32
    %add3A_443 = arith.addi %add3A_442, %multiple_of3A_301 : i32
    %get3A_444 = arith.index_cast %add3A_443 : i32 to index
    %get3A_445 = tpu.vector_load %arg8[%get3A_444] {strides = array<i32>} : memref<4352xi32, #tpu.memory_space<vmem>>, vector<16xi32>,
    %add3A_446 = arith.addi %add3A_436, %get3A_445 : vector<16xi32>
    %add3A_447 = arith.constant 3808 : i32
    %add3A_448 = arith.addi %add3A_447, %multiple_of3A_308 : i32
    %get3A_449 = arith.index_cast %add3A_448 : i32 to index
    %get3A_450 = tpu.vector_load %arg8[%get3A_449] {strides = array<i32>} : memref<4352xi32, #tpu.memory_space<vmem>>, vector<16xi32>,
    %add3A_451 = arith.addi %add3A_441, %get3A_450 : vector<16xi32>
    %add3A_452 = arith.constant 4080 : i32
    %add3A_453 = arith.addi %add3A_452, %multiple_of3A_301 : i32
    %get3A_454 = arith.index_cast %add3A_453 : i32 to index
    %get3A_455 = tpu.vector_load %arg8[%get3A_454] {strides = array<i32>} : memref<4352xi32, #tpu.memory_space<vmem>>, vector<16xi32>,
    %add3A_456 = arith.addi %add3A_446, %get3A_455 : vector<16xi32>
    %add3A_457 = arith.constant 4080 : i32
    %add3A_458 = arith.addi %add3A_457, %multiple_of3A_308 : i32
    %get3A_459 = arith.index_cast %add3A_458 : i32 to index
    %get3A_460 = tpu.vector_load %arg8[%get3A_459] {strides = array<i32>} : memref<4352xi32, #tpu.memory_space<vmem>>, vector<16xi32>,
    %add3A_461 = arith.addi %add3A_451, %get3A_460 : vector<16xi32>
    %slice3A = vector.extract_strided_slice %add3A_456 {offsets = [8], sizes = [1], strides = [1]} : vector<16xi32> to vector<1xi32>
    %squeeze3A = vector.extract %slice3A[0] : i32 from vector<1xi32>
    %eq3A_462 = arith.constant 0 : i32
    %eq3A_463 = arith.cmpi eq, %and3A_298, %eq3A_462 : i32
    %slice3A_464 = vector.extract_strided_slice %add3A_456 {offsets = [0], sizes = [1], strides = [1]} : vector<16xi32> to vector<1xi32>
    %squeeze3A_465 = vector.extract %slice3A_464[0] : i32 from vector<1xi32>
    %select_n3A_466 = arith.select %eq3A_463, %squeeze3A_465, %squeeze3A : i32
    %swap3A_467 = arith.constant 0 : i32
    %swap3A_468 = arith.index_cast %swap3A_467 : i32 to index
    %swap3A_469 = memref.load %arg12[%swap3A_468] : memref<16xi32, #tpu.memory_space<smem>>
    memref.store %select_n3A_466, %arg12[%swap3A_468] : memref<16xi32, #tpu.memory_space<smem>>
    %slice3A_470 = vector.extract_strided_slice %add3A_456 {offsets = [9], sizes = [1], strides = [1]} : vector<16xi32> to vector<1xi32>
    %squeeze3A_471 = vector.extract %slice3A_470[0] : i32 from vector<1xi32>
    %eq3A_472 = arith.constant 0 : i32
    %eq3A_473 = arith.cmpi eq, %and3A_298, %eq3A_472 : i32
    %slice3A_474 = vector.extract_strided_slice %add3A_456 {offsets = [1], sizes = [1], strides = [1]} : vector<16xi32> to vector<1xi32>
    %squeeze3A_475 = vector.extract %slice3A_474[0] : i32 from vector<1xi32>
    %select_n3A_476 = arith.select %eq3A_473, %squeeze3A_475, %squeeze3A_471 : i32
    %swap3A_477 = arith.constant 1 : i32
    %swap3A_478 = arith.index_cast %swap3A_477 : i32 to index
    %swap3A_479 = memref.load %arg12[%swap3A_478] : memref<16xi32, #tpu.memory_space<smem>>
    memref.store %select_n3A_476, %arg12[%swap3A_478] : memref<16xi32, #tpu.memory_space<smem>>
    %slice3A_480 = vector.extract_strided_slice %add3A_456 {offsets = [10], sizes = [1], strides = [1]} : vector<16xi32> to vector<1xi32>
    %squeeze3A_481 = vector.extract %slice3A_480[0] : i32 from vector<1xi32>
    %eq3A_482 = arith.constant 0 : i32
    %eq3A_483 = arith.cmpi eq, %and3A_298, %eq3A_482 : i32
    %slice3A_484 = vector.extract_strided_slice %add3A_456 {offsets = [2], sizes = [1], strides = [1]} : vector<16xi32> to vector<1xi32>
    %squeeze3A_485 = vector.extract %slice3A_484[0] : i32 from vector<1xi32>
    %select_n3A_486 = arith.select %eq3A_483, %squeeze3A_485, %squeeze3A_481 : i32
    %swap3A_487 = arith.constant 2 : i32
    %swap3A_488 = arith.index_cast %swap3A_487 : i32 to index
    %swap3A_489 = memref.load %arg12[%swap3A_488] : memref<16xi32, #tpu.memory_space<smem>>
    memref.store %select_n3A_486, %arg12[%swap3A_488] : memref<16xi32, #tpu.memory_space<smem>>
    %slice3A_490 = vector.extract_strided_slice %add3A_456 {offsets = [11], sizes = [1], strides = [1]} : vector<16xi32> to vector<1xi32>
    %squeeze3A_491 = vector.extract %slice3A_490[0] : i32 from vector<1xi32>
    %eq3A_492 = arith.constant 0 : i32
    %eq3A_493 = arith.cmpi eq, %and3A_298, %eq3A_492 : i32
    %slice3A_494 = vector.extract_strided_slice %add3A_456 {offsets = [3], sizes = [1], strides = [1]} : vector<16xi32> to vector<1xi32>
    %squeeze3A_495 = vector.extract %slice3A_494[0] : i32 from vector<1xi32>
    %select_n3A_496 = arith.select %eq3A_493, %squeeze3A_495, %squeeze3A_491 : i32
    %swap3A_497 = arith.constant 3 : i32
    %swap3A_498 = arith.index_cast %swap3A_497 : i32 to index
    %swap3A_499 = memref.load %arg12[%swap3A_498] : memref<16xi32, #tpu.memory_space<smem>>
    memref.store %select_n3A_496, %arg12[%swap3A_498] : memref<16xi32, #tpu.memory_space<smem>>
    %slice3A_500 = vector.extract_strided_slice %add3A_456 {offsets = [12], sizes = [1], strides = [1]} : vector<16xi32> to vector<1xi32>
    %squeeze3A_501 = vector.extract %slice3A_500[0] : i32 from vector<1xi32>
    %eq3A_502 = arith.constant 0 : i32
    %eq3A_503 = arith.cmpi eq, %and3A_298, %eq3A_502 : i32
    %slice3A_504 = vector.extract_strided_slice %add3A_456 {offsets = [4], sizes = [1], strides = [1]} : vector<16xi32> to vector<1xi32>
    %squeeze3A_505 = vector.extract %slice3A_504[0] : i32 from vector<1xi32>
    %select_n3A_506 = arith.select %eq3A_503, %squeeze3A_505, %squeeze3A_501 : i32
    %swap3A_507 = arith.constant 4 : i32
    %swap3A_508 = arith.index_cast %swap3A_507 : i32 to index
    %swap3A_509 = memref.load %arg12[%swap3A_508] : memref<16xi32, #tpu.memory_space<smem>>
    memref.store %select_n3A_506, %arg12[%swap3A_508] : memref<16xi32, #tpu.memory_space<smem>>
    %slice3A_510 = vector.extract_strided_slice %add3A_456 {offsets = [13], sizes = [1], strides = [1]} : vector<16xi32> to vector<1xi32>
    %squeeze3A_511 = vector.extract %slice3A_510[0] : i32 from vector<1xi32>
    %eq3A_512 = arith.constant 0 : i32
    %eq3A_513 = arith.cmpi eq, %and3A_298, %eq3A_512 : i32
    %slice3A_514 = vector.extract_strided_slice %add3A_456 {offsets = [5], sizes = [1], strides = [1]} : vector<16xi32> to vector<1xi32>
    %squeeze3A_515 = vector.extract %slice3A_514[0] : i32 from vector<1xi32>
    %select_n3A_516 = arith.select %eq3A_513, %squeeze3A_515, %squeeze3A_511 : i32
    %swap3A_517 = arith.constant 5 : i32
    %swap3A_518 = arith.index_cast %swap3A_517 : i32 to index
    %swap3A_519 = memref.load %arg12[%swap3A_518] : memref<16xi32, #tpu.memory_space<smem>>
    memref.store %select_n3A_516, %arg12[%swap3A_518] : memref<16xi32, #tpu.memory_space<smem>>
    %slice3A_520 = vector.extract_strided_slice %add3A_456 {offsets = [14], sizes = [1], strides = [1]} : vector<16xi32> to vector<1xi32>
    %squeeze3A_521 = vector.extract %slice3A_520[0] : i32 from vector<1xi32>
    %eq3A_522 = arith.constant 0 : i32
    %eq3A_523 = arith.cmpi eq, %and3A_298, %eq3A_522 : i32
    %slice3A_524 = vector.extract_strided_slice %add3A_456 {offsets = [6], sizes = [1], strides = [1]} : vector<16xi32> to vector<1xi32>
    %squeeze3A_525 = vector.extract %slice3A_524[0] : i32 from vector<1xi32>
    %select_n3A_526 = arith.select %eq3A_523, %squeeze3A_525, %squeeze3A_521 : i32
    %swap3A_527 = arith.constant 6 : i32
    %swap3A_528 = arith.index_cast %swap3A_527 : i32 to index
    %swap3A_529 = memref.load %arg12[%swap3A_528] : memref<16xi32, #tpu.memory_space<smem>>
    memref.store %select_n3A_526, %arg12[%swap3A_528] : memref<16xi32, #tpu.memory_space<smem>>
    %slice3A_530 = vector.extract_strided_slice %add3A_456 {offsets = [15], sizes = [1], strides = [1]} : vector<16xi32> to vector<1xi32>
    %squeeze3A_531 = vector.extract %slice3A_530[0] : i32 from vector<1xi32>
    %eq3A_532 = arith.constant 0 : i32
    %eq3A_533 = arith.cmpi eq, %and3A_298, %eq3A_532 : i32
    %slice3A_534 = vector.extract_strided_slice %add3A_456 {offsets = [7], sizes = [1], strides = [1]} : vector<16xi32> to vector<1xi32>
    %squeeze3A_535 = vector.extract %slice3A_534[0] : i32 from vector<1xi32>
    %select_n3A_536 = arith.select %eq3A_533, %squeeze3A_535, %squeeze3A_531 : i32
    %swap3A_537 = arith.constant 7 : i32
    %swap3A_538 = arith.index_cast %swap3A_537 : i32 to index
    %swap3A_539 = memref.load %arg12[%swap3A_538] : memref<16xi32, #tpu.memory_space<smem>>
    memref.store %select_n3A_536, %arg12[%swap3A_538] : memref<16xi32, #tpu.memory_space<smem>>
    %slice3A_540 = vector.extract_strided_slice %add3A_461 {offsets = [0], sizes = [1], strides = [1]} : vector<16xi32> to vector<1xi32>
    %squeeze3A_541 = vector.extract %slice3A_540[0] : i32 from vector<1xi32>
    %eq3A_542 = arith.constant 0 : i32
    %eq3A_543 = arith.cmpi eq, %and3A_298, %eq3A_542 : i32
    %slice3A_544 = vector.extract_strided_slice %add3A_456 {offsets = [8], sizes = [1], strides = [1]} : vector<16xi32> to vector<1xi32>
    %squeeze3A_545 = vector.extract %slice3A_544[0] : i32 from vector<1xi32>
    %select_n3A_546 = arith.select %eq3A_543, %squeeze3A_545, %squeeze3A_541 : i32
    %swap3A_547 = arith.constant 8 : i32
    %swap3A_548 = arith.index_cast %swap3A_547 : i32 to index
    %swap3A_549 = memref.load %arg12[%swap3A_548] : memref<16xi32, #tpu.memory_space<smem>>
    memref.store %select_n3A_546, %arg12[%swap3A_548] : memref<16xi32, #tpu.memory_space<smem>>
    %get3A_550 = arith.constant 0 : i32
    %get3A_551 = arith.index_cast %get3A_550 : i32 to index
    %get3A_552 = arith.constant 0 : index
    %get3A_553 = tpu.vector_load %arg10[%get3A_551, %get3A_552] {strides = array<i32>} : memref<2x128xf32, #tpu.memory_space<vmem>>, vector<16xf32>,
    %get3A_554 = arith.constant 0 : i32
    %get3A_555 = arith.index_cast %get3A_554 : i32 to index
    %get3A_556 = arith.constant 16 : index
    %get3A_557 = tpu.vector_load %arg10[%get3A_555, %get3A_556] {strides = array<i32>} : memref<2x128xf32, #tpu.memory_space<vmem>>, vector<16xf32>,
    %get3A_558 = arith.constant 0 : i32
    %get3A_559 = arith.index_cast %get3A_558 : i32 to index
    %get3A_560 = arith.constant 32 : index
    %get3A_561 = tpu.vector_load %arg10[%get3A_559, %get3A_560] {strides = array<i32>} : memref<2x128xf32, #tpu.memory_space<vmem>>, vector<16xf32>,
    %get3A_562 = arith.constant 0 : i32
    %get3A_563 = arith.index_cast %get3A_562 : i32 to index
    %get3A_564 = arith.constant 48 : index
    %get3A_565 = tpu.vector_load %arg10[%get3A_563, %get3A_564] {strides = array<i32>} : memref<2x128xf32, #tpu.memory_space<vmem>>, vector<16xf32>,
    %get3A_566 = arith.constant 0 : i32
    %get3A_567 = arith.index_cast %get3A_566 : i32 to index
    %get3A_568 = arith.constant 64 : index
    %get3A_569 = tpu.vector_load %arg10[%get3A_567, %get3A_568] {strides = array<i32>} : memref<2x128xf32, #tpu.memory_space<vmem>>, vector<16xf32>,
    %get3A_570 = arith.constant 0 : i32
    %get3A_571 = arith.index_cast %get3A_570 : i32 to index
    %get3A_572 = arith.constant 80 : index
    %get3A_573 = tpu.vector_load %arg10[%get3A_571, %get3A_572] {strides = array<i32>} : memref<2x128xf32, #tpu.memory_space<vmem>>, vector<16xf32>,
    %get3A_574 = arith.constant 0 : i32
    %get3A_575 = arith.index_cast %get3A_574 : i32 to index
    %get3A_576 = arith.constant 96 : index
    %get3A_577 = tpu.vector_load %arg10[%get3A_575, %get3A_576] {strides = array<i32>} : memref<2x128xf32, #tpu.memory_space<vmem>>, vector<16xf32>,
    %get3A_578 = arith.constant 0 : i32
    %get3A_579 = arith.index_cast %get3A_578 : i32 to index
    %get3A_580 = arith.constant 112 : index
    %get3A_581 = tpu.vector_load %arg10[%get3A_579, %get3A_580] {strides = array<i32>} : memref<2x128xf32, #tpu.memory_space<vmem>>, vector<16xf32>,
    %get3A_582 = arith.constant 1 : i32
    %get3A_583 = arith.index_cast %get3A_582 : i32 to index
    %get3A_584 = arith.constant 0 : index
    %get3A_585 = tpu.vector_load %arg10[%get3A_583, %get3A_584] {strides = array<i32>} : memref<2x128xf32, #tpu.memory_space<vmem>>, vector<16xf32>,
    %broadcast_in_dim3A_586 = arith.constant 0.000000e+00 : f32
    %broadcast_in_dim3A_587 = vector.broadcast %broadcast_in_dim3A_586 : f32 to vector<16xf32>
    %broadcast_in_dim3A_588 = arith.constant 0xFF800000 : f32
    %broadcast_in_dim3A_589 = vector.broadcast %broadcast_in_dim3A_588 : f32 to vector<16xf32>
    %swap3A_590 = arith.constant 0 : i32
    %swap3A_591 = arith.index_cast %swap3A_590 : i32 to index
    %swap3A_592 = arith.constant 0 : index
    %swap3A_593 = tpu.vector_load %arg11[%swap3A_591, %swap3A_592] {strides = array<i32>} : memref<8x256xf32, #tpu.memory_space<vmem>>, vector<16xf32>,
    tpu.vector_store %arg11[%swap3A_591, %swap3A_592], %broadcast_in_dim3A_587 {strides = array<i32>} : memref<8x256xf32, #tpu.memory_space<vmem>>, vector<16xf32>,
    %swap3A_594 = arith.constant 0 : i32
    %swap3A_595 = arith.index_cast %swap3A_594 : i32 to index
    %swap3A_596 = arith.constant 128 : index
    %swap3A_597 = tpu.vector_load %arg11[%swap3A_595, %swap3A_596] {strides = array<i32>} : memref<8x256xf32, #tpu.memory_space<vmem>>, vector<16xf32>,
    tpu.vector_store %arg11[%swap3A_595, %swap3A_596], %broadcast_in_dim3A_589 {strides = array<i32>} : memref<8x256xf32, #tpu.memory_space<vmem>>, vector<16xf32>,
    %swap3A_598 = arith.constant 0 : i32
    %swap3A_599 = arith.index_cast %swap3A_598 : i32 to index
    %swap3A_600 = arith.constant 16 : index
    %swap3A_601 = tpu.vector_load %arg11[%swap3A_599, %swap3A_600] {strides = array<i32>} : memref<8x256xf32, #tpu.memory_space<vmem>>, vector<16xf32>,
    tpu.vector_store %arg11[%swap3A_599, %swap3A_600], %broadcast_in_dim3A_587 {strides = array<i32>} : memref<8x256xf32, #tpu.memory_space<vmem>>, vector<16xf32>,
    %swap3A_602 = arith.constant 0 : i32
    %swap3A_603 = arith.index_cast %swap3A_602 : i32 to index
    %swap3A_604 = arith.constant 144 : index
    %swap3A_605 = tpu.vector_load %arg11[%swap3A_603, %swap3A_604] {strides = array<i32>} : memref<8x256xf32, #tpu.memory_space<vmem>>, vector<16xf32>,
    tpu.vector_store %arg11[%swap3A_603, %swap3A_604], %broadcast_in_dim3A_589 {strides = array<i32>} : memref<8x256xf32, #tpu.memory_space<vmem>>, vector<16xf32>,
    %swap3A_606 = arith.constant 0 : i32
    %swap3A_607 = arith.index_cast %swap3A_606 : i32 to index
    %swap3A_608 = arith.constant 32 : index
    %swap3A_609 = tpu.vector_load %arg11[%swap3A_607, %swap3A_608] {strides = array<i32>} : memref<8x256xf32, #tpu.memory_space<vmem>>, vector<16xf32>,
    tpu.vector_store %arg11[%swap3A_607, %swap3A_608], %broadcast_in_dim3A_587 {strides = array<i32>} : memref<8x256xf32, #tpu.memory_space<vmem>>, vector<16xf32>,
    %swap3A_610 = arith.constant 0 : i32
    %swap3A_611 = arith.index_cast %swap3A_610 : i32 to index
    %swap3A_612 = arith.constant 160 : index
    %swap3A_613 = tpu.vector_load %arg11[%swap3A_611, %swap3A_612] {strides = array<i32>} : memref<8x256xf32, #tpu.memory_space<vmem>>, vector<16xf32>,
    tpu.vector_store %arg11[%swap3A_611, %swap3A_612], %broadcast_in_dim3A_589 {strides = array<i32>} : memref<8x256xf32, #tpu.memory_space<vmem>>, vector<16xf32>,
    %swap3A_614 = arith.constant 0 : i32
    %swap3A_615 = arith.index_cast %swap3A_614 : i32 to index
    %swap3A_616 = arith.constant 48 : index
    %swap3A_617 = tpu.vector_load %arg11[%swap3A_615, %swap3A_616] {strides = array<i32>} : memref<8x256xf32, #tpu.memory_space<vmem>>, vector<16xf32>,
    tpu.vector_store %arg11[%swap3A_615, %swap3A_616], %broadcast_in_dim3A_587 {strides = array<i32>} : memref<8x256xf32, #tpu.memory_space<vmem>>, vector<16xf32>,
    %swap3A_618 = arith.constant 0 : i32
    %swap3A_619 = arith.index_cast %swap3A_618 : i32 to index
    %swap3A_620 = arith.constant 176 : index
    %swap3A_621 = tpu.vector_load %arg11[%swap3A_619, %swap3A_620] {strides = array<i32>} : memref<8x256xf32, #tpu.memory_space<vmem>>, vector<16xf32>,
    tpu.vector_store %arg11[%swap3A_619, %swap3A_620], %broadcast_in_dim3A_589 {strides = array<i32>} : memref<8x256xf32, #tpu.memory_space<vmem>>, vector<16xf32>,
    %swap3A_622 = arith.constant 0 : i32
    %swap3A_623 = arith.index_cast %swap3A_622 : i32 to index
    %swap3A_624 = arith.constant 64 : index
    %swap3A_625 = tpu.vector_load %arg11[%swap3A_623, %swap3A_624] {strides = array<i32>} : memref<8x256xf32, #tpu.memory_space<vmem>>, vector<16xf32>,
    tpu.vector_store %arg11[%swap3A_623, %swap3A_624], %broadcast_in_dim3A_587 {strides = array<i32>} : memref<8x256xf32, #tpu.memory_space<vmem>>, vector<16xf32>,
    %swap3A_626 = arith.constant 0 : i32
    %swap3A_627 = arith.index_cast %swap3A_626 : i32 to index
    %swap3A_628 = arith.constant 192 : index
    %swap3A_629 = tpu.vector_load %arg11[%swap3A_627, %swap3A_628] {strides = array<i32>} : memref<8x256xf32, #tpu.memory_space<vmem>>, vector<16xf32>,
    tpu.vector_store %arg11[%swap3A_627, %swap3A_628], %broadcast_in_dim3A_589 {strides = array<i32>} : memref<8x256xf32, #tpu.memory_space<vmem>>, vector<16xf32>,
    %swap3A_630 = arith.constant 0 : i32
    %swap3A_631 = arith.index_cast %swap3A_630 : i32 to index
    %swap3A_632 = arith.constant 80 : index
    %swap3A_633 = tpu.vector_load %arg11[%swap3A_631, %swap3A_632] {strides = array<i32>} : memref<8x256xf32, #tpu.memory_space<vmem>>, vector<16xf32>,
    tpu.vector_store %arg11[%swap3A_631, %swap3A_632], %broadcast_in_dim3A_587 {strides = array<i32>} : memref<8x256xf32, #tpu.memory_space<vmem>>, vector<16xf32>,
    %swap3A_634 = arith.constant 0 : i32
    %swap3A_635 = arith.index_cast %swap3A_634 : i32 to index
    %swap3A_636 = arith.constant 208 : index
    %swap3A_637 = tpu.vector_load %arg11[%swap3A_635, %swap3A_636] {strides = array<i32>} : memref<8x256xf32, #tpu.memory_space<vmem>>, vector<16xf32>,
    tpu.vector_store %arg11[%swap3A_635, %swap3A_636], %broadcast_in_dim3A_589 {strides = array<i32>} : memref<8x256xf32, #tpu.memory_space<vmem>>, vector<16xf32>,
    %swap3A_638 = arith.constant 0 : i32
    %swap3A_639 = arith.index_cast %swap3A_638 : i32 to index
    %swap3A_640 = arith.constant 96 : index
    %swap3A_641 = tpu.vector_load %arg11[%swap3A_639, %swap3A_640] {strides = array<i32>} : memref<8x256xf32, #tpu.memory_space<vmem>>, vector<16xf32>,
    tpu.vector_store %arg11[%swap3A_639, %swap3A_640], %broadcast_in_dim3A_587 {strides = array<i32>} : memref<8x256xf32, #tpu.memory_space<vmem>>, vector<16xf32>,
    %swap3A_642 = arith.constant 0 : i32
    %swap3A_643 = arith.index_cast %swap3A_642 : i32 to index
    %swap3A_644 = arith.constant 224 : index
    %swap3A_645 = tpu.vector_load %arg11[%swap3A_643, %swap3A_644] {strides = array<i32>} : memref<8x256xf32, #tpu.memory_space<vmem>>, vector<16xf32>,
    tpu.vector_store %arg11[%swap3A_643, %swap3A_644], %broadcast_in_dim3A_589 {strides = array<i32>} : memref<8x256xf32, #tpu.memory_space<vmem>>, vector<16xf32>,
    %swap3A_646 = arith.constant 0 : i32
    %swap3A_647 = arith.index_cast %swap3A_646 : i32 to index
    %swap3A_648 = arith.constant 112 : index
    %swap3A_649 = tpu.vector_load %arg11[%swap3A_647, %swap3A_648] {strides = array<i32>} : memref<8x256xf32, #tpu.memory_space<vmem>>, vector<16xf32>,
    tpu.vector_store %arg11[%swap3A_647, %swap3A_648], %broadcast_in_dim3A_587 {strides = array<i32>} : memref<8x256xf32, #tpu.memory_space<vmem>>, vector<16xf32>,
    %swap3A_650 = arith.constant 0 : i32
    %swap3A_651 = arith.index_cast %swap3A_650 : i32 to index
    %swap3A_652 = arith.constant 240 : index
    %swap3A_653 = tpu.vector_load %arg11[%swap3A_651, %swap3A_652] {strides = array<i32>} : memref<8x256xf32, #tpu.memory_space<vmem>>, vector<16xf32>,
    tpu.vector_store %arg11[%swap3A_651, %swap3A_652], %broadcast_in_dim3A_589 {strides = array<i32>} : memref<8x256xf32, #tpu.memory_space<vmem>>, vector<16xf32>,
    %swap3A_654 = arith.constant 1 : i32
    %swap3A_655 = arith.index_cast %swap3A_654 : i32 to index
    %swap3A_656 = arith.constant 0 : index
    %swap3A_657 = tpu.vector_load %arg11[%swap3A_655, %swap3A_656] {strides = array<i32>} : memref<8x256xf32, #tpu.memory_space<vmem>>, vector<16xf32>,
    tpu.vector_store %arg11[%swap3A_655, %swap3A_656], %broadcast_in_dim3A_587 {strides = array<i32>} : memref<8x256xf32, #tpu.memory_space<vmem>>, vector<16xf32>,
    %swap3A_658 = arith.constant 1 : i32
    %swap3A_659 = arith.index_cast %swap3A_658 : i32 to index
    %swap3A_660 = arith.constant 128 : index
    %swap3A_661 = tpu.vector_load %arg11[%swap3A_659, %swap3A_660] {strides = array<i32>} : memref<8x256xf32, #tpu.memory_space<vmem>>, vector<16xf32>,
    tpu.vector_store %arg11[%swap3A_659, %swap3A_660], %broadcast_in_dim3A_589 {strides = array<i32>} : memref<8x256xf32, #tpu.memory_space<vmem>>, vector<16xf32>,
    %swap3A_662 = arith.constant 1 : i32
    %swap3A_663 = arith.index_cast %swap3A_662 : i32 to index
    %swap3A_664 = arith.constant 16 : index
    %swap3A_665 = tpu.vector_load %arg11[%swap3A_663, %swap3A_664] {strides = array<i32>} : memref<8x256xf32, #tpu.memory_space<vmem>>, vector<16xf32>,
    tpu.vector_store %arg11[%swap3A_663, %swap3A_664], %broadcast_in_dim3A_587 {strides = array<i32>} : memref<8x256xf32, #tpu.memory_space<vmem>>, vector<16xf32>,
    %swap3A_666 = arith.constant 1 : i32
    %swap3A_667 = arith.index_cast %swap3A_666 : i32 to index
    %swap3A_668 = arith.constant 144 : index
    %swap3A_669 = tpu.vector_load %arg11[%swap3A_667, %swap3A_668] {strides = array<i32>} : memref<8x256xf32, #tpu.memory_space<vmem>>, vector<16xf32>,
    tpu.vector_store %arg11[%swap3A_667, %swap3A_668], %broadcast_in_dim3A_589 {strides = array<i32>} : memref<8x256xf32, #tpu.memory_space<vmem>>, vector<16xf32>,
    %swap3A_670 = arith.constant 1 : i32
    %swap3A_671 = arith.index_cast %swap3A_670 : i32 to index
    %swap3A_672 = arith.constant 32 : index
    %swap3A_673 = tpu.vector_load %arg11[%swap3A_671, %swap3A_672] {strides = array<i32>} : memref<8x256xf32, #tpu.memory_space<vmem>>, vector<16xf32>,
    tpu.vector_store %arg11[%swap3A_671, %swap3A_672], %broadcast_in_dim3A_587 {strides = array<i32>} : memref<8x256xf32, #tpu.memory_space<vmem>>, vector<16xf32>,
    %swap3A_674 = arith.constant 1 : i32
    %swap3A_675 = arith.index_cast %swap3A_674 : i32 to index
    %swap3A_676 = arith.constant 160 : index
    %swap3A_677 = tpu.vector_load %arg11[%swap3A_675, %swap3A_676] {strides = array<i32>} : memref<8x256xf32, #tpu.memory_space<vmem>>, vector<16xf32>,
    tpu.vector_store %arg11[%swap3A_675, %swap3A_676], %broadcast_in_dim3A_589 {strides = array<i32>} : memref<8x256xf32, #tpu.memory_space<vmem>>, vector<16xf32>,
    %swap3A_678 = arith.constant 1 : i32
    %swap3A_679 = arith.index_cast %swap3A_678 : i32 to index
    %swap3A_680 = arith.constant 48 : index
    %swap3A_681 = tpu.vector_load %arg11[%swap3A_679, %swap3A_680] {strides = array<i32>} : memref<8x256xf32, #tpu.memory_space<vmem>>, vector<16xf32>,
    tpu.vector_store %arg11[%swap3A_679, %swap3A_680], %broadcast_in_dim3A_587 {strides = array<i32>} : memref<8x256xf32, #tpu.memory_space<vmem>>, vector<16xf32>,
    %swap3A_682 = arith.constant 1 : i32
    %swap3A_683 = arith.index_cast %swap3A_682 : i32 to index
    %swap3A_684 = arith.constant 176 : index
    %swap3A_685 = tpu.vector_load %arg11[%swap3A_683, %swap3A_684] {strides = array<i32>} : memref<8x256xf32, #tpu.memory_space<vmem>>, vector<16xf32>,
    tpu.vector_store %arg11[%swap3A_683, %swap3A_684], %broadcast_in_dim3A_589 {strides = array<i32>} : memref<8x256xf32, #tpu.memory_space<vmem>>, vector<16xf32>,
    %swap3A_686 = arith.constant 1 : i32
    %swap3A_687 = arith.index_cast %swap3A_686 : i32 to index
    %swap3A_688 = arith.constant 64 : index
    %swap3A_689 = tpu.vector_load %arg11[%swap3A_687, %swap3A_688] {strides = array<i32>} : memref<8x256xf32, #tpu.memory_space<vmem>>, vector<16xf32>,
    tpu.vector_store %arg11[%swap3A_687, %swap3A_688], %broadcast_in_dim3A_587 {strides = array<i32>} : memref<8x256xf32, #tpu.memory_space<vmem>>, vector<16xf32>,
    %swap3A_690 = arith.constant 1 : i32
    %swap3A_691 = arith.index_cast %swap3A_690 : i32 to index
    %swap3A_692 = arith.constant 192 : index
    %swap3A_693 = tpu.vector_load %arg11[%swap3A_691, %swap3A_692] {strides = array<i32>} : memref<8x256xf32, #tpu.memory_space<vmem>>, vector<16xf32>,
    tpu.vector_store %arg11[%swap3A_691, %swap3A_692], %broadcast_in_dim3A_589 {strides = array<i32>} : memref<8x256xf32, #tpu.memory_space<vmem>>, vector<16xf32>,
    %swap3A_694 = arith.constant 1 : i32
    %swap3A_695 = arith.index_cast %swap3A_694 : i32 to index
    %swap3A_696 = arith.constant 80 : index
    %swap3A_697 = tpu.vector_load %arg11[%swap3A_695, %swap3A_696] {strides = array<i32>} : memref<8x256xf32, #tpu.memory_space<vmem>>, vector<16xf32>,
    tpu.vector_store %arg11[%swap3A_695, %swap3A_696], %broadcast_in_dim3A_587 {strides = array<i32>} : memref<8x256xf32, #tpu.memory_space<vmem>>, vector<16xf32>,
    %swap3A_698 = arith.constant 1 : i32
    %swap3A_699 = arith.index_cast %swap3A_698 : i32 to index
    %swap3A_700 = arith.constant 208 : index
    %swap3A_701 = tpu.vector_load %arg11[%swap3A_699, %swap3A_700] {strides = array<i32>} : memref<8x256xf32, #tpu.memory_space<vmem>>, vector<16xf32>,
    tpu.vector_store %arg11[%swap3A_699, %swap3A_700], %broadcast_in_dim3A_589 {strides = array<i32>} : memref<8x256xf32, #tpu.memory_space<vmem>>, vector<16xf32>,
    %swap3A_702 = arith.constant 1 : i32
    %swap3A_703 = arith.index_cast %swap3A_702 : i32 to index
    %swap3A_704 = arith.constant 96 : index
    %swap3A_705 = tpu.vector_load %arg11[%swap3A_703, %swap3A_704] {strides = array<i32>} : memref<8x256xf32, #tpu.memory_space<vmem>>, vector<16xf32>,
    tpu.vector_store %arg11[%swap3A_703, %swap3A_704], %broadcast_in_dim3A_587 {strides = array<i32>} : memref<8x256xf32, #tpu.memory_space<vmem>>, vector<16xf32>,
    %swap3A_706 = arith.constant 1 : i32
    %swap3A_707 = arith.index_cast %swap3A_706 : i32 to index
    %swap3A_708 = arith.constant 224 : index
    %swap3A_709 = tpu.vector_load %arg11[%swap3A_707, %swap3A_708] {strides = array<i32>} : memref<8x256xf32, #tpu.memory_space<vmem>>, vector<16xf32>,
    tpu.vector_store %arg11[%swap3A_707, %swap3A_708], %broadcast_in_dim3A_589 {strides = array<i32>} : memref<8x256xf32, #tpu.memory_space<vmem>>, vector<16xf32>,
    %swap3A_710 = arith.constant 1 : i32
    %swap3A_711 = arith.index_cast %swap3A_710 : i32 to index
    %swap3A_712 = arith.constant 112 : index
    %swap3A_713 = tpu.vector_load %arg11[%swap3A_711, %swap3A_712] {strides = array<i32>} : memref<8x256xf32, #tpu.memory_space<vmem>>, vector<16xf32>,
    tpu.vector_store %arg11[%swap3A_711, %swap3A_712], %broadcast_in_dim3A_587 {strides = array<i32>} : memref<8x256xf32, #tpu.memory_space<vmem>>, vector<16xf32>,
    %swap3A_714 = arith.constant 1 : i32
    %swap3A_715 = arith.index_cast %swap3A_714 : i32 to index
    %swap3A_716 = arith.constant 240 : index
    %swap3A_717 = tpu.vector_load %arg11[%swap3A_715, %swap3A_716] {strides = array<i32>} : memref<8x256xf32, #tpu.memory_space<vmem>>, vector<16xf32>,
    tpu.vector_store %arg11[%swap3A_715, %swap3A_716], %broadcast_in_dim3A_589 {strides = array<i32>} : memref<8x256xf32, #tpu.memory_space<vmem>>, vector<16xf32>,
    %swap3A_718 = arith.constant 2 : i32
    %swap3A_719 = arith.index_cast %swap3A_718 : i32 to index
    %swap3A_720 = arith.constant 0 : index
    %swap3A_721 = tpu.vector_load %arg11[%swap3A_719, %swap3A_720] {strides = array<i32>} : memref<8x256xf32, #tpu.memory_space<vmem>>, vector<16xf32>,
    tpu.vector_store %arg11[%swap3A_719, %swap3A_720], %broadcast_in_dim3A_587 {strides = array<i32>} : memref<8x256xf32, #tpu.memory_space<vmem>>, vector<16xf32>,
    %swap3A_722 = arith.constant 2 : i32
    %swap3A_723 = arith.index_cast %swap3A_722 : i32 to index
    %swap3A_724 = arith.constant 128 : index
    %swap3A_725 = tpu.vector_load %arg11[%swap3A_723, %swap3A_724] {strides = array<i32>} : memref<8x256xf32, #tpu.memory_space<vmem>>, vector<16xf32>,
    tpu.vector_store %arg11[%swap3A_723, %swap3A_724], %broadcast_in_dim3A_589 {strides = array<i32>} : memref<8x256xf32, #tpu.memory_space<vmem>>, vector<16xf32>,
    %swap3A_726 = arith.constant 2 : i32
    %swap3A_727 = arith.index_cast %swap3A_726 : i32 to index
    %swap3A_728 = arith.constant 16 : index
    %swap3A_729 = tpu.vector_load %arg11[%swap3A_727, %swap3A_728] {strides = array<i32>} : memref<8x256xf32, #tpu.memory_space<vmem>>, vector<16xf32>,
    tpu.vector_store %arg11[%swap3A_727, %swap3A_728], %broadcast_in_dim3A_587 {strides = array<i32>} : memref<8x256xf32, #tpu.memory_space<vmem>>, vector<16xf32>,
    %swap3A_730 = arith.constant 2 : i32
    %swap3A_731 = arith.index_cast %swap3A_730 : i32 to index
    %swap3A_732 = arith.constant 144 : index
    %swap3A_733 = tpu.vector_load %arg11[%swap3A_731, %swap3A_732] {strides = array<i32>} : memref<8x256xf32, #tpu.memory_space<vmem>>, vector<16xf32>,
    tpu.vector_store %arg11[%swap3A_731, %swap3A_732], %broadcast_in_dim3A_589 {strides = array<i32>} : memref<8x256xf32, #tpu.memory_space<vmem>>, vector<16xf32>,
    %swap3A_734 = arith.constant 2 : i32
    %swap3A_735 = arith.index_cast %swap3A_734 : i32 to index
    %swap3A_736 = arith.constant 32 : index
    %swap3A_737 = tpu.vector_load %arg11[%swap3A_735, %swap3A_736] {strides = array<i32>} : memref<8x256xf32, #tpu.memory_space<vmem>>, vector<16xf32>,
    tpu.vector_store %arg11[%swap3A_735, %swap3A_736], %broadcast_in_dim3A_587 {strides = array<i32>} : memref<8x256xf32, #tpu.memory_space<vmem>>, vector<16xf32>,
    %swap3A_738 = arith.constant 2 : i32
    %swap3A_739 = arith.index_cast %swap3A_738 : i32 to index
    %swap3A_740 = arith.constant 160 : index
    %swap3A_741 = tpu.vector_load %arg11[%swap3A_739, %swap3A_740] {strides = array<i32>} : memref<8x256xf32, #tpu.memory_space<vmem>>, vector<16xf32>,
    tpu.vector_store %arg11[%swap3A_739, %swap3A_740], %broadcast_in_dim3A_589 {strides = array<i32>} : memref<8x256xf32, #tpu.memory_space<vmem>>, vector<16xf32>,
    %swap3A_742 = arith.constant 2 : i32
    %swap3A_743 = arith.index_cast %swap3A_742 : i32 to index
    %swap3A_744 = arith.constant 48 : index
    %swap3A_745 = tpu.vector_load %arg11[%swap3A_743, %swap3A_744] {strides = array<i32>} : memref<8x256xf32, #tpu.memory_space<vmem>>, vector<16xf32>,
    tpu.vector_store %arg11[%swap3A_743, %swap3A_744], %broadcast_in_dim3A_587 {strides = array<i32>} : memref<8x256xf32, #tpu.memory_space<vmem>>, vector<16xf32>,
    %swap3A_746 = arith.constant 2 : i32
    %swap3A_747 = arith.index_cast %swap3A_746 : i32 to index
    %swap3A_748 = arith.constant 176 : index
    %swap3A_749 = tpu.vector_load %arg11[%swap3A_747, %swap3A_748] {strides = array<i32>} : memref<8x256xf32, #tpu.memory_space<vmem>>, vector<16xf32>,
    tpu.vector_store %arg11[%swap3A_747, %swap3A_748], %broadcast_in_dim3A_589 {strides = array<i32>} : memref<8x256xf32, #tpu.memory_space<vmem>>, vector<16xf32>,
    %swap3A_750 = arith.constant 2 : i32
    %swap3A_751 = arith.index_cast %swap3A_750 : i32 to index
    %swap3A_752 = arith.constant 64 : index
    %swap3A_753 = tpu.vector_load %arg11[%swap3A_751, %swap3A_752] {strides = array<i32>} : memref<8x256xf32, #tpu.memory_space<vmem>>, vector<16xf32>,
    tpu.vector_store %arg11[%swap3A_751, %swap3A_752], %broadcast_in_dim3A_587 {strides = array<i32>} : memref<8x256xf32, #tpu.memory_space<vmem>>, vector<16xf32>,
    %swap3A_754 = arith.constant 2 : i32
    %swap3A_755 = arith.index_cast %swap3A_754 : i32 to index
    %swap3A_756 = arith.constant 192 : index
    %swap3A_757 = tpu.vector_load %arg11[%swap3A_755, %swap3A_756] {strides = array<i32>} : memref<8x256xf32, #tpu.memory_space<vmem>>, vector<16xf32>,
    tpu.vector_store %arg11[%swap3A_755, %swap3A_756], %broadcast_in_dim3A_589 {strides = array<i32>} : memref<8x256xf32, #tpu.memory_space<vmem>>, vector<16xf32>,
    %swap3A_758 = arith.constant 2 : i32
    %swap3A_759 = arith.index_cast %swap3A_758 : i32 to index
    %swap3A_760 = arith.constant 80 : index
    %swap3A_761 = tpu.vector_load %arg11[%swap3A_759, %swap3A_760] {strides = array<i32>} : memref<8x256xf32, #tpu.memory_space<vmem>>, vector<16xf32>,
    tpu.vector_store %arg11[%swap3A_759, %swap3A_760], %broadcast_in_dim3A_587 {strides = array<i32>} : memref<8x256xf32, #tpu.memory_space<vmem>>, vector<16xf32>,
    %swap3A_762 = arith.constant 2 : i32
    %swap3A_763 = arith.index_cast %swap3A_762 : i32 to index
    %swap3A_764 = arith.constant 208 : index
    %swap3A_765 = tpu.vector_load %arg11[%swap3A_763, %swap3A_764] {strides = array<i32>} : memref<8x256xf32, #tpu.memory_space<vmem>>, vector<16xf32>,
    tpu.vector_store %arg11[%swap3A_763, %swap3A_764], %broadcast_in_dim3A_589 {strides = array<i32>} : memref<8x256xf32, #tpu.memory_space<vmem>>, vector<16xf32>,
    %swap3A_766 = arith.constant 2 : i32
    %swap3A_767 = arith.index_cast %swap3A_766 : i32 to index
    %swap3A_768 = arith.constant 96 : index
    %swap3A_769 = tpu.vector_load %arg11[%swap3A_767, %swap3A_768] {strides = array<i32>} : memref<8x256xf32, #tpu.memory_space<vmem>>, vector<16xf32>,
    tpu.vector_store %arg11[%swap3A_767, %swap3A_768], %broadcast_in_dim3A_587 {strides = array<i32>} : memref<8x256xf32, #tpu.memory_space<vmem>>, vector<16xf32>,
    %swap3A_770 = arith.constant 2 : i32
    %swap3A_771 = arith.index_cast %swap3A_770 : i32 to index
    %swap3A_772 = arith.constant 224 : index
    %swap3A_773 = tpu.vector_load %arg11[%swap3A_771, %swap3A_772] {strides = array<i32>} : memref<8x256xf32, #tpu.memory_space<vmem>>, vector<16xf32>,
    tpu.vector_store %arg11[%swap3A_771, %swap3A_772], %broadcast_in_dim3A_589 {strides = array<i32>} : memref<8x256xf32, #tpu.memory_space<vmem>>, vector<16xf32>,
    %swap3A_774 = arith.constant 2 : i32
    %swap3A_775 = arith.index_cast %swap3A_774 : i32 to index
    %swap3A_776 = arith.constant 112 : index
    %swap3A_777 = tpu.vector_load %arg11[%swap3A_775, %swap3A_776] {strides = array<i32>} : memref<8x256xf32, #tpu.memory_space<vmem>>, vector<16xf32>,
    tpu.vector_store %arg11[%swap3A_775, %swap3A_776], %broadcast_in_dim3A_587 {strides = array<i32>} : memref<8x256xf32, #tpu.memory_space<vmem>>, vector<16xf32>,
    %swap3A_778 = arith.constant 2 : i32
    %swap3A_779 = arith.index_cast %swap3A_778 : i32 to index
    %swap3A_780 = arith.constant 240 : index
    %swap3A_781 = tpu.vector_load %arg11[%swap3A_779, %swap3A_780] {strides = array<i32>} : memref<8x256xf32, #tpu.memory_space<vmem>>, vector<16xf32>,
    tpu.vector_store %arg11[%swap3A_779, %swap3A_780], %broadcast_in_dim3A_589 {strides = array<i32>} : memref<8x256xf32, #tpu.memory_space<vmem>>, vector<16xf32>,
    %swap3A_782 = arith.constant 3 : i32
    %swap3A_783 = arith.index_cast %swap3A_782 : i32 to index
    %swap3A_784 = arith.constant 0 : index
    %swap3A_785 = tpu.vector_load %arg11[%swap3A_783, %swap3A_784] {strides = array<i32>} : memref<8x256xf32, #tpu.memory_space<vmem>>, vector<16xf32>,
    tpu.vector_store %arg11[%swap3A_783, %swap3A_784], %broadcast_in_dim3A_587 {strides = array<i32>} : memref<8x256xf32, #tpu.memory_space<vmem>>, vector<16xf32>,
    %swap3A_786 = arith.constant 3 : i32
    %swap3A_787 = arith.index_cast %swap3A_786 : i32 to index
    %swap3A_788 = arith.constant 128 : index
    %swap3A_789 = tpu.vector_load %arg11[%swap3A_787, %swap3A_788] {strides = array<i32>} : memref<8x256xf32, #tpu.memory_space<vmem>>, vector<16xf32>,
    tpu.vector_store %arg11[%swap3A_787, %swap3A_788], %broadcast_in_dim3A_589 {strides = array<i32>} : memref<8x256xf32, #tpu.memory_space<vmem>>, vector<16xf32>,
    %swap3A_790 = arith.constant 3 : i32
    %swap3A_791 = arith.index_cast %swap3A_790 : i32 to index
    %swap3A_792 = arith.constant 16 : index
    %swap3A_793 = tpu.vector_load %arg11[%swap3A_791, %swap3A_792] {strides = array<i32>} : memref<8x256xf32, #tpu.memory_space<vmem>>, vector<16xf32>,
    tpu.vector_store %arg11[%swap3A_791, %swap3A_792], %broadcast_in_dim3A_587 {strides = array<i32>} : memref<8x256xf32, #tpu.memory_space<vmem>>, vector<16xf32>,
    %swap3A_794 = arith.constant 3 : i32
    %swap3A_795 = arith.index_cast %swap3A_794 : i32 to index
    %swap3A_796 = arith.constant 144 : index
    %swap3A_797 = tpu.vector_load %arg11[%swap3A_795, %swap3A_796] {strides = array<i32>} : memref<8x256xf32, #tpu.memory_space<vmem>>, vector<16xf32>,
    tpu.vector_store %arg11[%swap3A_795, %swap3A_796], %broadcast_in_dim3A_589 {strides = array<i32>} : memref<8x256xf32, #tpu.memory_space<vmem>>, vector<16xf32>,
    %swap3A_798 = arith.constant 3 : i32
    %swap3A_799 = arith.index_cast %swap3A_798 : i32 to index
    %swap3A_800 = arith.constant 32 : index
    %swap3A_801 = tpu.vector_load %arg11[%swap3A_799, %swap3A_800] {strides = array<i32>} : memref<8x256xf32, #tpu.memory_space<vmem>>, vector<16xf32>,
    tpu.vector_store %arg11[%swap3A_799, %swap3A_800], %broadcast_in_dim3A_587 {strides = array<i32>} : memref<8x256xf32, #tpu.memory_space<vmem>>, vector<16xf32>,
    %swap3A_802 = arith.constant 3 : i32
    %swap3A_803 = arith.index_cast %swap3A_802 : i32 to index
    %swap3A_804 = arith.constant 160 : index
    %swap3A_805 = tpu.vector_load %arg11[%swap3A_803, %swap3A_804] {strides = array<i32>} : memref<8x256xf32, #tpu.memory_space<vmem>>, vector<16xf32>,
    tpu.vector_store %arg11[%swap3A_803, %swap3A_804], %broadcast_in_dim3A_589 {strides = array<i32>} : memref<8x256xf32, #tpu.memory_space<vmem>>, vector<16xf32>,
    %swap3A_806 = arith.constant 3 : i32
    %swap3A_807 = arith.index_cast %swap3A_806 : i32 to index
    %swap3A_808 = arith.constant 48 : index
    %swap3A_809 = tpu.vector_load %arg11[%swap3A_807, %swap3A_808] {strides = array<i32>} : memref<8x256xf32, #tpu.memory_space<vmem>>, vector<16xf32>,
    tpu.vector_store %arg11[%swap3A_807, %swap3A_808], %broadcast_in_dim3A_587 {strides = array<i32>} : memref<8x256xf32, #tpu.memory_space<vmem>>, vector<16xf32>,
    %swap3A_810 = arith.constant 3 : i32
    %swap3A_811 = arith.index_cast %swap3A_810 : i32 to index
    %swap3A_812 = arith.constant 176 : index
    %swap3A_813 = tpu.vector_load %arg11[%swap3A_811, %swap3A_812] {strides = array<i32>} : memref<8x256xf32, #tpu.memory_space<vmem>>, vector<16xf32>,
    tpu.vector_store %arg11[%swap3A_811, %swap3A_812], %broadcast_in_dim3A_589 {strides = array<i32>} : memref<8x256xf32, #tpu.memory_space<vmem>>, vector<16xf32>,
    %swap3A_814 = arith.constant 3 : i32
    %swap3A_815 = arith.index_cast %swap3A_814 : i32 to index
    %swap3A_816 = arith.constant 64 : index
    %swap3A_817 = tpu.vector_load %arg11[%swap3A_815, %swap3A_816] {strides = array<i32>} : memref<8x256xf32, #tpu.memory_space<vmem>>, vector<16xf32>,
    tpu.vector_store %arg11[%swap3A_815, %swap3A_816], %broadcast_in_dim3A_587 {strides = array<i32>} : memref<8x256xf32, #tpu.memory_space<vmem>>, vector<16xf32>,
    %swap3A_818 = arith.constant 3 : i32
    %swap3A_819 = arith.index_cast %swap3A_818 : i32 to index
    %swap3A_820 = arith.constant 192 : index
    %swap3A_821 = tpu.vector_load %arg11[%swap3A_819, %swap3A_820] {strides = array<i32>} : memref<8x256xf32, #tpu.memory_space<vmem>>, vector<16xf32>,
    tpu.vector_store %arg11[%swap3A_819, %swap3A_820], %broadcast_in_dim3A_589 {strides = array<i32>} : memref<8x256xf32, #tpu.memory_space<vmem>>, vector<16xf32>,
    %swap3A_822 = arith.constant 3 : i32
    %swap3A_823 = arith.index_cast %swap3A_822 : i32 to index
    %swap3A_824 = arith.constant 80 : index
    %swap3A_825 = tpu.vector_load %arg11[%swap3A_823, %swap3A_824] {strides = array<i32>} : memref<8x256xf32, #tpu.memory_space<vmem>>, vector<16xf32>,
    tpu.vector_store %arg11[%swap3A_823, %swap3A_824], %broadcast_in_dim3A_587 {strides = array<i32>} : memref<8x256xf32, #tpu.memory_space<vmem>>, vector<16xf32>,
    %swap3A_826 = arith.constant 3 : i32
    %swap3A_827 = arith.index_cast %swap3A_826 : i32 to index
    %swap3A_828 = arith.constant 208 : index
    %swap3A_829 = tpu.vector_load %arg11[%swap3A_827, %swap3A_828] {strides = array<i32>} : memref<8x256xf32, #tpu.memory_space<vmem>>, vector<16xf32>,
    tpu.vector_store %arg11[%swap3A_827, %swap3A_828], %broadcast_in_dim3A_589 {strides = array<i32>} : memref<8x256xf32, #tpu.memory_space<vmem>>, vector<16xf32>,
    %swap3A_830 = arith.constant 3 : i32
    %swap3A_831 = arith.index_cast %swap3A_830 : i32 to index
    %swap3A_832 = arith.constant 96 : index
    %swap3A_833 = tpu.vector_load %arg11[%swap3A_831, %swap3A_832] {strides = array<i32>} : memref<8x256xf32, #tpu.memory_space<vmem>>, vector<16xf32>,
    tpu.vector_store %arg11[%swap3A_831, %swap3A_832], %broadcast_in_dim3A_587 {strides = array<i32>} : memref<8x256xf32, #tpu.memory_space<vmem>>, vector<16xf32>,
    %swap3A_834 = arith.constant 3 : i32
    %swap3A_835 = arith.index_cast %swap3A_834 : i32 to index
    %swap3A_836 = arith.constant 224 : index
    %swap3A_837 = tpu.vector_load %arg11[%swap3A_835, %swap3A_836] {strides = array<i32>} : memref<8x256xf32, #tpu.memory_space<vmem>>, vector<16xf32>,
    tpu.vector_store %arg11[%swap3A_835, %swap3A_836], %broadcast_in_dim3A_589 {strides = array<i32>} : memref<8x256xf32, #tpu.memory_space<vmem>>, vector<16xf32>,
    %swap3A_838 = arith.constant 3 : i32
    %swap3A_839 = arith.index_cast %swap3A_838 : i32 to index
    %swap3A_840 = arith.constant 112 : index
    %swap3A_841 = tpu.vector_load %arg11[%swap3A_839, %swap3A_840] {strides = array<i32>} : memref<8x256xf32, #tpu.memory_space<vmem>>, vector<16xf32>,
    tpu.vector_store %arg11[%swap3A_839, %swap3A_840], %broadcast_in_dim3A_587 {strides = array<i32>} : memref<8x256xf32, #tpu.memory_space<vmem>>, vector<16xf32>,
    %swap3A_842 = arith.constant 3 : i32
    %swap3A_843 = arith.index_cast %swap3A_842 : i32 to index
    %swap3A_844 = arith.constant 240 : index
    %swap3A_845 = tpu.vector_load %arg11[%swap3A_843, %swap3A_844] {strides = array<i32>} : memref<8x256xf32, #tpu.memory_space<vmem>>, vector<16xf32>,
    tpu.vector_store %arg11[%swap3A_843, %swap3A_844], %broadcast_in_dim3A_589 {strides = array<i32>} : memref<8x256xf32, #tpu.memory_space<vmem>>, vector<16xf32>,
    %swap3A_846 = arith.constant 4 : i32
    %swap3A_847 = arith.index_cast %swap3A_846 : i32 to index
    %swap3A_848 = arith.constant 0 : index
    %swap3A_849 = tpu.vector_load %arg11[%swap3A_847, %swap3A_848] {strides = array<i32>} : memref<8x256xf32, #tpu.memory_space<vmem>>, vector<16xf32>,
    tpu.vector_store %arg11[%swap3A_847, %swap3A_848], %broadcast_in_dim3A_587 {strides = array<i32>} : memref<8x256xf32, #tpu.memory_space<vmem>>, vector<16xf32>,
    %swap3A_850 = arith.constant 4 : i32
    %swap3A_851 = arith.index_cast %swap3A_850 : i32 to index
    %swap3A_852 = arith.constant 128 : index
    %swap3A_853 = tpu.vector_load %arg11[%swap3A_851, %swap3A_852] {strides = array<i32>} : memref<8x256xf32, #tpu.memory_space<vmem>>, vector<16xf32>,
    tpu.vector_store %arg11[%swap3A_851, %swap3A_852], %broadcast_in_dim3A_589 {strides = array<i32>} : memref<8x256xf32, #tpu.memory_space<vmem>>, vector<16xf32>,
    %swap3A_854 = arith.constant 4 : i32
    %swap3A_855 = arith.index_cast %swap3A_854 : i32 to index
    %swap3A_856 = arith.constant 16 : index
    %swap3A_857 = tpu.vector_load %arg11[%swap3A_855, %swap3A_856] {strides = array<i32>} : memref<8x256xf32, #tpu.memory_space<vmem>>, vector<16xf32>,
    tpu.vector_store %arg11[%swap3A_855, %swap3A_856], %broadcast_in_dim3A_587 {strides = array<i32>} : memref<8x256xf32, #tpu.memory_space<vmem>>, vector<16xf32>,
    %swap3A_858 = arith.constant 4 : i32
    %swap3A_859 = arith.index_cast %swap3A_858 : i32 to index
    %swap3A_860 = arith.constant 144 : index
    %swap3A_861 = tpu.vector_load %arg11[%swap3A_859, %swap3A_860] {strides = array<i32>} : memref<8x256xf32, #tpu.memory_space<vmem>>, vector<16xf32>,
    tpu.vector_store %arg11[%swap3A_859, %swap3A_860], %broadcast_in_dim3A_589 {strides = array<i32>} : memref<8x256xf32, #tpu.memory_space<vmem>>, vector<16xf32>,
    %swap3A_862 = arith.constant 4 : i32
    %swap3A_863 = arith.index_cast %swap3A_862 : i32 to index
    %swap3A_864 = arith.constant 32 : index
    %swap3A_865 = tpu.vector_load %arg11[%swap3A_863, %swap3A_864] {strides = array<i32>} : memref<8x256xf32, #tpu.memory_space<vmem>>, vector<16xf32>,
    tpu.vector_store %arg11[%swap3A_863, %swap3A_864], %broadcast_in_dim3A_587 {strides = array<i32>} : memref<8x256xf32, #tpu.memory_space<vmem>>, vector<16xf32>,
    %swap3A_866 = arith.constant 4 : i32
    %swap3A_867 = arith.index_cast %swap3A_866 : i32 to index
    %swap3A_868 = arith.constant 160 : index
    %swap3A_869 = tpu.vector_load %arg11[%swap3A_867, %swap3A_868] {strides = array<i32>} : memref<8x256xf32, #tpu.memory_space<vmem>>, vector<16xf32>,
    tpu.vector_store %arg11[%swap3A_867, %swap3A_868], %broadcast_in_dim3A_589 {strides = array<i32>} : memref<8x256xf32, #tpu.memory_space<vmem>>, vector<16xf32>,
    %swap3A_870 = arith.constant 4 : i32
    %swap3A_871 = arith.index_cast %swap3A_870 : i32 to index
    %swap3A_872 = arith.constant 48 : index
    %swap3A_873 = tpu.vector_load %arg11[%swap3A_871, %swap3A_872] {strides = array<i32>} : memref<8x256xf32, #tpu.memory_space<vmem>>, vector<16xf32>,
    tpu.vector_store %arg11[%swap3A_871, %swap3A_872], %broadcast_in_dim3A_587 {strides = array<i32>} : memref<8x256xf32, #tpu.memory_space<vmem>>, vector<16xf32>,
    %swap3A_874 = arith.constant 4 : i32
    %swap3A_875 = arith.index_cast %swap3A_874 : i32 to index
    %swap3A_876 = arith.constant 176 : index
    %swap3A_877 = tpu.vector_load %arg11[%swap3A_875, %swap3A_876] {strides = array<i32>} : memref<8x256xf32, #tpu.memory_space<vmem>>, vector<16xf32>,
    tpu.vector_store %arg11[%swap3A_875, %swap3A_876], %broadcast_in_dim3A_589 {strides = array<i32>} : memref<8x256xf32, #tpu.memory_space<vmem>>, vector<16xf32>,
    %swap3A_878 = arith.constant 4 : i32
    %swap3A_879 = arith.index_cast %swap3A_878 : i32 to index
    %swap3A_880 = arith.constant 64 : index
    %swap3A_881 = tpu.vector_load %arg11[%swap3A_879, %swap3A_880] {strides = array<i32>} : memref<8x256xf32, #tpu.memory_space<vmem>>, vector<16xf32>,
    tpu.vector_store %arg11[%swap3A_879, %swap3A_880], %broadcast_in_dim3A_587 {strides = array<i32>} : memref<8x256xf32, #tpu.memory_space<vmem>>, vector<16xf32>,
    %swap3A_882 = arith.constant 4 : i32
    %swap3A_883 = arith.index_cast %swap3A_882 : i32 to index
    %swap3A_884 = arith.constant 192 : index
    %swap3A_885 = tpu.vector_load %arg11[%swap3A_883, %swap3A_884] {strides = array<i32>} : memref<8x256xf32, #tpu.memory_space<vmem>>, vector<16xf32>,
    tpu.vector_store %arg11[%swap3A_883, %swap3A_884], %broadcast_in_dim3A_589 {strides = array<i32>} : memref<8x256xf32, #tpu.memory_space<vmem>>, vector<16xf32>,
    %swap3A_886 = arith.constant 4 : i32
    %swap3A_887 = arith.index_cast %swap3A_886 : i32 to index
    %swap3A_888 = arith.constant 80 : index
    %swap3A_889 = tpu.vector_load %arg11[%swap3A_887, %swap3A_888] {strides = array<i32>} : memref<8x256xf32, #tpu.memory_space<vmem>>, vector<16xf32>,
    tpu.vector_store %arg11[%swap3A_887, %swap3A_888], %broadcast_in_dim3A_587 {strides = array<i32>} : memref<8x256xf32, #tpu.memory_space<vmem>>, vector<16xf32>,
    %swap3A_890 = arith.constant 4 : i32
    %swap3A_891 = arith.index_cast %swap3A_890 : i32 to index
    %swap3A_892 = arith.constant 208 : index
    %swap3A_893 = tpu.vector_load %arg11[%swap3A_891, %swap3A_892] {strides = array<i32>} : memref<8x256xf32, #tpu.memory_space<vmem>>, vector<16xf32>,
    tpu.vector_store %arg11[%swap3A_891, %swap3A_892], %broadcast_in_dim3A_589 {strides = array<i32>} : memref<8x256xf32, #tpu.memory_space<vmem>>, vector<16xf32>,
    %swap3A_894 = arith.constant 4 : i32
    %swap3A_895 = arith.index_cast %swap3A_894 : i32 to index
    %swap3A_896 = arith.constant 96 : index
    %swap3A_897 = tpu.vector_load %arg11[%swap3A_895, %swap3A_896] {strides = array<i32>} : memref<8x256xf32, #tpu.memory_space<vmem>>, vector<16xf32>,
    tpu.vector_store %arg11[%swap3A_895, %swap3A_896], %broadcast_in_dim3A_587 {strides = array<i32>} : memref<8x256xf32, #tpu.memory_space<vmem>>, vector<16xf32>,
    %swap3A_898 = arith.constant 4 : i32
    %swap3A_899 = arith.index_cast %swap3A_898 : i32 to index
    %swap3A_900 = arith.constant 224 : index
    %swap3A_901 = tpu.vector_load %arg11[%swap3A_899, %swap3A_900] {strides = array<i32>} : memref<8x256xf32, #tpu.memory_space<vmem>>, vector<16xf32>,
    tpu.vector_store %arg11[%swap3A_899, %swap3A_900], %broadcast_in_dim3A_589 {strides = array<i32>} : memref<8x256xf32, #tpu.memory_space<vmem>>, vector<16xf32>,
    %swap3A_902 = arith.constant 4 : i32
    %swap3A_903 = arith.index_cast %swap3A_902 : i32 to index
    %swap3A_904 = arith.constant 112 : index
    %swap3A_905 = tpu.vector_load %arg11[%swap3A_903, %swap3A_904] {strides = array<i32>} : memref<8x256xf32, #tpu.memory_space<vmem>>, vector<16xf32>,
    tpu.vector_store %arg11[%swap3A_903, %swap3A_904], %broadcast_in_dim3A_587 {strides = array<i32>} : memref<8x256xf32, #tpu.memory_space<vmem>>, vector<16xf32>,
    %swap3A_906 = arith.constant 4 : i32
    %swap3A_907 = arith.index_cast %swap3A_906 : i32 to index
    %swap3A_908 = arith.constant 240 : index
    %swap3A_909 = tpu.vector_load %arg11[%swap3A_907, %swap3A_908] {strides = array<i32>} : memref<8x256xf32, #tpu.memory_space<vmem>>, vector<16xf32>,
    tpu.vector_store %arg11[%swap3A_907, %swap3A_908], %broadcast_in_dim3A_589 {strides = array<i32>} : memref<8x256xf32, #tpu.memory_space<vmem>>, vector<16xf32>,
    %swap3A_910 = arith.constant 5 : i32
    %swap3A_911 = arith.index_cast %swap3A_910 : i32 to index
    %swap3A_912 = arith.constant 0 : index
    %swap3A_913 = tpu.vector_load %arg11[%swap3A_911, %swap3A_912] {strides = array<i32>} : memref<8x256xf32, #tpu.memory_space<vmem>>, vector<16xf32>,
    tpu.vector_store %arg11[%swap3A_911, %swap3A_912], %broadcast_in_dim3A_587 {strides = array<i32>} : memref<8x256xf32, #tpu.memory_space<vmem>>, vector<16xf32>,
    %swap3A_914 = arith.constant 5 : i32
    %swap3A_915 = arith.index_cast %swap3A_914 : i32 to index
    %swap3A_916 = arith.constant 128 : index
    %swap3A_917 = tpu.vector_load %arg11[%swap3A_915, %swap3A_916] {strides = array<i32>} : memref<8x256xf32, #tpu.memory_space<vmem>>, vector<16xf32>,
    tpu.vector_store %arg11[%swap3A_915, %swap3A_916], %broadcast_in_dim3A_589 {strides = array<i32>} : memref<8x256xf32, #tpu.memory_space<vmem>>, vector<16xf32>,
    %swap3A_918 = arith.constant 5 : i32
    %swap3A_919 = arith.index_cast %swap3A_918 : i32 to index
    %swap3A_920 = arith.constant 16 : index
    %swap3A_921 = tpu.vector_load %arg11[%swap3A_919, %swap3A_920] {strides = array<i32>} : memref<8x256xf32, #tpu.memory_space<vmem>>, vector<16xf32>,
    tpu.vector_store %arg11[%swap3A_919, %swap3A_920], %broadcast_in_dim3A_587 {strides = array<i32>} : memref<8x256xf32, #tpu.memory_space<vmem>>, vector<16xf32>,
    %swap3A_922 = arith.constant 5 : i32
    %swap3A_923 = arith.index_cast %swap3A_922 : i32 to index
    %swap3A_924 = arith.constant 144 : index
    %swap3A_925 = tpu.vector_load %arg11[%swap3A_923, %swap3A_924] {strides = array<i32>} : memref<8x256xf32, #tpu.memory_space<vmem>>, vector<16xf32>,
    tpu.vector_store %arg11[%swap3A_923, %swap3A_924], %broadcast_in_dim3A_589 {strides = array<i32>} : memref<8x256xf32, #tpu.memory_space<vmem>>, vector<16xf32>,
    %swap3A_926 = arith.constant 5 : i32
    %swap3A_927 = arith.index_cast %swap3A_926 : i32 to index
    %swap3A_928 = arith.constant 32 : index
    %swap3A_929 = tpu.vector_load %arg11[%swap3A_927, %swap3A_928] {strides = array<i32>} : memref<8x256xf32, #tpu.memory_space<vmem>>, vector<16xf32>,
    tpu.vector_store %arg11[%swap3A_927, %swap3A_928], %broadcast_in_dim3A_587 {strides = array<i32>} : memref<8x256xf32, #tpu.memory_space<vmem>>, vector<16xf32>,
    %swap3A_930 = arith.constant 5 : i32
    %swap3A_931 = arith.index_cast %swap3A_930 : i32 to index
    %swap3A_932 = arith.constant 160 : index
    %swap3A_933 = tpu.vector_load %arg11[%swap3A_931, %swap3A_932] {strides = array<i32>} : memref<8x256xf32, #tpu.memory_space<vmem>>, vector<16xf32>,
    tpu.vector_store %arg11[%swap3A_931, %swap3A_932], %broadcast_in_dim3A_589 {strides = array<i32>} : memref<8x256xf32, #tpu.memory_space<vmem>>, vector<16xf32>,
    %swap3A_934 = arith.constant 5 : i32
    %swap3A_935 = arith.index_cast %swap3A_934 : i32 to index
    %swap3A_936 = arith.constant 48 : index
    %swap3A_937 = tpu.vector_load %arg11[%swap3A_935, %swap3A_936] {strides = array<i32>} : memref<8x256xf32, #tpu.memory_space<vmem>>, vector<16xf32>,
    tpu.vector_store %arg11[%swap3A_935, %swap3A_936], %broadcast_in_dim3A_587 {strides = array<i32>} : memref<8x256xf32, #tpu.memory_space<vmem>>, vector<16xf32>,
    %swap3A_938 = arith.constant 5 : i32
    %swap3A_939 = arith.index_cast %swap3A_938 : i32 to index
    %swap3A_940 = arith.constant 176 : index
    %swap3A_941 = tpu.vector_load %arg11[%swap3A_939, %swap3A_940] {strides = array<i32>} : memref<8x256xf32, #tpu.memory_space<vmem>>, vector<16xf32>,
    tpu.vector_store %arg11[%swap3A_939, %swap3A_940], %broadcast_in_dim3A_589 {strides = array<i32>} : memref<8x256xf32, #tpu.memory_space<vmem>>, vector<16xf32>,
    %swap3A_942 = arith.constant 5 : i32
    %swap3A_943 = arith.index_cast %swap3A_942 : i32 to index
    %swap3A_944 = arith.constant 64 : index
    %swap3A_945 = tpu.vector_load %arg11[%swap3A_943, %swap3A_944] {strides = array<i32>} : memref<8x256xf32, #tpu.memory_space<vmem>>, vector<16xf32>,
    tpu.vector_store %arg11[%swap3A_943, %swap3A_944], %broadcast_in_dim3A_587 {strides = array<i32>} : memref<8x256xf32, #tpu.memory_space<vmem>>, vector<16xf32>,
    %swap3A_946 = arith.constant 5 : i32
    %swap3A_947 = arith.index_cast %swap3A_946 : i32 to index
    %swap3A_948 = arith.constant 192 : index
    %swap3A_949 = tpu.vector_load %arg11[%swap3A_947, %swap3A_948] {strides = array<i32>} : memref<8x256xf32, #tpu.memory_space<vmem>>, vector<16xf32>,
    tpu.vector_store %arg11[%swap3A_947, %swap3A_948], %broadcast_in_dim3A_589 {strides = array<i32>} : memref<8x256xf32, #tpu.memory_space<vmem>>, vector<16xf32>,
    %swap3A_950 = arith.constant 5 : i32
    %swap3A_951 = arith.index_cast %swap3A_950 : i32 to index
    %swap3A_952 = arith.constant 80 : index
    %swap3A_953 = tpu.vector_load %arg11[%swap3A_951, %swap3A_952] {strides = array<i32>} : memref<8x256xf32, #tpu.memory_space<vmem>>, vector<16xf32>,
    tpu.vector_store %arg11[%swap3A_951, %swap3A_952], %broadcast_in_dim3A_587 {strides = array<i32>} : memref<8x256xf32, #tpu.memory_space<vmem>>, vector<16xf32>,
    %swap3A_954 = arith.constant 5 : i32
    %swap3A_955 = arith.index_cast %swap3A_954 : i32 to index
    %swap3A_956 = arith.constant 208 : index
    %swap3A_957 = tpu.vector_load %arg11[%swap3A_955, %swap3A_956] {strides = array<i32>} : memref<8x256xf32, #tpu.memory_space<vmem>>, vector<16xf32>,
    tpu.vector_store %arg11[%swap3A_955, %swap3A_956], %broadcast_in_dim3A_589 {strides = array<i32>} : memref<8x256xf32, #tpu.memory_space<vmem>>, vector<16xf32>,
    %swap3A_958 = arith.constant 5 : i32
    %swap3A_959 = arith.index_cast %swap3A_958 : i32 to index
    %swap3A_960 = arith.constant 96 : index
    %swap3A_961 = tpu.vector_load %arg11[%swap3A_959, %swap3A_960] {strides = array<i32>} : memref<8x256xf32, #tpu.memory_space<vmem>>, vector<16xf32>,
    tpu.vector_store %arg11[%swap3A_959, %swap3A_960], %broadcast_in_dim3A_587 {strides = array<i32>} : memref<8x256xf32, #tpu.memory_space<vmem>>, vector<16xf32>,
    %swap3A_962 = arith.constant 5 : i32
    %swap3A_963 = arith.index_cast %swap3A_962 : i32 to index
    %swap3A_964 = arith.constant 224 : index
    %swap3A_965 = tpu.vector_load %arg11[%swap3A_963, %swap3A_964] {strides = array<i32>} : memref<8x256xf32, #tpu.memory_space<vmem>>, vector<16xf32>,
    tpu.vector_store %arg11[%swap3A_963, %swap3A_964], %broadcast_in_dim3A_589 {strides = array<i32>} : memref<8x256xf32, #tpu.memory_space<vmem>>, vector<16xf32>,
    %swap3A_966 = arith.constant 5 : i32
    %swap3A_967 = arith.index_cast %swap3A_966 : i32 to index
    %swap3A_968 = arith.constant 112 : index
    %swap3A_969 = tpu.vector_load %arg11[%swap3A_967, %swap3A_968] {strides = array<i32>} : memref<8x256xf32, #tpu.memory_space<vmem>>, vector<16xf32>,
    tpu.vector_store %arg11[%swap3A_967, %swap3A_968], %broadcast_in_dim3A_587 {strides = array<i32>} : memref<8x256xf32, #tpu.memory_space<vmem>>, vector<16xf32>,
    %swap3A_970 = arith.constant 5 : i32
    %swap3A_971 = arith.index_cast %swap3A_970 : i32 to index
    %swap3A_972 = arith.constant 240 : index
    %swap3A_973 = tpu.vector_load %arg11[%swap3A_971, %swap3A_972] {strides = array<i32>} : memref<8x256xf32, #tpu.memory_space<vmem>>, vector<16xf32>,
    tpu.vector_store %arg11[%swap3A_971, %swap3A_972], %broadcast_in_dim3A_589 {strides = array<i32>} : memref<8x256xf32, #tpu.memory_space<vmem>>, vector<16xf32>,
    %swap3A_974 = arith.constant 6 : i32
    %swap3A_975 = arith.index_cast %swap3A_974 : i32 to index
    %swap3A_976 = arith.constant 0 : index
    %swap3A_977 = tpu.vector_load %arg11[%swap3A_975, %swap3A_976] {strides = array<i32>} : memref<8x256xf32, #tpu.memory_space<vmem>>, vector<16xf32>,
    tpu.vector_store %arg11[%swap3A_975, %swap3A_976], %broadcast_in_dim3A_587 {strides = array<i32>} : memref<8x256xf32, #tpu.memory_space<vmem>>, vector<16xf32>,
    %swap3A_978 = arith.constant 6 : i32
    %swap3A_979 = arith.index_cast %swap3A_978 : i32 to index
    %swap3A_980 = arith.constant 128 : index
    %swap3A_981 = tpu.vector_load %arg11[%swap3A_979, %swap3A_980] {strides = array<i32>} : memref<8x256xf32, #tpu.memory_space<vmem>>, vector<16xf32>,
    tpu.vector_store %arg11[%swap3A_979, %swap3A_980], %broadcast_in_dim3A_589 {strides = array<i32>} : memref<8x256xf32, #tpu.memory_space<vmem>>, vector<16xf32>,
    %swap3A_982 = arith.constant 6 : i32
    %swap3A_983 = arith.index_cast %swap3A_982 : i32 to index
    %swap3A_984 = arith.constant 16 : index
    %swap3A_985 = tpu.vector_load %arg11[%swap3A_983, %swap3A_984] {strides = array<i32>} : memref<8x256xf32, #tpu.memory_space<vmem>>, vector<16xf32>,
    tpu.vector_store %arg11[%swap3A_983, %swap3A_984], %broadcast_in_dim3A_587 {strides = array<i32>} : memref<8x256xf32, #tpu.memory_space<vmem>>, vector<16xf32>,
    %swap3A_986 = arith.constant 6 : i32
    %swap3A_987 = arith.index_cast %swap3A_986 : i32 to index
    %swap3A_988 = arith.constant 144 : index
    %swap3A_989 = tpu.vector_load %arg11[%swap3A_987, %swap3A_988] {strides = array<i32>} : memref<8x256xf32, #tpu.memory_space<vmem>>, vector<16xf32>,
    tpu.vector_store %arg11[%swap3A_987, %swap3A_988], %broadcast_in_dim3A_589 {strides = array<i32>} : memref<8x256xf32, #tpu.memory_space<vmem>>, vector<16xf32>,
    %swap3A_990 = arith.constant 6 : i32
    %swap3A_991 = arith.index_cast %swap3A_990 : i32 to index
    %swap3A_992 = arith.constant 32 : index
    %swap3A_993 = tpu.vector_load %arg11[%swap3A_991, %swap3A_992] {strides = array<i32>} : memref<8x256xf32, #tpu.memory_space<vmem>>, vector<16xf32>,
    tpu.vector_store %arg11[%swap3A_991, %swap3A_992], %broadcast_in_dim3A_587 {strides = array<i32>} : memref<8x256xf32, #tpu.memory_space<vmem>>, vector<16xf32>,
    %swap3A_994 = arith.constant 6 : i32
    %swap3A_995 = arith.index_cast %swap3A_994 : i32 to index
    %swap3A_996 = arith.constant 160 : index
    %swap3A_997 = tpu.vector_load %arg11[%swap3A_995, %swap3A_996] {strides = array<i32>} : memref<8x256xf32, #tpu.memory_space<vmem>>, vector<16xf32>,
    tpu.vector_store %arg11[%swap3A_995, %swap3A_996], %broadcast_in_dim3A_589 {strides = array<i32>} : memref<8x256xf32, #tpu.memory_space<vmem>>, vector<16xf32>,
    %swap3A_998 = arith.constant 6 : i32
    %swap3A_999 = arith.index_cast %swap3A_998 : i32 to index
    %swap3A_1000 = arith.constant 48 : index
    %swap3A_1001 = tpu.vector_load %arg11[%swap3A_999, %swap3A_1000] {strides = array<i32>} : memref<8x256xf32, #tpu.memory_space<vmem>>, vector<16xf32>,
    tpu.vector_store %arg11[%swap3A_999, %swap3A_1000], %broadcast_in_dim3A_587 {strides = array<i32>} : memref<8x256xf32, #tpu.memory_space<vmem>>, vector<16xf32>,
    %swap3A_1002 = arith.constant 6 : i32
    %swap3A_1003 = arith.index_cast %swap3A_1002 : i32 to index
    %swap3A_1004 = arith.constant 176 : index
    %swap3A_1005 = tpu.vector_load %arg11[%swap3A_1003, %swap3A_1004] {strides = array<i32>} : memref<8x256xf32, #tpu.memory_space<vmem>>, vector<16xf32>,
    tpu.vector_store %arg11[%swap3A_1003, %swap3A_1004], %broadcast_in_dim3A_589 {strides = array<i32>} : memref<8x256xf32, #tpu.memory_space<vmem>>, vector<16xf32>,
    %swap3A_1006 = arith.constant 6 : i32
    %swap3A_1007 = arith.index_cast %swap3A_1006 : i32 to index
    %swap3A_1008 = arith.constant 64 : index
    %swap3A_1009 = tpu.vector_load %arg11[%swap3A_1007, %swap3A_1008] {strides = array<i32>} : memref<8x256xf32, #tpu.memory_space<vmem>>, vector<16xf32>,
    tpu.vector_store %arg11[%swap3A_1007, %swap3A_1008], %broadcast_in_dim3A_587 {strides = array<i32>} : memref<8x256xf32, #tpu.memory_space<vmem>>, vector<16xf32>,
    %swap3A_1010 = arith.constant 6 : i32
    %swap3A_1011 = arith.index_cast %swap3A_1010 : i32 to index
    %swap3A_1012 = arith.constant 192 : index
    %swap3A_1013 = tpu.vector_load %arg11[%swap3A_1011, %swap3A_1012] {strides = array<i32>} : memref<8x256xf32, #tpu.memory_space<vmem>>, vector<16xf32>,
    tpu.vector_store %arg11[%swap3A_1011, %swap3A_1012], %broadcast_in_dim3A_589 {strides = array<i32>} : memref<8x256xf32, #tpu.memory_space<vmem>>, vector<16xf32>,
    %swap3A_1014 = arith.constant 6 : i32
    %swap3A_1015 = arith.index_cast %swap3A_1014 : i32 to index
    %swap3A_1016 = arith.constant 80 : index
    %swap3A_1017 = tpu.vector_load %arg11[%swap3A_1015, %swap3A_1016] {strides = array<i32>} : memref<8x256xf32, #tpu.memory_space<vmem>>, vector<16xf32>,
    tpu.vector_store %arg11[%swap3A_1015, %swap3A_1016], %broadcast_in_dim3A_587 {strides = array<i32>} : memref<8x256xf32, #tpu.memory_space<vmem>>, vector<16xf32>,
    %swap3A_1018 = arith.constant 6 : i32
    %swap3A_1019 = arith.index_cast %swap3A_1018 : i32 to index
    %swap3A_1020 = arith.constant 208 : index
    %swap3A_1021 = tpu.vector_load %arg11[%swap3A_1019, %swap3A_1020] {strides = array<i32>} : memref<8x256xf32, #tpu.memory_space<vmem>>, vector<16xf32>,
    tpu.vector_store %arg11[%swap3A_1019, %swap3A_1020], %broadcast_in_dim3A_589 {strides = array<i32>} : memref<8x256xf32, #tpu.memory_space<vmem>>, vector<16xf32>,
    %swap3A_1022 = arith.constant 6 : i32
    %swap3A_1023 = arith.index_cast %swap3A_1022 : i32 to index
    %swap3A_1024 = arith.constant 96 : index
    %swap3A_1025 = tpu.vector_load %arg11[%swap3A_1023, %swap3A_1024] {strides = array<i32>} : memref<8x256xf32, #tpu.memory_space<vmem>>, vector<16xf32>,
    tpu.vector_store %arg11[%swap3A_1023, %swap3A_1024], %broadcast_in_dim3A_587 {strides = array<i32>} : memref<8x256xf32, #tpu.memory_space<vmem>>, vector<16xf32>,
    %swap3A_1026 = arith.constant 6 : i32
    %swap3A_1027 = arith.index_cast %swap3A_1026 : i32 to index
    %swap3A_1028 = arith.constant 224 : index
    %swap3A_1029 = tpu.vector_load %arg11[%swap3A_1027, %swap3A_1028] {strides = array<i32>} : memref<8x256xf32, #tpu.memory_space<vmem>>, vector<16xf32>,
    tpu.vector_store %arg11[%swap3A_1027, %swap3A_1028], %broadcast_in_dim3A_589 {strides = array<i32>} : memref<8x256xf32, #tpu.memory_space<vmem>>, vector<16xf32>,
    %swap3A_1030 = arith.constant 6 : i32
    %swap3A_1031 = arith.index_cast %swap3A_1030 : i32 to index
    %swap3A_1032 = arith.constant 112 : index
    %swap3A_1033 = tpu.vector_load %arg11[%swap3A_1031, %swap3A_1032] {strides = array<i32>} : memref<8x256xf32, #tpu.memory_space<vmem>>, vector<16xf32>,
    tpu.vector_store %arg11[%swap3A_1031, %swap3A_1032], %broadcast_in_dim3A_587 {strides = array<i32>} : memref<8x256xf32, #tpu.memory_space<vmem>>, vector<16xf32>,
    %swap3A_1034 = arith.constant 6 : i32
    %swap3A_1035 = arith.index_cast %swap3A_1034 : i32 to index
    %swap3A_1036 = arith.constant 240 : index
    %swap3A_1037 = tpu.vector_load %arg11[%swap3A_1035, %swap3A_1036] {strides = array<i32>} : memref<8x256xf32, #tpu.memory_space<vmem>>, vector<16xf32>,
    tpu.vector_store %arg11[%swap3A_1035, %swap3A_1036], %broadcast_in_dim3A_589 {strides = array<i32>} : memref<8x256xf32, #tpu.memory_space<vmem>>, vector<16xf32>,
    %swap3A_1038 = arith.constant 7 : i32
    %swap3A_1039 = arith.index_cast %swap3A_1038 : i32 to index
    %swap3A_1040 = arith.constant 0 : index
    %swap3A_1041 = tpu.vector_load %arg11[%swap3A_1039, %swap3A_1040] {strides = array<i32>} : memref<8x256xf32, #tpu.memory_space<vmem>>, vector<16xf32>,
    tpu.vector_store %arg11[%swap3A_1039, %swap3A_1040], %broadcast_in_dim3A_587 {strides = array<i32>} : memref<8x256xf32, #tpu.memory_space<vmem>>, vector<16xf32>,
    %swap3A_1042 = arith.constant 7 : i32
    %swap3A_1043 = arith.index_cast %swap3A_1042 : i32 to index
    %swap3A_1044 = arith.constant 128 : index
    %swap3A_1045 = tpu.vector_load %arg11[%swap3A_1043, %swap3A_1044] {strides = array<i32>} : memref<8x256xf32, #tpu.memory_space<vmem>>, vector<16xf32>,
    tpu.vector_store %arg11[%swap3A_1043, %swap3A_1044], %broadcast_in_dim3A_589 {strides = array<i32>} : memref<8x256xf32, #tpu.memory_space<vmem>>, vector<16xf32>,
    %swap3A_1046 = arith.constant 7 : i32
    %swap3A_1047 = arith.index_cast %swap3A_1046 : i32 to index
    %swap3A_1048 = arith.constant 16 : index
    %swap3A_1049 = tpu.vector_load %arg11[%swap3A_1047, %swap3A_1048] {strides = array<i32>} : memref<8x256xf32, #tpu.memory_space<vmem>>, vector<16xf32>,
    tpu.vector_store %arg11[%swap3A_1047, %swap3A_1048], %broadcast_in_dim3A_587 {strides = array<i32>} : memref<8x256xf32, #tpu.memory_space<vmem>>, vector<16xf32>,
    %swap3A_1050 = arith.constant 7 : i32
    %swap3A_1051 = arith.index_cast %swap3A_1050 : i32 to index
    %swap3A_1052 = arith.constant 144 : index
    %swap3A_1053 = tpu.vector_load %arg11[%swap3A_1051, %swap3A_1052] {strides = array<i32>} : memref<8x256xf32, #tpu.memory_space<vmem>>, vector<16xf32>,
    tpu.vector_store %arg11[%swap3A_1051, %swap3A_1052], %broadcast_in_dim3A_589 {strides = array<i32>} : memref<8x256xf32, #tpu.memory_space<vmem>>, vector<16xf32>,
    %swap3A_1054 = arith.constant 7 : i32
    %swap3A_1055 = arith.index_cast %swap3A_1054 : i32 to index
    %swap3A_1056 = arith.constant 32 : index
    %swap3A_1057 = tpu.vector_load %arg11[%swap3A_1055, %swap3A_1056] {strides = array<i32>} : memref<8x256xf32, #tpu.memory_space<vmem>>, vector<16xf32>,
    tpu.vector_store %arg11[%swap3A_1055, %swap3A_1056], %broadcast_in_dim3A_587 {strides = array<i32>} : memref<8x256xf32, #tpu.memory_space<vmem>>, vector<16xf32>,
    %swap3A_1058 = arith.constant 7 : i32
    %swap3A_1059 = arith.index_cast %swap3A_1058 : i32 to index
    %swap3A_1060 = arith.constant 160 : index
    %swap3A_1061 = tpu.vector_load %arg11[%swap3A_1059, %swap3A_1060] {strides = array<i32>} : memref<8x256xf32, #tpu.memory_space<vmem>>, vector<16xf32>,
    tpu.vector_store %arg11[%swap3A_1059, %swap3A_1060], %broadcast_in_dim3A_589 {strides = array<i32>} : memref<8x256xf32, #tpu.memory_space<vmem>>, vector<16xf32>,
    %swap3A_1062 = arith.constant 7 : i32
    %swap3A_1063 = arith.index_cast %swap3A_1062 : i32 to index
    %swap3A_1064 = arith.constant 48 : index
    %swap3A_1065 = tpu.vector_load %arg11[%swap3A_1063, %swap3A_1064] {strides = array<i32>} : memref<8x256xf32, #tpu.memory_space<vmem>>, vector<16xf32>,
    tpu.vector_store %arg11[%swap3A_1063, %swap3A_1064], %broadcast_in_dim3A_587 {strides = array<i32>} : memref<8x256xf32, #tpu.memory_space<vmem>>, vector<16xf32>,
    %swap3A_1066 = arith.constant 7 : i32
    %swap3A_1067 = arith.index_cast %swap3A_1066 : i32 to index
    %swap3A_1068 = arith.constant 176 : index
    %swap3A_1069 = tpu.vector_load %arg11[%swap3A_1067, %swap3A_1068] {strides = array<i32>} : memref<8x256xf32, #tpu.memory_space<vmem>>, vector<16xf32>,
    tpu.vector_store %arg11[%swap3A_1067, %swap3A_1068], %broadcast_in_dim3A_589 {strides = array<i32>} : memref<8x256xf32, #tpu.memory_space<vmem>>, vector<16xf32>,
    %swap3A_1070 = arith.constant 7 : i32
    %swap3A_1071 = arith.index_cast %swap3A_1070 : i32 to index
    %swap3A_1072 = arith.constant 64 : index
    %swap3A_1073 = tpu.vector_load %arg11[%swap3A_1071, %swap3A_1072] {strides = array<i32>} : memref<8x256xf32, #tpu.memory_space<vmem>>, vector<16xf32>,
    tpu.vector_store %arg11[%swap3A_1071, %swap3A_1072], %broadcast_in_dim3A_587 {strides = array<i32>} : memref<8x256xf32, #tpu.memory_space<vmem>>, vector<16xf32>,
    %swap3A_1074 = arith.constant 7 : i32
    %swap3A_1075 = arith.index_cast %swap3A_1074 : i32 to index
    %swap3A_1076 = arith.constant 192 : index
    %swap3A_1077 = tpu.vector_load %arg11[%swap3A_1075, %swap3A_1076] {strides = array<i32>} : memref<8x256xf32, #tpu.memory_space<vmem>>, vector<16xf32>,
    tpu.vector_store %arg11[%swap3A_1075, %swap3A_1076], %broadcast_in_dim3A_589 {strides = array<i32>} : memref<8x256xf32, #tpu.memory_space<vmem>>, vector<16xf32>,
    %swap3A_1078 = arith.constant 7 : i32
    %swap3A_1079 = arith.index_cast %swap3A_1078 : i32 to index
    %swap3A_1080 = arith.constant 80 : index
    %swap3A_1081 = tpu.vector_load %arg11[%swap3A_1079, %swap3A_1080] {strides = array<i32>} : memref<8x256xf32, #tpu.memory_space<vmem>>, vector<16xf32>,
    tpu.vector_store %arg11[%swap3A_1079, %swap3A_1080], %broadcast_in_dim3A_587 {strides = array<i32>} : memref<8x256xf32, #tpu.memory_space<vmem>>, vector<16xf32>,
    %swap3A_1082 = arith.constant 7 : i32
    %swap3A_1083 = arith.index_cast %swap3A_1082 : i32 to index
    %swap3A_1084 = arith.constant 208 : index
    %swap3A_1085 = tpu.vector_load %arg11[%swap3A_1083, %swap3A_1084] {strides = array<i32>} : memref<8x256xf32, #tpu.memory_space<vmem>>, vector<16xf32>,
    tpu.vector_store %arg11[%swap3A_1083, %swap3A_1084], %broadcast_in_dim3A_589 {strides = array<i32>} : memref<8x256xf32, #tpu.memory_space<vmem>>, vector<16xf32>,
    %swap3A_1086 = arith.constant 7 : i32
    %swap3A_1087 = arith.index_cast %swap3A_1086 : i32 to index
    %swap3A_1088 = arith.constant 96 : index
    %swap3A_1089 = tpu.vector_load %arg11[%swap3A_1087, %swap3A_1088] {strides = array<i32>} : memref<8x256xf32, #tpu.memory_space<vmem>>, vector<16xf32>,
    tpu.vector_store %arg11[%swap3A_1087, %swap3A_1088], %broadcast_in_dim3A_587 {strides = array<i32>} : memref<8x256xf32, #tpu.memory_space<vmem>>, vector<16xf32>,
    %swap3A_1090 = arith.constant 7 : i32
    %swap3A_1091 = arith.index_cast %swap3A_1090 : i32 to index
    %swap3A_1092 = arith.constant 224 : index
    %swap3A_1093 = tpu.vector_load %arg11[%swap3A_1091, %swap3A_1092] {strides = array<i32>} : memref<8x256xf32, #tpu.memory_space<vmem>>, vector<16xf32>,
    tpu.vector_store %arg11[%swap3A_1091, %swap3A_1092], %broadcast_in_dim3A_589 {strides = array<i32>} : memref<8x256xf32, #tpu.memory_space<vmem>>, vector<16xf32>,
    %swap3A_1094 = arith.constant 7 : i32
    %swap3A_1095 = arith.index_cast %swap3A_1094 : i32 to index
    %swap3A_1096 = arith.constant 112 : index
    %swap3A_1097 = tpu.vector_load %arg11[%swap3A_1095, %swap3A_1096] {strides = array<i32>} : memref<8x256xf32, #tpu.memory_space<vmem>>, vector<16xf32>,
    tpu.vector_store %arg11[%swap3A_1095, %swap3A_1096], %broadcast_in_dim3A_587 {strides = array<i32>} : memref<8x256xf32, #tpu.memory_space<vmem>>, vector<16xf32>,
    %swap3A_1098 = arith.constant 7 : i32
    %swap3A_1099 = arith.index_cast %swap3A_1098 : i32 to index
    %swap3A_1100 = arith.constant 240 : index
    %swap3A_1101 = tpu.vector_load %arg11[%swap3A_1099, %swap3A_1100] {strides = array<i32>} : memref<8x256xf32, #tpu.memory_space<vmem>>, vector<16xf32>,
    tpu.vector_store %arg11[%swap3A_1099, %swap3A_1100], %broadcast_in_dim3A_589 {strides = array<i32>} : memref<8x256xf32, #tpu.memory_space<vmem>>, vector<16xf32>,
    %eq3A_1102 = arith.constant 0 : i32
    %eq3A_1103 = arith.cmpi eq, %and3A_298, %eq3A_1102 : i32
    %slice3A_1104 = vector.extract_strided_slice %add3A_456 {offsets = [0], sizes = [1], strides = [1]} : vector<16xi32> to vector<1xi32>
    %squeeze3A_1105 = vector.extract %slice3A_1104[0] : i32 from vector<1xi32>
    %slice3A_1106 = vector.extract_strided_slice %add3A_456 {offsets = [8], sizes = [1], strides = [1]} : vector<16xi32> to vector<1xi32>
    %squeeze3A_1107 = vector.extract %slice3A_1106[0] : i32 from vector<1xi32>
    %select_n3A_1108 = arith.select %eq3A_1103, %squeeze3A_1105, %squeeze3A_1107 : i32
    %eq3A_1109 = arith.constant 0 : i32
    %eq3A_1110 = arith.cmpi eq, %and3A_298, %eq3A_1109 : i32
    %slice3A_1111 = vector.extract_strided_slice %add3A_456 {offsets = [8], sizes = [1], strides = [1]} : vector<16xi32> to vector<1xi32>
    %squeeze3A_1112 = vector.extract %slice3A_1111[0] : i32 from vector<1xi32>
    %slice3A_1113 = vector.extract_strided_slice %add3A_461 {offsets = [0], sizes = [1], strides = [1]} : vector<16xi32> to vector<1xi32>
    %squeeze3A_1114 = vector.extract %slice3A_1113[0] : i32 from vector<1xi32>
    %select_n3A_1115 = arith.select %eq3A_1110, %squeeze3A_1112, %squeeze3A_1114 : i32
    %and3A_1116 = arith.constant -8 : i32
    %and3A_1117 = arith.andi %select_n3A_1108, %and3A_1116 : i32
    %min3A_1118 = arith.constant 99872 : i32
    %min3A_1119 = arith.minsi %and3A_1117, %min3A_1118 : i32
    %multiple_of3A_1120 = tpu.assume_multiple %min3A_1119, 8 : i32
    %lt3A = arith.cmpi slt, %select_n3A_1108, %select_n3A_1115 : i32
    %sub3A_1121 = arith.subi %select_n3A_1115, %multiple_of3A_1120 : i32
    %add3A_1122 = arith.constant 128 : i32
    %add3A_1123 = arith.addi %sub3A_1121, %add3A_1122 : i32
    %sub3A_1124 = arith.constant 1 : i32
    %sub3A_1125 = arith.subi %add3A_1123, %sub3A_1124 : i32
    %jit3A_1126 = arith.constant 128 : i32
    %div3A = arith.divsi %sub3A_1125, %jit3A_1126 : i32
    %sign3A = arith.constant 0 : i32
    %sign3A_1127 = arith.cmpi sgt, %sub3A_1125, %sign3A : i32
    %sign3A_1128 = arith.extui %sign3A_1127 : i1 to i32
    %sign3A_1129 = arith.constant 0 : i32
    %sign3A_1130 = arith.cmpi slt, %sub3A_1125, %sign3A_1129 : i32
    %sign3A_1131 = arith.extui %sign3A_1130 : i1 to i32
    %sign3A_1132 = arith.subi %sign3A_1128, %sign3A_1131 : i32
    %sign3A_1133 = arith.constant 0 : i32
    %sign3A_1134 = arith.cmpi sgt, %jit3A_1126, %sign3A_1133 : i32
    %sign3A_1135 = arith.extui %sign3A_1134 : i1 to i32
    %sign3A_1136 = arith.constant 0 : i32
    %sign3A_1137 = arith.cmpi slt, %jit3A_1126, %sign3A_1136 : i32
    %sign3A_1138 = arith.extui %sign3A_1137 : i1 to i32
    %sign3A_1139 = arith.subi %sign3A_1135, %sign3A_1138 : i32
    %ne3A = arith.cmpi ne, %sign3A_1132, %sign3A_1139 : i32
    %rem3A = arith.remsi %sub3A_1125, %jit3A_1126 : i32
    %ne3A_1140 = arith.constant 0 : i32
    %ne3A_1141 = arith.cmpi ne, %rem3A, %ne3A_1140 : i32
    %and3A_1142 = arith.andi %ne3A, %ne3A_1141 : i1
    %sub3A_1143 = arith.constant 1 : i32
    %sub3A_1144 = arith.subi %div3A, %sub3A_1143 : i32
    %select_n3A_1145 = arith.select %and3A_1142, %sub3A_1144, %div3A : i32
    %jit3A_1146 = arith.constant 0 : i32
    %select_n3A_1147 = arith.select %lt3A, %select_n3A_1145, %jit3A_1146 : i32
    %min3A_1148 = arith.constant 6 : i32
    %min3A_1149 = arith.minsi %select_n3A_1147, %min3A_1148 : i32
    %while3A = arith.constant 0 : i32
    %while3A_1150 = arith.constant 0 : i32
    %while3A_1151 = arith.subi %min3A_1149, %while3A : i32
    %while3A_1152 = arith.addi %while3A, %while3A_1151 : i32
    %while3A_1153 = arith.constant 1 : i32
    %while3A_1154 = arith.divsi %while3A_1151, %while3A_1153 : i32
    %while3A_1155 = arith.muli %while3A_1154, %while3A_1153 : i32
    %while3A_1156 = arith.addi %while3A, %while3A_1155 : i32
    %while3A_1157 = arith.constant 1 : i32
    %while3A_1158 = scf.for %while3A_1169 = %while3A to %while3A_1156 step %while3A_1157 iter_args(%while3A_1170 = %while3A_1150) -> (i32)  : i32 {
      %mul3A_1171 = arith.constant 128 : i32
      %mul3A_1172 = arith.muli %while3A_1169, %mul3A_1171 : i32
      %add3A_1173 = arith.addi %multiple_of3A_1120, %mul3A_1172 : i32
      %min3A_1174 = arith.constant 99872 : i32
      %min3A_1175 = arith.minsi %add3A_1173, %min3A_1174 : i32
      %multiple_of3A_1176 = tpu.assume_multiple %min3A_1175, 8 : i32
      %mul3A_1177 = arith.constant 128 : i32
      %mul3A_1178 = arith.muli %while3A_1169, %mul3A_1177 : i32
      %multiple_of3A_1179 = tpu.assume_multiple %mul3A_1178, 8 : i32
      %dma_start3A = arith.constant 0 : i32
      %dma_start3A_1180 = tpu.memref_slice %arg9[%multiple_of3A_1179, %dma_start3A] : memref<768x128xf32, #tpu.memory_space<vmem>> -> memref<128x128xf32, #tpu.memory_space<vmem>>
      %dma_start3A_1181 = arith.constant 0 : i32
      %dma_start3A_1182 = tpu.memref_slice %arg2[%multiple_of3A_1176, %dma_start3A_1181] : memref<100000x128xf32, #tpu.memory_space<hbm>> -> memref<128x128xf32, #tpu.memory_space<hbm>>
      %dma_start3A_1183 = arith.constant 0 : i32
      %dma_start3A_1184 = tpu.memref_slice %arg9[%multiple_of3A_1179, %dma_start3A_1183] : memref<768x128xf32, #tpu.memory_space<vmem>> -> memref<128x128xf32, #tpu.memory_space<vmem>>
      %dma_start3A_1185 = arith.constant 0 : i32
      %dma_start3A_1186 = tpu.memref_slice %arg2[%multiple_of3A_1176, %dma_start3A_1185] : memref<100000x128xf32, #tpu.memory_space<hbm>> -> memref<128x128xf32, #tpu.memory_space<hbm>>
      tpu.enqueue_dma source(%dma_start3A_1186 : memref<128x128xf32, #tpu.memory_space<hbm>>) target(%dma_start3A_1184 : memref<128x128xf32, #tpu.memory_space<vmem>>) target_semaphore(%arg14 : memref<!tpu.dma_semaphore, #tpu.memory_space<semaphore_mem>>)
      %while3A_1187 = arith.constant 0 : i32
      scf.yield %while3A_1187 : i32
    }
    %while3A_1159 = arith.constant 1 : i32
    %while3A_1160 = scf.for %while3A_1169 = %while3A_1156 to %while3A_1152 step %while3A_1159 iter_args(%while3A_1170 = %while3A_1158) -> (i32)  : i32 {
      %mul3A_1171 = arith.constant 128 : i32
      %mul3A_1172 = arith.muli %while3A_1169, %mul3A_1171 : i32
      %add3A_1173 = arith.addi %multiple_of3A_1120, %mul3A_1172 : i32
      %min3A_1174 = arith.constant 99872 : i32
      %min3A_1175 = arith.minsi %add3A_1173, %min3A_1174 : i32
      %multiple_of3A_1176 = tpu.assume_multiple %min3A_1175, 8 : i32
      %mul3A_1177 = arith.constant 128 : i32
      %mul3A_1178 = arith.muli %while3A_1169, %mul3A_1177 : i32
      %multiple_of3A_1179 = tpu.assume_multiple %mul3A_1178, 8 : i32
      %dma_start3A = arith.constant 0 : i32
      %dma_start3A_1180 = tpu.memref_slice %arg9[%multiple_of3A_1179, %dma_start3A] : memref<768x128xf32, #tpu.memory_space<vmem>> -> memref<128x128xf32, #tpu.memory_space<vmem>>
      %dma_start3A_1181 = arith.constant 0 : i32
      %dma_start3A_1182 = tpu.memref_slice %arg2[%multiple_of3A_1176, %dma_start3A_1181] : memref<100000x128xf32, #tpu.memory_space<hbm>> -> memref<128x128xf32, #tpu.memory_space<hbm>>
      %dma_start3A_1183 = arith.constant 0 : i32
      %dma_start3A_1184 = tpu.memref_slice %arg9[%multiple_of3A_1179, %dma_start3A_1183] : memref<768x128xf32, #tpu.memory_space<vmem>> -> memref<128x128xf32, #tpu.memory_space<vmem>>
      %dma_start3A_1185 = arith.constant 0 : i32
      %dma_start3A_1186 = tpu.memref_slice %arg2[%multiple_of3A_1176, %dma_start3A_1185] : memref<100000x128xf32, #tpu.memory_space<hbm>> -> memref<128x128xf32, #tpu.memory_space<hbm>>
      tpu.enqueue_dma source(%dma_start3A_1186 : memref<128x128xf32, #tpu.memory_space<hbm>>) target(%dma_start3A_1184 : memref<128x128xf32, #tpu.memory_space<vmem>>) target_semaphore(%arg14 : memref<!tpu.dma_semaphore, #tpu.memory_space<semaphore_mem>>)
      %while3A_1187 = arith.constant 0 : i32
      scf.yield %while3A_1187 : i32
    }
    %gt3A = arith.constant 0 : i32
    %gt3A_1161 = arith.cmpi sgt, %select_n3A_1147, %gt3A : i32
    %convert_element_type3A = arith.extui %gt3A_1161 : i1 to i32
    %cond3A = arith.constant 0 : i32
    %cond3A_1162 = arith.cmpi ne, %convert_element_type3A, %cond3A : i32
    scf.if %cond3A_1162 {
      %dma_wait3A = arith.constant 0 : i32
      %dma_wait3A_1169 = arith.constant 0 : i32
      %dma_wait3A_1170 = tpu.memref_slice %arg9[%dma_wait3A, %dma_wait3A_1169] : memref<768x128xf32, #tpu.memory_space<vmem>> -> memref<128x128xf32, #tpu.memory_space<vmem>>
      %dma_wait3A_1171 = arith.constant 0 : i32
      %dma_wait3A_1172 = arith.constant 0 : i32
      %dma_wait3A_1173 = tpu.memref_slice %arg2[%dma_wait3A_1171, %dma_wait3A_1172] : memref<100000x128xf32, #tpu.memory_space<hbm>> -> memref<128x128xf32, #tpu.memory_space<hbm>>
      %dma_wait3A_1174 = arith.constant 0 : i32
      %dma_wait3A_1175 = arith.constant 0 : i32
      %dma_wait3A_1176 = tpu.memref_slice %arg9[%dma_wait3A_1174, %dma_wait3A_1175] : memref<768x128xf32, #tpu.memory_space<vmem>> -> memref<128x128xf32, #tpu.memory_space<vmem>>
      %dma_wait3A_1177 = arith.constant 0 : i32
      %dma_wait3A_1178 = arith.constant 0 : i32
      %dma_wait3A_1179 = tpu.memref_slice %arg2[%dma_wait3A_1177, %dma_wait3A_1178] : memref<100000x128xf32, #tpu.memory_space<hbm>> -> memref<128x128xf32, #tpu.memory_space<hbm>>
      tpu.wait_dma2 semaphore(%arg14 : memref<!tpu.dma_semaphore, #tpu.memory_space<semaphore_mem>>) src(%dma_wait3A_1179 : memref<128x128xf32, #tpu.memory_space<hbm>>) dst(%dma_wait3A_1176 : memref<128x128xf32, #tpu.memory_space<vmem>>)
    } else {
    }
    %while3A_1163 = arith.constant 0 : i32
    %while3A_1164 = arith.constant 0 : i32
    %while3A_1165 = arith.constant 0.000000e+00 : f32
    %while3A_1166:28 = scf.while (%while3A_1169 = %select_n3A_1108, %while3A_1170 = %while3A_1163, %while3A_1171 = %while3A_1164, %while3A_1172 = %while3A_1165, %while3A_1173 = %broadcast_in_dim3A_589, %while3A_1174 = %broadcast_in_dim3A_589, %while3A_1175 = %broadcast_in_dim3A_589, %while3A_1176 = %broadcast_in_dim3A_589, %while3A_1177 = %broadcast_in_dim3A_589, %while3A_1178 = %broadcast_in_dim3A_589, %while3A_1179 = %broadcast_in_dim3A_589, %while3A_1180 = %broadcast_in_dim3A_589, %while3A_1181 = %broadcast_in_dim3A_587, %while3A_1182 = %broadcast_in_dim3A_587, %while3A_1183 = %broadcast_in_dim3A_587, %while3A_1184 = %broadcast_in_dim3A_587, %while3A_1185 = %broadcast_in_dim3A_587, %while3A_1186 = %broadcast_in_dim3A_587, %while3A_1187 = %broadcast_in_dim3A_587, %while3A_1188 = %broadcast_in_dim3A_587, %while3A_1189 = %broadcast_in_dim3A_587, %while3A_1190 = %broadcast_in_dim3A_587, %while3A_1191 = %broadcast_in_dim3A_587, %while3A_1192 = %broadcast_in_dim3A_587, %while3A_1193 = %broadcast_in_dim3A_587, %while3A_1194 = %broadcast_in_dim3A_587, %while3A_1195 = %broadcast_in_dim3A_587, %while3A_1196 = %broadcast_in_dim3A_587) : (i32, i32, i32, f32, vector<16xf32>, vector<16xf32>, vector<16xf32>, vector<16xf32>, vector<16xf32>, vector<16xf32>, vector<16xf32>, vector<16xf32>, vector<16xf32>, vector<16xf32>, vector<16xf32>, vector<16xf32>, vector<16xf32>, vector<16xf32>, vector<16xf32>, vector<16xf32>, vector<16xf32>, vector<16xf32>, vector<16xf32>, vector<16xf32>, vector<16xf32>, vector<16xf32>, vector<16xf32>, vector<16xf32>) -> (i32, i32, i32, f32, vector<16xf32>, vector<16xf32>, vector<16xf32>, vector<16xf32>, vector<16xf32>, vector<16xf32>, vector<16xf32>, vector<16xf32>, vector<16xf32>, vector<16xf32>, vector<16xf32>, vector<16xf32>, vector<16xf32>, vector<16xf32>, vector<16xf32>, vector<16xf32>, vector<16xf32>, vector<16xf32>, vector<16xf32>, vector<16xf32>, vector<16xf32>, vector<16xf32>, vector<16xf32>, vector<16xf32>) {
      %lt3A_1197 = arith.cmpi slt, %while3A_1169, %select_n3A_1115 : i32
      scf.condition(%lt3A_1197) %while3A_1169, %while3A_1170, %while3A_1171, %while3A_1172, %while3A_1173, %while3A_1174, %while3A_1175, %while3A_1176, %while3A_1177, %while3A_1178, %while3A_1179, %while3A_1180, %while3A_1181, %while3A_1182, %while3A_1183, %while3A_1184, %while3A_1185, %while3A_1186, %while3A_1187, %while3A_1188, %while3A_1189, %while3A_1190, %while3A_1191, %while3A_1192, %while3A_1193, %while3A_1194, %while3A_1195, %while3A_1196 : i32, i32, i32, f32, vector<16xf32>, vector<16xf32>, vector<16xf32>, vector<16xf32>, vector<16xf32>, vector<16xf32>, vector<16xf32>, vector<16xf32>, vector<16xf32>, vector<16xf32>, vector<16xf32>, vector<16xf32>, vector<16xf32>, vector<16xf32>, vector<16xf32>, vector<16xf32>, vector<16xf32>, vector<16xf32>, vector<16xf32>, vector<16xf32>, vector<16xf32>, vector<16xf32>, vector<16xf32>, vector<16xf32>
    } do {
    ^bb0(%while3A_1169: i32, %while3A_1170: i32, %while3A_1171: i32, %while3A_1172: f32, %while3A_1173: vector<16xf32>, %while3A_1174: vector<16xf32>, %while3A_1175: vector<16xf32>, %while3A_1176: vector<16xf32>, %while3A_1177: vector<16xf32>, %while3A_1178: vector<16xf32>, %while3A_1179: vector<16xf32>, %while3A_1180: vector<16xf32>, %while3A_1181: vector<16xf32>, %while3A_1182: vector<16xf32>, %while3A_1183: vector<16xf32>, %while3A_1184: vector<16xf32>, %while3A_1185: vector<16xf32>, %while3A_1186: vector<16xf32>, %while3A_1187: vector<16xf32>, %while3A_1188: vector<16xf32>, %while3A_1189: vector<16xf32>, %while3A_1190: vector<16xf32>, %while3A_1191: vector<16xf32>, %while3A_1192: vector<16xf32>, %while3A_1193: vector<16xf32>, %while3A_1194: vector<16xf32>, %while3A_1195: vector<16xf32>, %while3A_1196: vector<16xf32>):
      %mul3A_1197 = arith.constant 128 : i32
      %mul3A_1198 = arith.muli %while3A_1171, %mul3A_1197 : i32
      %add3A_1199 = arith.addi %multiple_of3A_1120, %mul3A_1198 : i32
      %min3A_1200 = arith.constant 99872 : i32
      %min3A_1201 = arith.minsi %add3A_1199, %min3A_1200 : i32
      %multiple_of3A_1202 = tpu.assume_multiple %min3A_1201, 8 : i32
      %add3A_1203 = arith.constant 1 : i32
      %add3A_1204 = arith.addi %while3A_1170, %add3A_1203 : i32
      %get3A_1205 = arith.index_cast %add3A_1204 : i32 to index
      %get3A_1206 = memref.load %arg12[%get3A_1205] : memref<16xi32, #tpu.memory_space<smem>>
      %add3A_1207 = arith.constant 128 : i32
      %add3A_1208 = arith.addi %multiple_of3A_1202, %add3A_1207 : i32
      %min3A_1209 = arith.minsi %get3A_1206, %add3A_1208 : i32
      %eq3A_1210 = arith.cmpi eq, %min3A_1209, %add3A_1208 : i32
      %lt3A_1211 = arith.cmpi slt, %min3A_1209, %select_n3A_1115 : i32
      %and3A_1212 = arith.andi %eq3A_1210, %lt3A_1211 : i1
      %rem3A_1213 = arith.constant 6 : i32
      %rem3A_1214 = arith.remsi %while3A_1171, %rem3A_1213 : i32
      %mul3A_1215 = arith.constant 128 : i32
      %mul3A_1216 = arith.muli %rem3A_1214, %mul3A_1215 : i32
      %sub3A_1217 = arith.subi %while3A_1169, %multiple_of3A_1202 : i32
      %add3A_1218 = arith.addi %mul3A_1216, %sub3A_1217 : i32
      %sub3A_1219 = arith.subi %min3A_1209, %while3A_1169 : i32
      %while3A_1220 = arith.constant 0 : i32
      %while3A_1221 = arith.subi %sub3A_1219, %while3A_1220 : i32
      %while3A_1222 = arith.addi %while3A_1220, %while3A_1221 : i32
      %while3A_1223 = arith.constant 1 : i32
      %while3A_1224 = arith.divsi %while3A_1221, %while3A_1223 : i32
      %while3A_1225 = arith.muli %while3A_1224, %while3A_1223 : i32
      %while3A_1226 = arith.addi %while3A_1220, %while3A_1225 : i32
      %while3A_1227 = arith.constant 1 : i32
      %while3A_1228:25 = scf.for %while3A_1249 = %while3A_1220 to %while3A_1226 step %while3A_1227 iter_args(%while3A_1250 = %while3A_1173, %while3A_1251 = %while3A_1174, %while3A_1252 = %while3A_1175, %while3A_1253 = %while3A_1176, %while3A_1254 = %while3A_1177, %while3A_1255 = %while3A_1178, %while3A_1256 = %while3A_1179, %while3A_1257 = %while3A_1180, %while3A_1258 = %while3A_1181, %while3A_1259 = %while3A_1182, %while3A_1260 = %while3A_1183, %while3A_1261 = %while3A_1184, %while3A_1262 = %while3A_1185, %while3A_1263 = %while3A_1186, %while3A_1264 = %while3A_1187, %while3A_1265 = %while3A_1188, %while3A_1266 = %while3A_1172, %while3A_1267 = %while3A_1189, %while3A_1268 = %while3A_1190, %while3A_1269 = %while3A_1191, %while3A_1270 = %while3A_1192, %while3A_1271 = %while3A_1193, %while3A_1272 = %while3A_1194, %while3A_1273 = %while3A_1195, %while3A_1274 = %while3A_1196) -> (vector<16xf32>, vector<16xf32>, vector<16xf32>, vector<16xf32>, vector<16xf32>, vector<16xf32>, vector<16xf32>, vector<16xf32>, vector<16xf32>, vector<16xf32>, vector<16xf32>, vector<16xf32>, vector<16xf32>, vector<16xf32>, vector<16xf32>, vector<16xf32>, f32, vector<16xf32>, vector<16xf32>, vector<16xf32>, vector<16xf32>, vector<16xf32>, vector<16xf32>, vector<16xf32>, vector<16xf32>)  : i32 {
        %add3A_1275 = arith.addi %add3A_1218, %while3A_1249 : i32
        %get3A_1276 = arith.index_cast %add3A_1275 : i32 to index
        %get3A_1277 = arith.constant 0 : index
        %get3A_1278 = tpu.vector_load %arg9[%get3A_1276, %get3A_1277] {strides = array<i32>} : memref<768x128xf32, #tpu.memory_space<vmem>>, vector<16xf32>,
        %get3A_1279 = arith.index_cast %add3A_1275 : i32 to index
        %get3A_1280 = arith.constant 16 : index
        %get3A_1281 = tpu.vector_load %arg9[%get3A_1279, %get3A_1280] {strides = array<i32>} : memref<768x128xf32, #tpu.memory_space<vmem>>, vector<16xf32>,
        %get3A_1282 = arith.index_cast %add3A_1275 : i32 to index
        %get3A_1283 = arith.constant 32 : index
        %get3A_1284 = tpu.vector_load %arg9[%get3A_1282, %get3A_1283] {strides = array<i32>} : memref<768x128xf32, #tpu.memory_space<vmem>>, vector<16xf32>,
        %get3A_1285 = arith.index_cast %add3A_1275 : i32 to index
        %get3A_1286 = arith.constant 48 : index
        %get3A_1287 = tpu.vector_load %arg9[%get3A_1285, %get3A_1286] {strides = array<i32>} : memref<768x128xf32, #tpu.memory_space<vmem>>, vector<16xf32>,
        %get3A_1288 = arith.index_cast %add3A_1275 : i32 to index
        %get3A_1289 = arith.constant 64 : index
        %get3A_1290 = tpu.vector_load %arg9[%get3A_1288, %get3A_1289] {strides = array<i32>} : memref<768x128xf32, #tpu.memory_space<vmem>>, vector<16xf32>,
        %get3A_1291 = arith.index_cast %add3A_1275 : i32 to index
        %get3A_1292 = arith.constant 80 : index
        %get3A_1293 = tpu.vector_load %arg9[%get3A_1291, %get3A_1292] {strides = array<i32>} : memref<768x128xf32, #tpu.memory_space<vmem>>, vector<16xf32>,
        %get3A_1294 = arith.index_cast %add3A_1275 : i32 to index
        %get3A_1295 = arith.constant 96 : index
        %get3A_1296 = tpu.vector_load %arg9[%get3A_1294, %get3A_1295] {strides = array<i32>} : memref<768x128xf32, #tpu.memory_space<vmem>>, vector<16xf32>,
        %get3A_1297 = arith.index_cast %add3A_1275 : i32 to index
        %get3A_1298 = arith.constant 112 : index
        %get3A_1299 = tpu.vector_load %arg9[%get3A_1297, %get3A_1298] {strides = array<i32>} : memref<768x128xf32, #tpu.memory_space<vmem>>, vector<16xf32>,
        %mul3A_1300 = arith.mulf %get3A_1278, %get3A_553 : vector<16xf32>
        %mul3A_1301 = arith.mulf %get3A_1281, %get3A_557 : vector<16xf32>
        %add3A_1302 = arith.addf %mul3A_1300, %mul3A_1301 : vector<16xf32>
        %mul3A_1303 = arith.mulf %get3A_1284, %get3A_561 : vector<16xf32>
        %add3A_1304 = arith.addf %add3A_1302, %mul3A_1303 : vector<16xf32>
        %mul3A_1305 = arith.mulf %get3A_1287, %get3A_565 : vector<16xf32>
        %add3A_1306 = arith.addf %add3A_1304, %mul3A_1305 : vector<16xf32>
        %mul3A_1307 = arith.mulf %get3A_1290, %get3A_569 : vector<16xf32>
        %add3A_1308 = arith.addf %add3A_1306, %mul3A_1307 : vector<16xf32>
        %mul3A_1309 = arith.mulf %get3A_1293, %get3A_573 : vector<16xf32>
        %add3A_1310 = arith.addf %add3A_1308, %mul3A_1309 : vector<16xf32>
        %mul3A_1311 = arith.mulf %get3A_1296, %get3A_577 : vector<16xf32>
        %add3A_1312 = arith.addf %add3A_1310, %mul3A_1311 : vector<16xf32>
        %mul3A_1313 = arith.mulf %get3A_1299, %get3A_581 : vector<16xf32>
        %add3A_1314 = arith.addf %add3A_1312, %mul3A_1313 : vector<16xf32>
        %reduce_sum3A = arith.constant true
        %reduce_sum3A_1315 = vector.broadcast %reduce_sum3A : i1 to vector<16xi1>
        %reduce_sum3A_1316 = tpu.scan <sum>, %add3A_1314 masked %reduce_sum3A_1315 : vector<16xf32>, vector<16xi1> -> vector<16xf32>
        %reduce_sum3A_1317 = vector.extract %reduce_sum3A_1316[15] : f32 from vector<16xf32>
        %add3A_1318 = vector.broadcast %while3A_1266 : f32 to vector<16xf32>
        %add3A_1319 = arith.addf %add3A_1318, %get3A_585 : vector<16xf32>
        %neg3A = arith.constant 0.000000e+00 : f32
        %neg3A_1320 = vector.broadcast %neg3A : f32 to vector<16xf32>
        %neg3A_1321 = arith.subf %neg3A_1320, %add3A_1319 : vector<16xf32>
        %exp3A = math.exp %neg3A_1321 : vector<16xf32>
        %add3A_1322 = arith.constant 1.000000e+00 : f32
        %add3A_1323 = vector.broadcast %add3A_1322 : f32 to vector<16xf32>
        %add3A_1324 = arith.addf %add3A_1323, %exp3A : vector<16xf32>
        %div3A_1325 = arith.constant 1.000000e+00 : f32
        %div3A_1326 = vector.broadcast %div3A_1325 : f32 to vector<16xf32>
        %div3A_1327 = arith.divf %div3A_1326, %add3A_1324 : vector<16xf32>
        %mul3A_1328 = arith.mulf %div3A_1327, %while3A_1258 : vector<16xf32>
        %add3A_1329 = arith.addf %while3A_1267, %mul3A_1328 : vector<16xf32>
        %mul3A_1330 = arith.mulf %div3A_1327, %while3A_1259 : vector<16xf32>
        %add3A_1331 = arith.addf %while3A_1268, %mul3A_1330 : vector<16xf32>
        %mul3A_1332 = arith.mulf %div3A_1327, %while3A_1260 : vector<16xf32>
        %add3A_1333 = arith.addf %while3A_1269, %mul3A_1332 : vector<16xf32>
        %mul3A_1334 = arith.mulf %div3A_1327, %while3A_1261 : vector<16xf32>
        %add3A_1335 = arith.addf %while3A_1270, %mul3A_1334 : vector<16xf32>
        %mul3A_1336 = arith.mulf %div3A_1327, %while3A_1262 : vector<16xf32>
        %add3A_1337 = arith.addf %while3A_1271, %mul3A_1336 : vector<16xf32>
        %mul3A_1338 = arith.mulf %div3A_1327, %while3A_1263 : vector<16xf32>
        %add3A_1339 = arith.addf %while3A_1272, %mul3A_1338 : vector<16xf32>
        %mul3A_1340 = arith.mulf %div3A_1327, %while3A_1264 : vector<16xf32>
        %add3A_1341 = arith.addf %while3A_1273, %mul3A_1340 : vector<16xf32>
        %mul3A_1342 = arith.mulf %div3A_1327, %while3A_1265 : vector<16xf32>
        %add3A_1343 = arith.addf %while3A_1274, %mul3A_1342 : vector<16xf32>
        %max3A = arith.maximumf %while3A_1250, %get3A_1278 : vector<16xf32>
        %max3A_1344 = arith.maximumf %while3A_1251, %get3A_1281 : vector<16xf32>
        %max3A_1345 = arith.maximumf %while3A_1252, %get3A_1284 : vector<16xf32>
        %max3A_1346 = arith.maximumf %while3A_1253, %get3A_1287 : vector<16xf32>
        %max3A_1347 = arith.maximumf %while3A_1254, %get3A_1290 : vector<16xf32>
        %max3A_1348 = arith.maximumf %while3A_1255, %get3A_1293 : vector<16xf32>
        %max3A_1349 = arith.maximumf %while3A_1256, %get3A_1296 : vector<16xf32>
        %max3A_1350 = arith.maximumf %while3A_1257, %get3A_1299 : vector<16xf32>
        scf.yield %max3A, %max3A_1344, %max3A_1345, %max3A_1346, %max3A_1347, %max3A_1348, %max3A_1349, %max3A_1350, %get3A_1278, %get3A_1281, %get3A_1284, %get3A_1287, %get3A_1290, %get3A_1293, %get3A_1296, %get3A_1299, %reduce_sum3A_1317, %add3A_1329, %add3A_1331, %add3A_1333, %add3A_1335, %add3A_1337, %add3A_1339, %add3A_1341, %add3A_1343 : vector<16xf32>, vector<16xf32>, vector<16xf32>, vector<16xf32>, vector<16xf32>, vector<16xf32>, vector<16xf32>, vector<16xf32>, vector<16xf32>, vector<16xf32>, vector<16xf32>, vector<16xf32>, vector<16xf32>, vector<16xf32>, vector<16xf32>, vector<16xf32>, f32, vector<16xf32>, vector<16xf32>, vector<16xf32>, vector<16xf32>, vector<16xf32>, vector<16xf32>, vector<16xf32>, vector<16xf32>
      }
      %while3A_1229 = arith.constant 1 : i32
      %while3A_1230:25 = scf.for %while3A_1249 = %while3A_1226 to %while3A_1222 step %while3A_1229 iter_args(%while3A_1250 = %while3A_1228#0, %while3A_1251 = %while3A_1228#1, %while3A_1252 = %while3A_1228#2, %while3A_1253 = %while3A_1228#3, %while3A_1254 = %while3A_1228#4, %while3A_1255 = %while3A_1228#5, %while3A_1256 = %while3A_1228#6, %while3A_1257 = %while3A_1228#7, %while3A_1258 = %while3A_1228#8, %while3A_1259 = %while3A_1228#9, %while3A_1260 = %while3A_1228#10, %while3A_1261 = %while3A_1228#11, %while3A_1262 = %while3A_1228#12, %while3A_1263 = %while3A_1228#13, %while3A_1264 = %while3A_1228#14, %while3A_1265 = %while3A_1228#15, %while3A_1266 = %while3A_1228#16, %while3A_1267 = %while3A_1228#17, %while3A_1268 = %while3A_1228#18, %while3A_1269 = %while3A_1228#19, %while3A_1270 = %while3A_1228#20, %while3A_1271 = %while3A_1228#21, %while3A_1272 = %while3A_1228#22, %while3A_1273 = %while3A_1228#23, %while3A_1274 = %while3A_1228#24) -> (vector<16xf32>, vector<16xf32>, vector<16xf32>, vector<16xf32>, vector<16xf32>, vector<16xf32>, vector<16xf32>, vector<16xf32>, vector<16xf32>, vector<16xf32>, vector<16xf32>, vector<16xf32>, vector<16xf32>, vector<16xf32>, vector<16xf32>, vector<16xf32>, f32, vector<16xf32>, vector<16xf32>, vector<16xf32>, vector<16xf32>, vector<16xf32>, vector<16xf32>, vector<16xf32>, vector<16xf32>)  : i32 {
        %add3A_1275 = arith.addi %add3A_1218, %while3A_1249 : i32
        %get3A_1276 = arith.index_cast %add3A_1275 : i32 to index
        %get3A_1277 = arith.constant 0 : index
        %get3A_1278 = tpu.vector_load %arg9[%get3A_1276, %get3A_1277] {strides = array<i32>} : memref<768x128xf32, #tpu.memory_space<vmem>>, vector<16xf32>,
        %get3A_1279 = arith.index_cast %add3A_1275 : i32 to index
        %get3A_1280 = arith.constant 16 : index
        %get3A_1281 = tpu.vector_load %arg9[%get3A_1279, %get3A_1280] {strides = array<i32>} : memref<768x128xf32, #tpu.memory_space<vmem>>, vector<16xf32>,
        %get3A_1282 = arith.index_cast %add3A_1275 : i32 to index
        %get3A_1283 = arith.constant 32 : index
        %get3A_1284 = tpu.vector_load %arg9[%get3A_1282, %get3A_1283] {strides = array<i32>} : memref<768x128xf32, #tpu.memory_space<vmem>>, vector<16xf32>,
        %get3A_1285 = arith.index_cast %add3A_1275 : i32 to index
        %get3A_1286 = arith.constant 48 : index
        %get3A_1287 = tpu.vector_load %arg9[%get3A_1285, %get3A_1286] {strides = array<i32>} : memref<768x128xf32, #tpu.memory_space<vmem>>, vector<16xf32>,
        %get3A_1288 = arith.index_cast %add3A_1275 : i32 to index
        %get3A_1289 = arith.constant 64 : index
        %get3A_1290 = tpu.vector_load %arg9[%get3A_1288, %get3A_1289] {strides = array<i32>} : memref<768x128xf32, #tpu.memory_space<vmem>>, vector<16xf32>,
        %get3A_1291 = arith.index_cast %add3A_1275 : i32 to index
        %get3A_1292 = arith.constant 80 : index
        %get3A_1293 = tpu.vector_load %arg9[%get3A_1291, %get3A_1292] {strides = array<i32>} : memref<768x128xf32, #tpu.memory_space<vmem>>, vector<16xf32>,
        %get3A_1294 = arith.index_cast %add3A_1275 : i32 to index
        %get3A_1295 = arith.constant 96 : index
        %get3A_1296 = tpu.vector_load %arg9[%get3A_1294, %get3A_1295] {strides = array<i32>} : memref<768x128xf32, #tpu.memory_space<vmem>>, vector<16xf32>,
        %get3A_1297 = arith.index_cast %add3A_1275 : i32 to index
        %get3A_1298 = arith.constant 112 : index
        %get3A_1299 = tpu.vector_load %arg9[%get3A_1297, %get3A_1298] {strides = array<i32>} : memref<768x128xf32, #tpu.memory_space<vmem>>, vector<16xf32>,
        %mul3A_1300 = arith.mulf %get3A_1278, %get3A_553 : vector<16xf32>
        %mul3A_1301 = arith.mulf %get3A_1281, %get3A_557 : vector<16xf32>
        %add3A_1302 = arith.addf %mul3A_1300, %mul3A_1301 : vector<16xf32>
        %mul3A_1303 = arith.mulf %get3A_1284, %get3A_561 : vector<16xf32>
        %add3A_1304 = arith.addf %add3A_1302, %mul3A_1303 : vector<16xf32>
        %mul3A_1305 = arith.mulf %get3A_1287, %get3A_565 : vector<16xf32>
        %add3A_1306 = arith.addf %add3A_1304, %mul3A_1305 : vector<16xf32>
        %mul3A_1307 = arith.mulf %get3A_1290, %get3A_569 : vector<16xf32>
        %add3A_1308 = arith.addf %add3A_1306, %mul3A_1307 : vector<16xf32>
        %mul3A_1309 = arith.mulf %get3A_1293, %get3A_573 : vector<16xf32>
        %add3A_1310 = arith.addf %add3A_1308, %mul3A_1309 : vector<16xf32>
        %mul3A_1311 = arith.mulf %get3A_1296, %get3A_577 : vector<16xf32>
        %add3A_1312 = arith.addf %add3A_1310, %mul3A_1311 : vector<16xf32>
        %mul3A_1313 = arith.mulf %get3A_1299, %get3A_581 : vector<16xf32>
        %add3A_1314 = arith.addf %add3A_1312, %mul3A_1313 : vector<16xf32>
        %reduce_sum3A = arith.constant true
        %reduce_sum3A_1315 = vector.broadcast %reduce_sum3A : i1 to vector<16xi1>
        %reduce_sum3A_1316 = tpu.scan <sum>, %add3A_1314 masked %reduce_sum3A_1315 : vector<16xf32>, vector<16xi1> -> vector<16xf32>
        %reduce_sum3A_1317 = vector.extract %reduce_sum3A_1316[15] : f32 from vector<16xf32>
        %add3A_1318 = vector.broadcast %while3A_1266 : f32 to vector<16xf32>
        %add3A_1319 = arith.addf %add3A_1318, %get3A_585 : vector<16xf32>
        %neg3A = arith.constant 0.000000e+00 : f32
        %neg3A_1320 = vector.broadcast %neg3A : f32 to vector<16xf32>
        %neg3A_1321 = arith.subf %neg3A_1320, %add3A_1319 : vector<16xf32>
        %exp3A = math.exp %neg3A_1321 : vector<16xf32>
        %add3A_1322 = arith.constant 1.000000e+00 : f32
        %add3A_1323 = vector.broadcast %add3A_1322 : f32 to vector<16xf32>
        %add3A_1324 = arith.addf %add3A_1323, %exp3A : vector<16xf32>
        %div3A_1325 = arith.constant 1.000000e+00 : f32
        %div3A_1326 = vector.broadcast %div3A_1325 : f32 to vector<16xf32>
        %div3A_1327 = arith.divf %div3A_1326, %add3A_1324 : vector<16xf32>
        %mul3A_1328 = arith.mulf %div3A_1327, %while3A_1258 : vector<16xf32>
        %add3A_1329 = arith.addf %while3A_1267, %mul3A_1328 : vector<16xf32>
        %mul3A_1330 = arith.mulf %div3A_1327, %while3A_1259 : vector<16xf32>
        %add3A_1331 = arith.addf %while3A_1268, %mul3A_1330 : vector<16xf32>
        %mul3A_1332 = arith.mulf %div3A_1327, %while3A_1260 : vector<16xf32>
        %add3A_1333 = arith.addf %while3A_1269, %mul3A_1332 : vector<16xf32>
        %mul3A_1334 = arith.mulf %div3A_1327, %while3A_1261 : vector<16xf32>
        %add3A_1335 = arith.addf %while3A_1270, %mul3A_1334 : vector<16xf32>
        %mul3A_1336 = arith.mulf %div3A_1327, %while3A_1262 : vector<16xf32>
        %add3A_1337 = arith.addf %while3A_1271, %mul3A_1336 : vector<16xf32>
        %mul3A_1338 = arith.mulf %div3A_1327, %while3A_1263 : vector<16xf32>
        %add3A_1339 = arith.addf %while3A_1272, %mul3A_1338 : vector<16xf32>
        %mul3A_1340 = arith.mulf %div3A_1327, %while3A_1264 : vector<16xf32>
        %add3A_1341 = arith.addf %while3A_1273, %mul3A_1340 : vector<16xf32>
        %mul3A_1342 = arith.mulf %div3A_1327, %while3A_1265 : vector<16xf32>
        %add3A_1343 = arith.addf %while3A_1274, %mul3A_1342 : vector<16xf32>
        %max3A = arith.maximumf %while3A_1250, %get3A_1278 : vector<16xf32>
        %max3A_1344 = arith.maximumf %while3A_1251, %get3A_1281 : vector<16xf32>
        %max3A_1345 = arith.maximumf %while3A_1252, %get3A_1284 : vector<16xf32>
        %max3A_1346 = arith.maximumf %while3A_1253, %get3A_1287 : vector<16xf32>
        %max3A_1347 = arith.maximumf %while3A_1254, %get3A_1290 : vector<16xf32>
        %max3A_1348 = arith.maximumf %while3A_1255, %get3A_1293 : vector<16xf32>
        %max3A_1349 = arith.maximumf %while3A_1256, %get3A_1296 : vector<16xf32>
        %max3A_1350 = arith.maximumf %while3A_1257, %get3A_1299 : vector<16xf32>
        scf.yield %max3A, %max3A_1344, %max3A_1345, %max3A_1346, %max3A_1347, %max3A_1348, %max3A_1349, %max3A_1350, %get3A_1278, %get3A_1281, %get3A_1284, %get3A_1287, %get3A_1290, %get3A_1293, %get3A_1296, %get3A_1299, %reduce_sum3A_1317, %add3A_1329, %add3A_1331, %add3A_1333, %add3A_1335, %add3A_1337, %add3A_1339, %add3A_1341, %add3A_1343 : vector<16xf32>, vector<16xf32>, vector<16xf32>, vector<16xf32>, vector<16xf32>, vector<16xf32>, vector<16xf32>, vector<16xf32>, vector<16xf32>, vector<16xf32>, vector<16xf32>, vector<16xf32>, vector<16xf32>, vector<16xf32>, vector<16xf32>, vector<16xf32>, f32, vector<16xf32>, vector<16xf32>, vector<16xf32>, vector<16xf32>, vector<16xf32>, vector<16xf32>, vector<16xf32>, vector<16xf32>
      }
      %eq3A_1231 = arith.cmpi eq, %min3A_1209, %get3A_1206 : i32
      %convert_element_type3A_1232 = arith.extui %eq3A_1231 : i1 to i32
      %cond3A_1233 = arith.constant 0 : i32
      %cond3A_1234 = arith.cmpi ne, %convert_element_type3A_1232, %cond3A_1233 : i32
      %cond3A_1235:26 = scf.if %cond3A_1234 -> (vector<16xf32>, vector<16xf32>, vector<16xf32>, vector<16xf32>, vector<16xf32>, vector<16xf32>, vector<16xf32>, vector<16xf32>, vector<16xf32>, vector<16xf32>, vector<16xf32>, vector<16xf32>, vector<16xf32>, vector<16xf32>, vector<16xf32>, vector<16xf32>, vector<16xf32>, vector<16xf32>, vector<16xf32>, vector<16xf32>, vector<16xf32>, vector<16xf32>, vector<16xf32>, vector<16xf32>, f32, i32) {
        %add3A_1249 = vector.broadcast %while3A_1230#16 : f32 to vector<16xf32>
        %add3A_1250 = arith.addf %add3A_1249, %get3A_585 : vector<16xf32>
        %neg3A = arith.constant 0.000000e+00 : f32
        %neg3A_1251 = vector.broadcast %neg3A : f32 to vector<16xf32>
        %neg3A_1252 = arith.subf %neg3A_1251, %add3A_1250 : vector<16xf32>
        %exp3A = math.exp %neg3A_1252 : vector<16xf32>
        %add3A_1253 = arith.constant 1.000000e+00 : f32
        %add3A_1254 = vector.broadcast %add3A_1253 : f32 to vector<16xf32>
        %add3A_1255 = arith.addf %add3A_1254, %exp3A : vector<16xf32>
        %div3A_1256 = arith.constant 1.000000e+00 : f32
        %div3A_1257 = vector.broadcast %div3A_1256 : f32 to vector<16xf32>
        %div3A_1258 = arith.divf %div3A_1257, %add3A_1255 : vector<16xf32>
        %mul3A_1259 = arith.mulf %div3A_1258, %while3A_1230#8 : vector<16xf32>
        %add3A_1260 = arith.addf %while3A_1230#17, %mul3A_1259 : vector<16xf32>
        %swap3A_1261 = arith.index_cast %while3A_1170 : i32 to index
        %swap3A_1262 = arith.constant 0 : index
        %swap3A_1263 = tpu.vector_load %arg11[%swap3A_1261, %swap3A_1262] {strides = array<i32>} : memref<8x256xf32, #tpu.memory_space<vmem>>, vector<16xf32>,
        tpu.vector_store %arg11[%swap3A_1261, %swap3A_1262], %add3A_1260 {strides = array<i32>} : memref<8x256xf32, #tpu.memory_space<vmem>>, vector<16xf32>,
        %swap3A_1264 = arith.index_cast %while3A_1170 : i32 to index
        %swap3A_1265 = arith.constant 128 : index
        %swap3A_1266 = tpu.vector_load %arg11[%swap3A_1264, %swap3A_1265] {strides = array<i32>} : memref<8x256xf32, #tpu.memory_space<vmem>>, vector<16xf32>,
        tpu.vector_store %arg11[%swap3A_1264, %swap3A_1265], %while3A_1230#0 {strides = array<i32>} : memref<8x256xf32, #tpu.memory_space<vmem>>, vector<16xf32>,
        %mul3A_1267 = arith.mulf %div3A_1258, %while3A_1230#9 : vector<16xf32>
        %add3A_1268 = arith.addf %while3A_1230#18, %mul3A_1267 : vector<16xf32>
        %swap3A_1269 = arith.index_cast %while3A_1170 : i32 to index
        %swap3A_1270 = arith.constant 16 : index
        %swap3A_1271 = tpu.vector_load %arg11[%swap3A_1269, %swap3A_1270] {strides = array<i32>} : memref<8x256xf32, #tpu.memory_space<vmem>>, vector<16xf32>,
        tpu.vector_store %arg11[%swap3A_1269, %swap3A_1270], %add3A_1268 {strides = array<i32>} : memref<8x256xf32, #tpu.memory_space<vmem>>, vector<16xf32>,
        %swap3A_1272 = arith.index_cast %while3A_1170 : i32 to index
        %swap3A_1273 = arith.constant 144 : index
        %swap3A_1274 = tpu.vector_load %arg11[%swap3A_1272, %swap3A_1273] {strides = array<i32>} : memref<8x256xf32, #tpu.memory_space<vmem>>, vector<16xf32>,
        tpu.vector_store %arg11[%swap3A_1272, %swap3A_1273], %while3A_1230#1 {strides = array<i32>} : memref<8x256xf32, #tpu.memory_space<vmem>>, vector<16xf32>,
        %mul3A_1275 = arith.mulf %div3A_1258, %while3A_1230#10 : vector<16xf32>
        %add3A_1276 = arith.addf %while3A_1230#19, %mul3A_1275 : vector<16xf32>
        %swap3A_1277 = arith.index_cast %while3A_1170 : i32 to index
        %swap3A_1278 = arith.constant 32 : index
        %swap3A_1279 = tpu.vector_load %arg11[%swap3A_1277, %swap3A_1278] {strides = array<i32>} : memref<8x256xf32, #tpu.memory_space<vmem>>, vector<16xf32>,
        tpu.vector_store %arg11[%swap3A_1277, %swap3A_1278], %add3A_1276 {strides = array<i32>} : memref<8x256xf32, #tpu.memory_space<vmem>>, vector<16xf32>,
        %swap3A_1280 = arith.index_cast %while3A_1170 : i32 to index
        %swap3A_1281 = arith.constant 160 : index
        %swap3A_1282 = tpu.vector_load %arg11[%swap3A_1280, %swap3A_1281] {strides = array<i32>} : memref<8x256xf32, #tpu.memory_space<vmem>>, vector<16xf32>,
        tpu.vector_store %arg11[%swap3A_1280, %swap3A_1281], %while3A_1230#2 {strides = array<i32>} : memref<8x256xf32, #tpu.memory_space<vmem>>, vector<16xf32>,
        %mul3A_1283 = arith.mulf %div3A_1258, %while3A_1230#11 : vector<16xf32>
        %add3A_1284 = arith.addf %while3A_1230#20, %mul3A_1283 : vector<16xf32>
        %swap3A_1285 = arith.index_cast %while3A_1170 : i32 to index
        %swap3A_1286 = arith.constant 48 : index
        %swap3A_1287 = tpu.vector_load %arg11[%swap3A_1285, %swap3A_1286] {strides = array<i32>} : memref<8x256xf32, #tpu.memory_space<vmem>>, vector<16xf32>,
        tpu.vector_store %arg11[%swap3A_1285, %swap3A_1286], %add3A_1284 {strides = array<i32>} : memref<8x256xf32, #tpu.memory_space<vmem>>, vector<16xf32>,
        %swap3A_1288 = arith.index_cast %while3A_1170 : i32 to index
        %swap3A_1289 = arith.constant 176 : index
        %swap3A_1290 = tpu.vector_load %arg11[%swap3A_1288, %swap3A_1289] {strides = array<i32>} : memref<8x256xf32, #tpu.memory_space<vmem>>, vector<16xf32>,
        tpu.vector_store %arg11[%swap3A_1288, %swap3A_1289], %while3A_1230#3 {strides = array<i32>} : memref<8x256xf32, #tpu.memory_space<vmem>>, vector<16xf32>,
        %mul3A_1291 = arith.mulf %div3A_1258, %while3A_1230#12 : vector<16xf32>
        %add3A_1292 = arith.addf %while3A_1230#21, %mul3A_1291 : vector<16xf32>
        %swap3A_1293 = arith.index_cast %while3A_1170 : i32 to index
        %swap3A_1294 = arith.constant 64 : index
        %swap3A_1295 = tpu.vector_load %arg11[%swap3A_1293, %swap3A_1294] {strides = array<i32>} : memref<8x256xf32, #tpu.memory_space<vmem>>, vector<16xf32>,
        tpu.vector_store %arg11[%swap3A_1293, %swap3A_1294], %add3A_1292 {strides = array<i32>} : memref<8x256xf32, #tpu.memory_space<vmem>>, vector<16xf32>,
        %swap3A_1296 = arith.index_cast %while3A_1170 : i32 to index
        %swap3A_1297 = arith.constant 192 : index
        %swap3A_1298 = tpu.vector_load %arg11[%swap3A_1296, %swap3A_1297] {strides = array<i32>} : memref<8x256xf32, #tpu.memory_space<vmem>>, vector<16xf32>,
        tpu.vector_store %arg11[%swap3A_1296, %swap3A_1297], %while3A_1230#4 {strides = array<i32>} : memref<8x256xf32, #tpu.memory_space<vmem>>, vector<16xf32>,
        %mul3A_1299 = arith.mulf %div3A_1258, %while3A_1230#13 : vector<16xf32>
        %add3A_1300 = arith.addf %while3A_1230#22, %mul3A_1299 : vector<16xf32>
        %swap3A_1301 = arith.index_cast %while3A_1170 : i32 to index
        %swap3A_1302 = arith.constant 80 : index
        %swap3A_1303 = tpu.vector_load %arg11[%swap3A_1301, %swap3A_1302] {strides = array<i32>} : memref<8x256xf32, #tpu.memory_space<vmem>>, vector<16xf32>,
        tpu.vector_store %arg11[%swap3A_1301, %swap3A_1302], %add3A_1300 {strides = array<i32>} : memref<8x256xf32, #tpu.memory_space<vmem>>, vector<16xf32>,
        %swap3A_1304 = arith.index_cast %while3A_1170 : i32 to index
        %swap3A_1305 = arith.constant 208 : index
        %swap3A_1306 = tpu.vector_load %arg11[%swap3A_1304, %swap3A_1305] {strides = array<i32>} : memref<8x256xf32, #tpu.memory_space<vmem>>, vector<16xf32>,
        tpu.vector_store %arg11[%swap3A_1304, %swap3A_1305], %while3A_1230#5 {strides = array<i32>} : memref<8x256xf32, #tpu.memory_space<vmem>>, vector<16xf32>,
        %mul3A_1307 = arith.mulf %div3A_1258, %while3A_1230#14 : vector<16xf32>
        %add3A_1308 = arith.addf %while3A_1230#23, %mul3A_1307 : vector<16xf32>
        %swap3A_1309 = arith.index_cast %while3A_1170 : i32 to index
        %swap3A_1310 = arith.constant 96 : index
        %swap3A_1311 = tpu.vector_load %arg11[%swap3A_1309, %swap3A_1310] {strides = array<i32>} : memref<8x256xf32, #tpu.memory_space<vmem>>, vector<16xf32>,
        tpu.vector_store %arg11[%swap3A_1309, %swap3A_1310], %add3A_1308 {strides = array<i32>} : memref<8x256xf32, #tpu.memory_space<vmem>>, vector<16xf32>,
        %swap3A_1312 = arith.index_cast %while3A_1170 : i32 to index
        %swap3A_1313 = arith.constant 224 : index
        %swap3A_1314 = tpu.vector_load %arg11[%swap3A_1312, %swap3A_1313] {strides = array<i32>} : memref<8x256xf32, #tpu.memory_space<vmem>>, vector<16xf32>,
        tpu.vector_store %arg11[%swap3A_1312, %swap3A_1313], %while3A_1230#6 {strides = array<i32>} : memref<8x256xf32, #tpu.memory_space<vmem>>, vector<16xf32>,
        %mul3A_1315 = arith.mulf %div3A_1258, %while3A_1230#15 : vector<16xf32>
        %add3A_1316 = arith.addf %while3A_1230#24, %mul3A_1315 : vector<16xf32>
        %swap3A_1317 = arith.index_cast %while3A_1170 : i32 to index
        %swap3A_1318 = arith.constant 112 : index
        %swap3A_1319 = tpu.vector_load %arg11[%swap3A_1317, %swap3A_1318] {strides = array<i32>} : memref<8x256xf32, #tpu.memory_space<vmem>>, vector<16xf32>,
        tpu.vector_store %arg11[%swap3A_1317, %swap3A_1318], %add3A_1316 {strides = array<i32>} : memref<8x256xf32, #tpu.memory_space<vmem>>, vector<16xf32>,
        %swap3A_1320 = arith.index_cast %while3A_1170 : i32 to index
        %swap3A_1321 = arith.constant 240 : index
        %swap3A_1322 = tpu.vector_load %arg11[%swap3A_1320, %swap3A_1321] {strides = array<i32>} : memref<8x256xf32, #tpu.memory_space<vmem>>, vector<16xf32>,
        tpu.vector_store %arg11[%swap3A_1320, %swap3A_1321], %while3A_1230#7 {strides = array<i32>} : memref<8x256xf32, #tpu.memory_space<vmem>>, vector<16xf32>,
        %add3A_1323 = arith.constant 1 : i32
        %add3A_1324 = arith.addi %while3A_1170, %add3A_1323 : i32
        %cond3A_1325 = arith.constant 0.000000e+00 : f32
        scf.yield %broadcast_in_dim3A_587, %broadcast_in_dim3A_587, %broadcast_in_dim3A_587, %broadcast_in_dim3A_587, %broadcast_in_dim3A_587, %broadcast_in_dim3A_587, %broadcast_in_dim3A_587, %broadcast_in_dim3A_587, %broadcast_in_dim3A_589, %broadcast_in_dim3A_589, %broadcast_in_dim3A_589, %broadcast_in_dim3A_589, %broadcast_in_dim3A_589, %broadcast_in_dim3A_589, %broadcast_in_dim3A_589, %broadcast_in_dim3A_589, %broadcast_in_dim3A_587, %broadcast_in_dim3A_587, %broadcast_in_dim3A_587, %broadcast_in_dim3A_587, %broadcast_in_dim3A_587, %broadcast_in_dim3A_587, %broadcast_in_dim3A_587, %broadcast_in_dim3A_587, %cond3A_1325, %add3A_1324 : vector<16xf32>, vector<16xf32>, vector<16xf32>, vector<16xf32>, vector<16xf32>, vector<16xf32>, vector<16xf32>, vector<16xf32>, vector<16xf32>, vector<16xf32>, vector<16xf32>, vector<16xf32>, vector<16xf32>, vector<16xf32>, vector<16xf32>, vector<16xf32>, vector<16xf32>, vector<16xf32>, vector<16xf32>, vector<16xf32>, vector<16xf32>, vector<16xf32>, vector<16xf32>, vector<16xf32>, f32, i32
      } else {
        scf.yield %while3A_1230#17, %while3A_1230#18, %while3A_1230#19, %while3A_1230#20, %while3A_1230#21, %while3A_1230#22, %while3A_1230#23, %while3A_1230#24, %while3A_1230#0, %while3A_1230#1, %while3A_1230#2, %while3A_1230#3, %while3A_1230#4, %while3A_1230#5, %while3A_1230#6, %while3A_1230#7, %while3A_1230#8, %while3A_1230#9, %while3A_1230#10, %while3A_1230#11, %while3A_1230#12, %while3A_1230#13, %while3A_1230#14, %while3A_1230#15, %while3A_1230#16, %while3A_1170 : vector<16xf32>, vector<16xf32>, vector<16xf32>, vector<16xf32>, vector<16xf32>, vector<16xf32>, vector<16xf32>, vector<16xf32>, vector<16xf32>, vector<16xf32>, vector<16xf32>, vector<16xf32>, vector<16xf32>, vector<16xf32>, vector<16xf32>, vector<16xf32>, vector<16xf32>, vector<16xf32>, vector<16xf32>, vector<16xf32>, vector<16xf32>, vector<16xf32>, vector<16xf32>, vector<16xf32>, f32, i32
      }
      %add3A_1236 = arith.constant 6 : i32
      %add3A_1237 = arith.addi %while3A_1171, %add3A_1236 : i32
      %lt3A_1238 = arith.cmpi slt, %add3A_1237, %select_n3A_1147 : i32
      %and3A_1239 = arith.andi %and3A_1212, %lt3A_1238 : i1
      %convert_element_type3A_1240 = arith.extui %and3A_1239 : i1 to i32
      %cond3A_1241 = arith.constant 0 : i32
      %cond3A_1242 = arith.cmpi ne, %convert_element_type3A_1240, %cond3A_1241 : i32
      scf.if %cond3A_1242 {
        %add3A_1249 = arith.constant 6 : i32
        %add3A_1250 = arith.addi %while3A_1171, %add3A_1249 : i32
        %mul3A_1251 = arith.constant 128 : i32
        %mul3A_1252 = arith.muli %add3A_1250, %mul3A_1251 : i32
        %add3A_1253 = arith.addi %multiple_of3A_1120, %mul3A_1252 : i32
        %min3A_1254 = arith.constant 99872 : i32
        %min3A_1255 = arith.minsi %add3A_1253, %min3A_1254 : i32
        %multiple_of3A_1256 = tpu.assume_multiple %min3A_1255, 8 : i32
        %rem3A_1257 = arith.constant 6 : i32
        %rem3A_1258 = arith.remsi %while3A_1171, %rem3A_1257 : i32
        %mul3A_1259 = arith.constant 128 : i32
        %mul3A_1260 = arith.muli %rem3A_1258, %mul3A_1259 : i32
        %multiple_of3A_1261 = tpu.assume_multiple %mul3A_1260, 8 : i32
        %dma_start3A = arith.constant 0 : i32
        %dma_start3A_1262 = tpu.memref_slice %arg9[%multiple_of3A_1261, %dma_start3A] : memref<768x128xf32, #tpu.memory_space<vmem>> -> memref<128x128xf32, #tpu.memory_space<vmem>>
        %dma_start3A_1263 = arith.constant 0 : i32
        %dma_start3A_1264 = tpu.memref_slice %arg2[%multiple_of3A_1256, %dma_start3A_1263] : memref<100000x128xf32, #tpu.memory_space<hbm>> -> memref<128x128xf32, #tpu.memory_space<hbm>>
        %dma_start3A_1265 = arith.constant 0 : i32
        %dma_start3A_1266 = tpu.memref_slice %arg9[%multiple_of3A_1261, %dma_start3A_1265] : memref<768x128xf32, #tpu.memory_space<vmem>> -> memref<128x128xf32, #tpu.memory_space<vmem>>
        %dma_start3A_1267 = arith.constant 0 : i32
        %dma_start3A_1268 = tpu.memref_slice %arg2[%multiple_of3A_1256, %dma_start3A_1267] : memref<100000x128xf32, #tpu.memory_space<hbm>> -> memref<128x128xf32, #tpu.memory_space<hbm>>
        tpu.enqueue_dma source(%dma_start3A_1268 : memref<128x128xf32, #tpu.memory_space<hbm>>) target(%dma_start3A_1266 : memref<128x128xf32, #tpu.memory_space<vmem>>) target_semaphore(%arg14 : memref<!tpu.dma_semaphore, #tpu.memory_space<semaphore_mem>>)
      } else {
      }
      %convert_element_type3A_1243 = arith.extui %and3A_1212 : i1 to i32
      %cond3A_1244 = arith.constant 0 : i32
      %cond3A_1245 = arith.cmpi ne, %convert_element_type3A_1243, %cond3A_1244 : i32
      scf.if %cond3A_1245 {
        %dma_wait3A = arith.constant 0 : i32
        %dma_wait3A_1249 = arith.constant 0 : i32
        %dma_wait3A_1250 = tpu.memref_slice %arg9[%dma_wait3A, %dma_wait3A_1249] : memref<768x128xf32, #tpu.memory_space<vmem>> -> memref<128x128xf32, #tpu.memory_space<vmem>>
        %dma_wait3A_1251 = arith.constant 0 : i32
        %dma_wait3A_1252 = arith.constant 0 : i32
        %dma_wait3A_1253 = tpu.memref_slice %arg2[%dma_wait3A_1251, %dma_wait3A_1252] : memref<100000x128xf32, #tpu.memory_space<hbm>> -> memref<128x128xf32, #tpu.memory_space<hbm>>
        %dma_wait3A_1254 = arith.constant 0 : i32
        %dma_wait3A_1255 = arith.constant 0 : i32
        %dma_wait3A_1256 = tpu.memref_slice %arg9[%dma_wait3A_1254, %dma_wait3A_1255] : memref<768x128xf32, #tpu.memory_space<vmem>> -> memref<128x128xf32, #tpu.memory_space<vmem>>
        %dma_wait3A_1257 = arith.constant 0 : i32
        %dma_wait3A_1258 = arith.constant 0 : i32
        %dma_wait3A_1259 = tpu.memref_slice %arg2[%dma_wait3A_1257, %dma_wait3A_1258] : memref<100000x128xf32, #tpu.memory_space<hbm>> -> memref<128x128xf32, #tpu.memory_space<hbm>>
        tpu.wait_dma2 semaphore(%arg14 : memref<!tpu.dma_semaphore, #tpu.memory_space<semaphore_mem>>) src(%dma_wait3A_1259 : memref<128x128xf32, #tpu.memory_space<hbm>>) dst(%dma_wait3A_1256 : memref<128x128xf32, #tpu.memory_space<vmem>>)
      } else {
      }
      %add3A_1246 = arith.constant 1 : i32
      %add3A_1247 = arith.addi %while3A_1171, %add3A_1246 : i32
      %select_n3A_1248 = arith.select %and3A_1212, %add3A_1247, %while3A_1171 : i32
      scf.yield %min3A_1209, %cond3A_1235#25, %select_n3A_1248, %cond3A_1235#24, %cond3A_1235#8, %cond3A_1235#9, %cond3A_1235#10, %cond3A_1235#11, %cond3A_1235#12, %cond3A_1235#13, %cond3A_1235#14, %cond3A_1235#15, %cond3A_1235#16, %cond3A_1235#17, %cond3A_1235#18, %cond3A_1235#19, %cond3A_1235#20, %cond3A_1235#21, %cond3A_1235#22, %cond3A_1235#23, %cond3A_1235#0, %cond3A_1235#1, %cond3A_1235#2, %cond3A_1235#3, %cond3A_1235#4, %cond3A_1235#5, %cond3A_1235#6, %cond3A_1235#7 : i32, i32, i32, f32, vector<16xf32>, vector<16xf32>, vector<16xf32>, vector<16xf32>, vector<16xf32>, vector<16xf32>, vector<16xf32>, vector<16xf32>, vector<16xf32>, vector<16xf32>, vector<16xf32>, vector<16xf32>, vector<16xf32>, vector<16xf32>, vector<16xf32>, vector<16xf32>, vector<16xf32>, vector<16xf32>, vector<16xf32>, vector<16xf32>, vector<16xf32>, vector<16xf32>, vector<16xf32>, vector<16xf32>
    }
    %mul3A_1167 = arith.constant 8 : i32
    %mul3A_1168 = arith.muli %add3A, %mul3A_1167 : i32
    "tpu.region"() ({
      %run_scoped3A = tpu.sem_alloc : memref<!tpu.dma_semaphore, #tpu.memory_space<semaphore_mem>>
      %dma_start3A = arith.constant 0 : i32
      %dma_start3A_1169 = tpu.memref_slice %arg5[%mul3A_1168, %dma_start3A] : memref<256x256xf32, #tpu.memory_space<hbm>> -> memref<8x256xf32, #tpu.memory_space<hbm>>
      %dma_start3A_1170 = arith.constant 0 : i32
      %dma_start3A_1171 = tpu.memref_slice %arg5[%mul3A_1168, %dma_start3A_1170] : memref<256x256xf32, #tpu.memory_space<hbm>> -> memref<8x256xf32, #tpu.memory_space<hbm>>
      tpu.enqueue_dma source(%arg11 : memref<8x256xf32, #tpu.memory_space<vmem>>) target(%dma_start3A_1171 : memref<8x256xf32, #tpu.memory_space<hbm>>) target_semaphore(%run_scoped3A : memref<!tpu.dma_semaphore, #tpu.memory_space<semaphore_mem>>)
      %dma_wait3A = arith.constant 0 : i32
      %dma_wait3A_1172 = tpu.memref_slice %arg5[%mul3A_1168, %dma_wait3A] : memref<256x256xf32, #tpu.memory_space<hbm>> -> memref<8x256xf32, #tpu.memory_space<hbm>>
      %dma_wait3A_1173 = arith.constant 0 : i32
      %dma_wait3A_1174 = tpu.memref_slice %arg5[%mul3A_1168, %dma_wait3A_1173] : memref<256x256xf32, #tpu.memory_space<hbm>> -> memref<8x256xf32, #tpu.memory_space<hbm>>
      tpu.wait_dma2 semaphore(%run_scoped3A : memref<!tpu.dma_semaphore, #tpu.memory_space<semaphore_mem>>) src(%arg11 : memref<8x256xf32, #tpu.memory_space<vmem>>) dst(%dma_wait3A_1174 : memref<8x256xf32, #tpu.memory_space<hbm>>)
      tpu.yield
    }) : () -> ()
    return
  }
}

</mosaic_0001>

<sc_bundles>
// kernel: kernel.3.cloned.1.call-start
scs
__scs_entry_jumppad:
0x0: {  	(pc) =	sbr.rel $0x88, $3  }
0x1: {  	(tag) =	ssettag $0x0;
	lr =	simm.s32 $0x1  }
0x2: {  	[smem:$0x3F9D] =	sst lr;
	_ =	strace $0xD0000000  }
0x3: {  	_ = 	snop  }
0x4: {  	_ = 	snop  }
0x5: {  	_ = 	snop  }
0x6: {  	_ = 	snop  }
0x7: {  	_ = 	snop  }
__scs_overlays_trampoline_lowered:
0x8: {  	[smem:$0x3FAC] =	sst s0  }
0x9: {  	[smem:$0x3FAD] =	sst s1  }
0xa: {  	[smem:$0x3FAE] =	sst s2  }
0xb: {  	[smem:$0x3FAF] =	sst s3  }
0xc: {  	[smem:$0x3FB0] =	sst s4  }
0xd: {  	[smem:$0x3FB1] =	sst s5  }
0xe: {  	[smem:$0x3FB2] =	sst s6  }
0xf: {  	[smem:$0x3FB3] =	sst s7  }
0x10: {  	[smem:$0x3FB4] =	sst s8  }
0x11: {  	[smem:$0x3FB5] =	sst s9;
	s0 =	simm.s32 @!p0 $0x0  }
0x12: {  	s1 =	sld [smem:$0x3F9B];
	s0 =	simm.s32 @p0 $0x1  }
0x13: {  	[smem:$0x3FB6] =	sst s0;
	s0 =	simm.s32 @!p1 $0x0  }
0x14: {  	s2 =	sld [smem:$0x3F9A];
	s0 =	simm.s32 @p1 $0x1  }
0x15: {  	[smem:$0x3FB7] =	sst s0;
	s0 =	simm.s32 @!p2 $0x0  }
0x16: {  	s3 =	sld [smem:$0x3FDB];
	s0 =	simm.s32 @p2 $0x1  }
0x17: {  	s4 =	simm.s32 $0x1BF5;
	[smem:$0x3FB9] =	sst s0  }
0x18: {  	s0 =	sld [smem:$0x3F9C];
	_ =	swait.ge [sflag:s4], $0x0  }
0x19: {  	s7 =	sld [smem:$0x3F9D]  }
0x1a: {  	s8 =	sadd.s32 $0xFFFFE003, lr  }
0x1b: {  	s9 =	sadd.s32 $0xFFFFFEF7, lr;
	s5 =	simm.s32 $0xFFFFFFFF;
	p2 =	slt.u32 s8, $0xFFFFF086  }
0x1c: {  	p1 =	slt.u32 s9, $0xF7A;
	s5 =	simm.s32 @!p2 $0x0  }
0x1d: {  	s5 =	simm.s32 @p1 $0x1;
	p0 =	seq.s32 s7, s2  }
0x1e: {  	s7 =	smul.u32 @!p0 $0xF7A, s2;
	p2 =	seq.s32 @!p0 s5, $0x0  }
0x1f: {  	s9 =	smul.u32 $0xF7A, s1;
	s8 =	simm.s32 @!p0 $0x1BF5;
	p2 =	por !p2, p0  }
0x20: {  	[sflag:s8] =	ssyncset.s32 @!p0 $0xFFFFF086;
	s6 =	sadd.s32 @!p0 s3, s7;
	s7 =	simm.s32 @!p0 $0x108  }
0x21: {  	s3 =	sadd.s32 s3, s9;
	s6 =	sadd.s32 @!p0 $0x88, s6;
	s7 =	simm.s32 @p2 $0x1082  }
0x22: {  	[simem:s7], [sflag:s8] =	dma.local @!p0 [hbm:s6], $0xF7A  }
0x23: {  	s9 =	sor.u32 $0xD0000000, s2;
	s6 =	simm.s32 $0x108;
	_ =	swait.ge @!p0 [sflag:s8], $0x0  }
0x24: {  	s3 =	sadd.s32 $0x88, s3;
	s6 =	simm.s32 @!p1 $0x1082;
	[sflag:s4] =	ssyncset.s32 $0xFFFFF086  }
0x25: {  	[simem:s6], [sflag:s4] =	dma.local [hbm:s3], $0xF7A  }
0x26: {  	[smem:$0x3F9D] =	sst s1;
	(tag) =	ssettag s2;
	_ =	strace s9  }
0x27: {  	s1 =	sld [smem:$0x3FAD]  }
0x28: {  	s2 =	sld [smem:$0x3FAE]  }
0x29: {  	s4 =	sld [smem:$0x3FB0]  }
0x2a: {  	p0 =	seq.s32 s5, $0x0;
	s5 =	sld [smem:$0x3FB1]  }
0x2b: {  	s6 =	sld [smem:$0x3FB2]  }
0x2c: {  	s7 =	sld [smem:$0x3FB3]  }
0x2d: {  	s3 =	simm.s32 $0x108;
	s8 =	sld [smem:$0x3FB4]  }
0x2e: {  	s3 =	simm.s32 @!p0 $0x1082;
	s9 =	sld [smem:$0x3FB5]  }
0x2f: {  	lr =	sadd.s32 s0, s3;
	s0 =	sld [smem:$0x3FAC]  }
0x30: {  	s3 =	sld [smem:$0x3FAF]  }
0x31: {  	[smem:$0x3FB8] =	sst s10  }
0x32: {  	s10 =	sld [smem:$0x3FB6];
	_ =	sdelay $0x3  }
0x33: {  	p0 =	seq.s32 s10, $0x1;
	s10 =	sld [smem:$0x3FB8];
	_ =	sdelay $0x3  }
0x34: {  	[smem:$0x3FB8] =	sst s10  }
0x35: {  	s10 =	sld [smem:$0x3FB7];
	_ =	sdelay $0x3  }
0x36: {  	p1 =	seq.s32 s10, $0x1;
	s10 =	sld [smem:$0x3FB8];
	_ =	sdelay $0x3  }
0x37: {  	[smem:$0x3FB8] =	sst s10  }
0x38: {  	s10 =	sld [smem:$0x3FB9]  }
0x39: {  	_ = 	snop;
	(pc) =	sbr.ind lr, $3  }
0x3a: {  	_ = 	snop  }
0x3b: {  	_ = 	snop  }
0x3c: {  	p2 =	seq.s32 s10, $0x1;
	s10 =	sld [smem:$0x3FB8]  }
0x3d: {  	_ =	shalt  }
0x3e: {  	_ =	shalt  }
0x3f: {  	_ =	shalt  }
0x40: {  	_ =	shalt  }
0x41: {  	_ =	shalt  }
0x42: {  	_ =	shalt  }
0x43: {  	_ =	shalt  }
0x44: {  	_ =	shalt  }
0x45: {  	_ =	shalt  }
0x46: {  	_ =	shalt  }
0x47: {  	_ =	shalt  }
0x48: {  	_ =	shalt  }
0x49: {  	_ =	shalt  }
0x4a: {  	_ =	shalt  }
0x4b: {  	_ =	shalt  }
0x4c: {  	_ =	shalt  }
0x4d: {  	_ =	shalt  }
0x4e: {  	_ =	shalt  }
0x4f: {  	_ =	shalt  }
0x50: {  	_ =	shalt  }
0x51: {  	_ =	shalt  }
0x52: {  	_ =	shalt  }
0x53: {  	_ =	shalt  }
0x54: {  	_ =	shalt  }
0x55: {  	_ =	shalt  }
0x56: {  	_ =	shalt  }
0x57: {  	_ =	shalt  }
0x58: {  	_ =	shalt  }
0x59: {  	_ =	shalt  }
0x5a: {  	_ =	shalt  }
0x5b: {  	_ =	shalt  }
0x5c: {  	_ =	shalt  }
0x5d: {  	_ =	shalt  }
0x5e: {  	_ =	shalt  }
0x5f: {  	_ =	shalt  }
0x60: {  	_ =	shalt  }
0x61: {  	_ =	shalt  }
0x62: {  	_ =	shalt  }
0x63: {  	_ =	shalt  }
0x64: {  	_ =	shalt  }
0x65: {  	_ =	shalt  }
0x66: {  	_ =	shalt  }
0x67: {  	_ =	shalt  }
0x68: {  	_ =	shalt  }
0x69: {  	_ =	shalt  }
0x6a: {  	_ =	shalt  }
0x6b: {  	_ =	shalt  }
0x6c: {  	_ =	shalt  }
0x6d: {  	_ =	shalt  }
0x6e: {  	_ =	shalt  }
0x6f: {  	_ =	shalt  }
0x70: {  	_ =	shalt  }
0x71: {  	_ =	shalt  }
0x72: {  	_ =	shalt  }
0x73: {  	_ =	shalt  }
0x74: {  	_ =	shalt  }
0x75: {  	_ =	shalt  }
0x76: {  	_ =	shalt  }
0x77: {  	_ =	shalt  }
0x78: {  	_ =	shalt  }
0x79: {  	_ =	shalt  }
0x7a: {  	_ =	shalt  }
0x7b: {  	_ =	shalt  }
0x7c: {  	_ =	shalt  }
0x7d: {  	_ =	shalt  }
0x7e: {  	_ =	shalt  }
0x7f: {  	_ =	shalt  }
0x80: {  	_ =	shalt  }
0x81: {  	_ =	shalt  }
0x82: {  	_ =	shalt  }
0x83: {  	_ =	shalt  }
0x84: {  	_ =	shalt  }
0x85: {  	_ =	shalt  }
0x86: {  	_ =	shalt  }
0x87: {  	_ =	shalt  }
.Lfunc_end0:
.L_simem_size_0:
called_computation_lowered:
.L_overlay_start_0:
0x88: {  	s2 =	sld [smem:$0x3FD9]  }
0x89: {  	s3 =	sld [smem:$0x3FFE];
	_ =	sdelay $0x1  }
0x8a: {  	s1 =	srdreg.scid  }
0x8b: {  	s0 =	sand.u32 $0x1, s1  }
0x8c: {  	s17 =	sshll.u32 s0, $0xA;
	s2 =	sadd.s32 s3, s2  }
0x8d: {  	s2 =	sadd.s32 s2, s17  }
0x8e: {  	[smem:$0x3FC4] =	sst s2  }
0x8f: {  	_ = 	snop  }
0x90: {  	s2 =	sld [smem:$0x3FC9]  }
0x91: {  	s18 =	sld [smem:$0x3FC8]  }
0x92: {  	s4 =	sld [smem:$0x3FD0];
	(tm) =	ssettm $0x1  }
0x93: {  	s5 =	sld [smem:$0x3FFB];
	_ =	sdelay $0x3  }
0x94: {  	_ =	strace s5  }
0x95: {  	s5 =	sld [smem:$0x3FFC];
	_ =	sdelay $0x3  }
0x96: {  	_ =	strace s5  }
0x97: {  	s5 =	sld [smem:$0x3FFD];
	_ =	sdelay $0x3  }
0x98: {  	_ =	strace s5  }
0x99: {  	_ =	strace $0x8FFFFFFF  }
0x9a: {  	s19 =	sld [smem:$0x3FDB];
	_ =	sdelay $0x1  }
0x9b: {  	s6 =	simm.s32 $_scs_section_size  }
0x9c: {  	s7 =	simm.s32 $_size__tile_overlayer_lowered;
	s8 =	simm.s32 $_tile_overlayer_lowered  }
0x9d: {  	s22 =	simm.s32 $0x1BFF;
	s21 =	sshll.u32 s8, $0x1;
	s5 =	sadd.s32 s6, s19  }
0x9e: {  	s9 =	simm.s32 $0x0;
	s20 =	sshll.u32 s7, $0x1;
	s7 =	sadd.s32 s21, s5  }
0x9f: {  	[timem:s9], [sflag:s22] =	dma.local [hbm:s7], s20  }
0xa0: {  	_ =	swait.ge [sflag:s22], s20  }
0xa1: {  	s6 =	ssub.s32 $0x0, s20;
	[sflag:s22] =	ssyncset.done $0x0  }
0xa2: {  	[sflag:s22] =	ssyncadd.s32 s6;
	_ =	sdelay $0x1  }
0xa3: {  	s23 =	simm.s32 $0x1B8B  }
0xa4: {  	_ =	swait.ge [sflag:s23], $0x1  }
0xa5: {  	[sflag:s23] =	ssyncset.done $0x0  }
0xa6: {  	s25 =	simm.s32 $0x1B8E;
	s24 =	sld [smem:$0x3FFE];
	[sflag:s23] =	ssyncadd.s32 $0xFFFFFFFF  }
0xa7: {  	s26 =	simm.s32 $execute0_lowered;
	[smem:$0x3FD2] =	sst s25  }
0xa8: {  	s7 =	sshll.u32 s26, $0x1;
	_ =	strace $0x80000046;
	[dreg:$0x1] =	wrdreg $0xFFFFFFFF  }
0xa9: {  	s28 =	simm.s32 $_size_execute0_lowered;
	s5 =	sadd.s32 s5, s7;
	[dreg:$0x0] =	wrdreg $0x0  }
0xaa: {  	s7 =	sshll.u32 s28, $0x1;
	[dreg:$0x2] =	wrdreg s5  }
0xab: {  	[dreg:$0x3] =	wrdreg s7  }
0xac: {  	[dreg:$0x4] =	wrdreg $0xC0  }
0xad: {  	_ =	task [dreg:s9], $0x5FFFF  }
0xae: {  	[dreg:$0x1] =	wrdreg $0xFFFFFFFF  }
0xaf: {  	[dreg:$0x0] =	wrdreg $0x60  }
0xb0: {  	[dreg:$0x2] =	wrdreg s2  }
0xb1: {  	[dreg:$0x3] =	wrdreg s18  }
0xb2: {  	[dreg:$0x4] =	wrdreg s24  }
0xb3: {  	[dreg:$0x5] =	wrdreg s4  }
0xb4: {  	[dreg:$0x6] =	wrdreg $0x1B4800  }
0xb5: {  	[dreg:$0x7] =	wrdreg $0x9  }
0xb6: {  	_ =	task.clear_ibuf [dreg:s9], $0x8FFFF;
	_ =	strace $0x90000046  }
0xb7: {  	s29 =	simm.s32 $0x9;
	_ =	strace $0x80000048  }
0xb8: {  	_ =	swait.ge [sflag:s29], $0x1  }
0xb9: {  	[sflag:s29] =	ssyncadd.s32 $0xFFFFFFFF  }
0xba: {  	_ =	strace $0x90000048  }
0xbb: {  	_ =	sfence  }
0xbc: {  	s30 =	sld [smem:$0x0];
	_ =	sdelay $0x2  }
0xbd: {  	s31 =	sshll.u32 s1, $0xD;
	s1 =	sshrl.u32 s1, $0x2  }
0xbe: {  	s3 =	sand.u32 $0x4000, s31;
	s1 =	sadd.s32 s1, s30  }
0xbf: {  	s0 =	sor.u32 s3, s0;
	s1 =	sshll.u32 s1, $0x11  }
0xc0: {  	s0 =	sor.u32 s1, s0  }
0xc1: {  	s0 =	sadd.s32 $0x8F2B, s0  }
0xc2: {  	[sflag:s0] =	ssyncadd.remote.s32 $0x1  }
0xc3: {  	_ =	sfence.sel $0xFFFF  }
0xc4: {  	[dreg:$0x0] =	wrdreg $0xFFFFFFFF;
	(pc) =	sbr.abs _section_cstart, $3  }
0xc5: {  	[dreg:$0x1] =	wrdreg $0xFFFFFFFF  }
0xc6: {  	_ =	task.clear_ibuf [dreg:s9], $0x2FFFF;
	_ =	strace $0x9FFFFFFF  }
0xc7: {  	(tm) =	ssettm $0x7FFFFFFF  }
tec
execute0_lowered:
.L_overlay_start_1:
0x0: {  	(tag) =	ssettag $0x1  }
0x1: {  	s1 =	rddreg [dreg:$0x0]  }
0x2: {  	s0 =	rddreg [dreg:$0x1]  }
0x3: {  	s2 =	rddreg [dreg:$0x2]  }
0x4: {  	s11 =	rddreg [dreg:$0x3]  }
0x5: {  	s13 =	rddreg [dreg:$0x4]  }
0x6: {  	s5 =	srdreg.scid;
	s4 =	simm.s32 $0x0;
	s3 =	stileid.u32;
	v0 =	vlaneseq.u32  }
0x7: {  	s19 =	simm.s32 $0x0;
	s6 =	sand.u32 $0x1, s5;
	[smem:$0x7FF] =	sst s4;
	v6 =	vor.u32 $0x10, v0  }
0x8: {  	s8 =	smul.u32 $0x1868, s3;
	s5 =	sadd.s32 $0x400, s2;
	v9 =	vor.u32 $0x20, v0;
	_ =	strace $0x80000047;
	[tilespmem:$0x1FF80] =	vst v6  }
0x9: {  	s10 =	smul.u32 $0x440, s3;
	p0 =	seq.s32 s3, $0xF;
	v10 =	vor.u32 $0x30, v0;
	s7 =	ssub.s32 $0x2, s6;
	[tilespmem:$0x1FF90] =	vst v9  }
0xa: {  	s31 =	sand.u32 $0x1, s3;
	v11 =	vor.u32 $0x40, v0;
	s6 =	sshll.u32 s6, $0x4;
	[tilespmem:$0x1FFA0] =	vst v10;
	s25 =	sshrl.u32 s7, $0x1  }
0xb: {  	v12 =	vor.u32 $0x50, v0;
	[tilespmem:$0x1FFB0] =	vst v11;
	s26 =	smin.u32 s8, $0x16E10;
	s9 =	sor.u32 s3, s6;
	s29 =	sshrl.u32 s10, $0x2  }
0xc: {  	v13 =	vor.u32 $0x60, v0;
	[tilespmem:$0x1FFC0] =	vst v12;
	s2 =	ssub.s32 s7, s25;
	s28 =	sshrl.u32 s26, $0x3;
	s12 =	ssub.s32 s8, s26  }
.Ltmp0:
0xd: {  	v14 =	vor.u32 $0x70, v0;
	[tilespmem:$0x1FFD0] =	vst v13;
	s6 =	sadd.s32 s0, s28;
	s0 =	simm.s32 $0x1888;
	(pc) =	sbr.rel .LBB2_1-.Ltmp0, $4  }
0xe: {  	v15 =	vor.u32 $0x80, v0;
	[tilespmem:$0x1FFE0] =	vst v14;
	s7 =	sadd.s32 s29, s13;
	s30 =	sshll.u32 s9, $0x3;
	s0 =	simm.s32 @!p0 $0x1868  }
0xf: {  	[tilespmem:$0x1FFF0] =	vst v15;
	s14 =	sshll.u32 s9, $0x8;
	s8 =	sand.u32 $0xF0, s30;
	v7 =	vmov s12;
	s0 =	sadd.s32 s0, s12  }
0x10: {  	s11 =	sadd.s32 s11, s14;
	s14 =	simm.s32 $0x2;
	s9 =	sadd.s32 $0x10, s8;
	[tilespmem:$0x1FF60] =	vst v7;
	v8 =	vmov s0  }
0x11: {  	s10 =	sor.u32 $0x2300, s8;
	p0 =	seq.s32 s31, $0x0;
	s12 =	smax.u32 s2, $0x1;
	[tilespmem:$0x1FF70] =	vst v8  }
.LBB2_52:
0x12: {  	s0 =	simm.s32 $0x1AC80  }
0x13: {  	[hbm4b:s11+s4] =	stream.linear.scatter [tilespmem:s0], [sflag:$0x2], $0x800, $0x38;
	[tilespmem:$0x1B590] =	vst v63  }
0x14: {  	_ =	swait.ge [sflag:s14], $0x800  }
0x15: {  	v7 =	vld [tilespmem:$0x1FF60]  }
0x16: {  	v8 =	vld [tilespmem:$0x1FF70]  }
0x17: {  	v6 =	vld [tilespmem:$0x1FF80]  }
0x18: {  	s19 =	sadd.s32 $0x1, s19;
	v9 =	vld [tilespmem:$0x1FF90]  }
0x19: {  	p1 =	sne.s32 s19, s12;
	v10 =	vld [tilespmem:$0x1FFA0]  }
.Ltmp1:
0x1a: {  	v11 =	vld [tilespmem:$0x1FFB0];
	(pc) =	sbr.rel @!p1 .LBB2_53-.Ltmp1, $4  }
0x1b: {  	v12 =	vld [tilespmem:$0x1FFC0]  }
0x1c: {  	v13 =	vld [tilespmem:$0x1FFD0]  }
0x1d: {  	[sflag:s14] =	ssyncset.done $0x0;
	v14 =	vld [tilespmem:$0x1FFE0]  }
0x1e: {  	v0 =	vlaneseq.u32;
	v15 =	vld [tilespmem:$0x1FFF0];
	[sflag:s14] =	ssyncadd.s32 $0xFFFFF800  }
.LBB2_1:
0x1f: {  	s0 =	simm.s32 $0x1AB80  }
0x20: {  	[tilespmem:s0], [sflag:$0x2] =	stream.linear.gather [hbm4b:s5+s4], $0x100, $0x38;
	[tilespmem:$0x1B590] =	vst v63  }
0x21: {  	_ =	swait.ge [sflag:s14], $0x100  }
0x22: {  	[sflag:s14] =	ssyncset.done $0x0  }
0x23: {  	[sflag:s14] =	ssyncadd.s32 $0xFFFFFF00  }
0x24: {  	[tilespmem:s4], [sflag:$0x2] =	stream.linear.gather [hbm4b:s6+s4], $0x1890, $0x38;
	[tilespmem:$0x1B590] =	vst v63  }
0x25: {  	_ =	swait.ge [sflag:s14], $0x1890  }
0x26: {  	[sflag:s14] =	ssyncset.done $0x0  }
0x27: {  	v3 =	vadd.s32 v7, v8;
	v1 =	vmov v7;
	v2 =	vmov v8;
	s0 =	simm.s32 $0xC;
	[sflag:s14] =	ssyncadd.s32 $0xFFFFE770  }
.LBB2_2:
0x28: {  	p1 =	sne.s32 s0, $0x1;
	v3 =	vshrl.u32 v3, $0x1  }
0x29: {  	v4 =	vmin.u32 v3, $0x188F;
	v5 =	vadd.s32 $0x1, v3;
	_ =	sdelay $0x4  }
0x2a: {  	v4 =	vld.idx.msk [tilespmem:v4+s4+$0x0], $0xffff;
	_ =	sdelay $0x4  }
.Ltmp2:
0x2b: {  	(pc) =	sbr.rel @p1 .LBB2_2-.Ltmp2, $4  }
0x2c: {  	vm0 =	vlt.s32 v1, v2;
	vm1 =	vge.s32 v4, v0;
	vm2 =	vlt.s32 v4, v0  }
0x2d: {  	vm2 =	vmand vm0, vm2;
	vm0 =	vmand vm0, vm1  }
0x2e: {  	v1 =	vsel vm2, v5, v1;
	v2 =	vsel vm0, v3, v2  }
0x2f: {  	s0 =	sadd.s32 $0xFFFFFFFF, s0;
	v3 =	vadd.s32 v1, v2  }
0x30: {  	v3 =	vshrl.u32 v3, $0x1  }
0x31: {  	v4 =	vmin.u32 v3, $0x188F;
	_ =	sdelay $0x4  }
0x32: {  	v4 =	vld.idx.msk [tilespmem:v4+s4+$0x0], $0xffff;
	_ =	sdelay $0x4  }
0x33: {  	vm0 =	vlt.s32 v1, v2;
	vm1 =	vlt.s32 v4, v0  }
0x34: {  	v2 =	vadd.s32 $0x1, v3;
	vm0 =	vmand vm0, vm1  }
0x35: {  	v1 =	vsel vm0, v2, v1  }
0x36: {  	v1 =	vsub.s32 v1, v7;
	_ =	sdelay $0x2  }
0x37: {  	s0 =	simm.s32 $0xC;
	v3 =	vadd.s32 v7, v8;
	v2 =	vmov v8;
	[tilespmem:$0x1900] =	vst v1;
	v1 =	vmov v7  }
.LBB2_4:
0x38: {  	p1 =	sne.s32 s0, $0x1;
	v3 =	vshrl.u32 v3, $0x1  }
0x39: {  	v4 =	vmin.u32 v3, $0x188F;
	v5 =	vadd.s32 $0x1, v3;
	_ =	sdelay $0x4  }
0x3a: {  	v4 =	vld.idx.msk [tilespmem:v4+s4+$0x0], $0xffff;
	_ =	sdelay $0x4  }
.Ltmp3:
0x3b: {  	(pc) =	sbr.rel @p1 .LBB2_4-.Ltmp3, $4  }
0x3c: {  	vm0 =	vlt.s32 v1, v2;
	vm1 =	vge.s32 v4, v6;
	vm2 =	vlt.s32 v4, v6  }
0x3d: {  	vm2 =	vmand vm0, vm2;
	vm0 =	vmand vm0, vm1  }
0x3e: {  	v1 =	vsel vm2, v5, v1;
	v2 =	vsel vm0, v3, v2  }
0x3f: {  	s0 =	sadd.s32 $0xFFFFFFFF, s0;
	v3 =	vadd.s32 v1, v2  }
0x40: {  	v3 =	vshrl.u32 v3, $0x1  }
0x41: {  	v4 =	vmin.u32 v3, $0x188F;
	_ =	sdelay $0x4  }
0x42: {  	v4 =	vld.idx.msk [tilespmem:v4+s4+$0x0], $0xffff;
	_ =	sdelay $0x4  }
0x43: {  	vm0 =	vlt.s32 v1, v2;
	vm1 =	vlt.s32 v4, v6  }
0x44: {  	v2 =	vadd.s32 $0x1, v3;
	vm0 =	vmand vm0, vm1  }
0x45: {  	v1 =	vsel vm0, v2, v1  }
0x46: {  	v1 =	vsub.s32 v1, v7;
	_ =	sdelay $0x2  }
0x47: {  	s0 =	simm.s32 $0xC;
	v3 =	vadd.s32 v7, v8;
	v2 =	vmov v8;
	[tilespmem:$0x1910] =	vst v1;
	v1 =	vmov v7  }
.LBB2_6:
0x48: {  	p1 =	sne.s32 s0, $0x1;
	v3 =	vshrl.u32 v3, $0x1  }
0x49: {  	v4 =	vmin.u32 v3, $0x188F;
	v5 =	vadd.s32 $0x1, v3;
	_ =	sdelay $0x4  }
0x4a: {  	v4 =	vld.idx.msk [tilespmem:v4+s4+$0x0], $0xffff;
	_ =	sdelay $0x4  }
.Ltmp4:
0x4b: {  	(pc) =	sbr.rel @p1 .LBB2_6-.Ltmp4, $4  }
0x4c: {  	vm0 =	vlt.s32 v1, v2;
	vm1 =	vge.s32 v4, v9;
	vm2 =	vlt.s32 v4, v9  }
0x4d: {  	vm2 =	vmand vm0, vm2;
	vm0 =	vmand vm0, vm1  }
0x4e: {  	v1 =	vsel vm2, v5, v1;
	v2 =	vsel vm0, v3, v2  }
0x4f: {  	s0 =	sadd.s32 $0xFFFFFFFF, s0;
	v3 =	vadd.s32 v1, v2  }
0x50: {  	v3 =	vshrl.u32 v3, $0x1  }
0x51: {  	v4 =	vmin.u32 v3, $0x188F;
	_ =	sdelay $0x4  }
0x52: {  	v4 =	vld.idx.msk [tilespmem:v4+s4+$0x0], $0xffff;
	_ =	sdelay $0x4  }
0x53: {  	vm0 =	vlt.s32 v1, v2;
	vm1 =	vlt.s32 v4, v9  }
0x54: {  	v2 =	vadd.s32 $0x1, v3;
	vm0 =	vmand vm0, vm1  }
0x55: {  	v1 =	vsel vm0, v2, v1  }
0x56: {  	v1 =	vsub.s32 v1, v7;
	_ =	sdelay $0x2  }
0x57: {  	s0 =	simm.s32 $0xC;
	v3 =	vadd.s32 v7, v8;
	v2 =	vmov v8;
	[tilespmem:$0x1920] =	vst v1;
	v1 =	vmov v7  }
.LBB2_8:
0x58: {  	p1 =	sne.s32 s0, $0x1;
	v3 =	vshrl.u32 v3, $0x1  }
0x59: {  	v4 =	vmin.u32 v3, $0x188F;
	v5 =	vadd.s32 $0x1, v3;
	_ =	sdelay $0x4  }
0x5a: {  	v4 =	vld.idx.msk [tilespmem:v4+s4+$0x0], $0xffff;
	_ =	sdelay $0x4  }
.Ltmp5:
0x5b: {  	(pc) =	sbr.rel @p1 .LBB2_8-.Ltmp5, $4  }
0x5c: {  	vm0 =	vlt.s32 v1, v2;
	vm1 =	vge.s32 v4, v10;
	vm2 =	vlt.s32 v4, v10  }
0x5d: {  	vm2 =	vmand vm0, vm2;
	vm0 =	vmand vm0, vm1  }
0x5e: {  	v1 =	vsel vm2, v5, v1;
	v2 =	vsel vm0, v3, v2  }
0x5f: {  	s0 =	sadd.s32 $0xFFFFFFFF, s0;
	v3 =	vadd.s32 v1, v2  }
0x60: {  	v3 =	vshrl.u32 v3, $0x1  }
0x61: {  	v4 =	vmin.u32 v3, $0x188F;
	_ =	sdelay $0x4  }
0x62: {  	v4 =	vld.idx.msk [tilespmem:v4+s4+$0x0], $0xffff;
	_ =	sdelay $0x4  }
0x63: {  	vm0 =	vlt.s32 v1, v2;
	vm1 =	vlt.s32 v4, v10  }
0x64: {  	v2 =	vadd.s32 $0x1, v3;
	vm0 =	vmand vm0, vm1  }
0x65: {  	v1 =	vsel vm0, v2, v1  }
0x66: {  	v1 =	vsub.s32 v1, v7;
	_ =	sdelay $0x2  }
0x67: {  	s0 =	simm.s32 $0xC;
	v3 =	vadd.s32 v7, v8;
	v2 =	vmov v8;
	[tilespmem:$0x1930] =	vst v1;
	v1 =	vmov v7  }
.LBB2_10:
0x68: {  	p1 =	sne.s32 s0, $0x1;
	v3 =	vshrl.u32 v3, $0x1  }
0x69: {  	v4 =	vmin.u32 v3, $0x188F;
	v5 =	vadd.s32 $0x1, v3;
	_ =	sdelay $0x4  }
0x6a: {  	v4 =	vld.idx.msk [tilespmem:v4+s4+$0x0], $0xffff;
	_ =	sdelay $0x4  }
.Ltmp6:
0x6b: {  	(pc) =	sbr.rel @p1 .LBB2_10-.Ltmp6, $4  }
0x6c: {  	vm0 =	vlt.s32 v1, v2;
	vm1 =	vge.s32 v4, v11;
	vm2 =	vlt.s32 v4, v11  }
0x6d: {  	vm2 =	vmand vm0, vm2;
	vm0 =	vmand vm0, vm1  }
0x6e: {  	v1 =	vsel vm2, v5, v1;
	v2 =	vsel vm0, v3, v2  }
0x6f: {  	s0 =	sadd.s32 $0xFFFFFFFF, s0;
	v3 =	vadd.s32 v1, v2  }
0x70: {  	v3 =	vshrl.u32 v3, $0x1  }
0x71: {  	v4 =	vmin.u32 v3, $0x188F;
	_ =	sdelay $0x4  }
0x72: {  	v4 =	vld.idx.msk [tilespmem:v4+s4+$0x0], $0xffff;
	_ =	sdelay $0x4  }
0x73: {  	vm0 =	vlt.s32 v1, v2;
	vm1 =	vlt.s32 v4, v11  }
0x74: {  	v2 =	vadd.s32 $0x1, v3;
	vm0 =	vmand vm0, vm1  }
0x75: {  	v1 =	vsel vm0, v2, v1  }
0x76: {  	v1 =	vsub.s32 v1, v7;
	_ =	sdelay $0x2  }
0x77: {  	s0 =	simm.s32 $0xC;
	v3 =	vadd.s32 v7, v8;
	v2 =	vmov v8;
	[tilespmem:$0x1940] =	vst v1;
	v1 =	vmov v7  }
.LBB2_12:
0x78: {  	p1 =	sne.s32 s0, $0x1;
	v3 =	vshrl.u32 v3, $0x1  }
0x79: {  	v4 =	vmin.u32 v3, $0x188F;
	v5 =	vadd.s32 $0x1, v3;
	_ =	sdelay $0x4  }
0x7a: {  	v4 =	vld.idx.msk [tilespmem:v4+s4+$0x0], $0xffff;
	_ =	sdelay $0x4  }
.Ltmp7:
0x7b: {  	(pc) =	sbr.rel @p1 .LBB2_12-.Ltmp7, $4  }
0x7c: {  	vm0 =	vlt.s32 v1, v2;
	vm1 =	vge.s32 v4, v12;
	vm2 =	vlt.s32 v4, v12  }
0x7d: {  	vm2 =	vmand vm0, vm2;
	vm0 =	vmand vm0, vm1  }
0x7e: {  	v1 =	vsel vm2, v5, v1;
	v2 =	vsel vm0, v3, v2  }
0x7f: {  	s0 =	sadd.s32 $0xFFFFFFFF, s0;
	v3 =	vadd.s32 v1, v2  }
0x80: {  	v3 =	vshrl.u32 v3, $0x1  }
0x81: {  	v4 =	vmin.u32 v3, $0x188F;
	_ =	sdelay $0x4  }
0x82: {  	v4 =	vld.idx.msk [tilespmem:v4+s4+$0x0], $0xffff;
	_ =	sdelay $0x4  }
0x83: {  	vm0 =	vlt.s32 v1, v2;
	vm1 =	vlt.s32 v4, v12  }
0x84: {  	v2 =	vadd.s32 $0x1, v3;
	vm0 =	vmand vm0, vm1  }
0x85: {  	v1 =	vsel vm0, v2, v1  }
0x86: {  	v1 =	vsub.s32 v1, v7;
	_ =	sdelay $0x2  }
0x87: {  	s0 =	simm.s32 $0xC;
	v3 =	vadd.s32 v7, v8;
	v2 =	vmov v8;
	[tilespmem:$0x1950] =	vst v1;
	v1 =	vmov v7  }
.LBB2_14:
0x88: {  	p1 =	sne.s32 s0, $0x1;
	v3 =	vshrl.u32 v3, $0x1  }
0x89: {  	v4 =	vmin.u32 v3, $0x188F;
	v5 =	vadd.s32 $0x1, v3;
	_ =	sdelay $0x4  }
0x8a: {  	v4 =	vld.idx.msk [tilespmem:v4+s4+$0x0], $0xffff;
	_ =	sdelay $0x4  }
.Ltmp8:
0x8b: {  	(pc) =	sbr.rel @p1 .LBB2_14-.Ltmp8, $4  }
0x8c: {  	vm0 =	vlt.s32 v1, v2;
	vm1 =	vge.s32 v4, v13;
	vm2 =	vlt.s32 v4, v13  }
0x8d: {  	vm2 =	vmand vm0, vm2;
	vm0 =	vmand vm0, vm1  }
0x8e: {  	v1 =	vsel vm2, v5, v1;
	v2 =	vsel vm0, v3, v2  }
0x8f: {  	s0 =	sadd.s32 $0xFFFFFFFF, s0;
	v3 =	vadd.s32 v1, v2  }
0x90: {  	v3 =	vshrl.u32 v3, $0x1  }
0x91: {  	v4 =	vmin.u32 v3, $0x188F;
	_ =	sdelay $0x4  }
0x92: {  	v4 =	vld.idx.msk [tilespmem:v4+s4+$0x0], $0xffff;
	_ =	sdelay $0x4  }
0x93: {  	vm0 =	vlt.s32 v1, v2;
	vm1 =	vlt.s32 v4, v13  }
0x94: {  	v2 =	vadd.s32 $0x1, v3;
	vm0 =	vmand vm0, vm1  }
0x95: {  	v1 =	vsel vm0, v2, v1  }
0x96: {  	v1 =	vsub.s32 v1, v7;
	_ =	sdelay $0x2  }
0x97: {  	s0 =	simm.s32 $0xC;
	v3 =	vadd.s32 v7, v8;
	v2 =	vmov v8;
	[tilespmem:$0x1960] =	vst v1;
	v1 =	vmov v7  }
.LBB2_16:
0x98: {  	p1 =	sne.s32 s0, $0x1;
	v3 =	vshrl.u32 v3, $0x1  }
0x99: {  	v4 =	vmin.u32 v3, $0x188F;
	v5 =	vadd.s32 $0x1, v3;
	_ =	sdelay $0x4  }
0x9a: {  	v4 =	vld.idx.msk [tilespmem:v4+s4+$0x0], $0xffff;
	_ =	sdelay $0x4  }
.Ltmp9:
0x9b: {  	(pc) =	sbr.rel @p1 .LBB2_16-.Ltmp9, $4  }
0x9c: {  	vm0 =	vlt.s32 v1, v2;
	vm1 =	vge.s32 v4, v14;
	vm2 =	vlt.s32 v4, v14  }
0x9d: {  	vm2 =	vmand vm0, vm2;
	vm0 =	vmand vm0, vm1  }
0x9e: {  	v1 =	vsel vm2, v5, v1;
	v2 =	vsel vm0, v3, v2  }
0x9f: {  	s0 =	sadd.s32 $0xFFFFFFFF, s0;
	v3 =	vadd.s32 v1, v2  }
0xa0: {  	v3 =	vshrl.u32 v3, $0x1  }
0xa1: {  	v4 =	vmin.u32 v3, $0x188F;
	_ =	sdelay $0x4  }
0xa2: {  	v4 =	vld.idx.msk [tilespmem:v4+s4+$0x0], $0xffff;
	_ =	sdelay $0x4  }
0xa3: {  	vm0 =	vlt.s32 v1, v2;
	vm1 =	vlt.s32 v4, v14  }
0xa4: {  	v2 =	vadd.s32 $0x1, v3;
	vm0 =	vmand vm0, vm1  }
0xa5: {  	v1 =	vsel vm0, v2, v1  }
0xa6: {  	v1 =	vsub.s32 v1, v7;
	_ =	sdelay $0x2  }
0xa7: {  	s0 =	simm.s32 $0xC;
	v3 =	vadd.s32 v7, v8;
	v2 =	vmov v8;
	[tilespmem:$0x1970] =	vst v1;
	v1 =	vmov v7  }
.LBB2_18:
0xa8: {  	p1 =	sne.s32 s0, $0x1;
	v3 =	vshrl.u32 v3, $0x1  }
0xa9: {  	v4 =	vmin.u32 v3, $0x188F;
	v5 =	vadd.s32 $0x1, v3;
	_ =	sdelay $0x4  }
0xaa: {  	v4 =	vld.idx.msk [tilespmem:v4+s4+$0x0], $0xffff;
	_ =	sdelay $0x4  }
.Ltmp10:
0xab: {  	(pc) =	sbr.rel @p1 .LBB2_18-.Ltmp10, $4  }
0xac: {  	vm0 =	vlt.s32 v1, v2;
	vm1 =	vge.s32 v4, v15;
	vm2 =	vlt.s32 v4, v15  }
0xad: {  	vm2 =	vmand vm0, vm2;
	vm0 =	vmand vm0, vm1  }
0xae: {  	v1 =	vsel vm2, v5, v1;
	v2 =	vsel vm0, v3, v2  }
0xaf: {  	s0 =	sadd.s32 $0xFFFFFFFF, s0;
	v3 =	vadd.s32 v1, v2  }
0xb0: {  	v3 =	vshrl.u32 v3, $0x1  }
0xb1: {  	v4 =	vmin.u32 v3, $0x188F;
	_ =	sdelay $0x4  }
0xb2: {  	v4 =	vld.idx.msk [tilespmem:v4+s4+$0x0], $0xffff;
	_ =	sdelay $0x4  }
0xb3: {  	vm0 =	vlt.s32 v1, v2;
	vm1 =	vlt.s32 v4, v15  }
0xb4: {  	v2 =	vadd.s32 $0x1, v3;
	vm0 =	vmand vm0, vm1  }
0xb5: {  	v1 =	vsel vm0, v2, v1  }
0xb6: {  	v1 =	vsub.s32 v1, v7;
	_ =	sdelay $0x2  }
0xb7: {  	s0 =	simm.s32 $0xC;
	v4 =	vadd.s32 v7, v8;
	v2 =	vmov v8;
	[tilespmem:$0x1980] =	vst v1;
	v1 =	vmov v7  }
.LBB2_20:
0xb8: {  	p1 =	sne.s32 s0, $0x1;
	v4 =	vshrl.u32 v4, $0x1  }
0xb9: {  	v3 =	vmin.u32 v4, $0x188F;
	v5 =	vadd.s32 $0x1, v4;
	_ =	sdelay $0x4  }
0xba: {  	v6 =	vld.idx.msk [tilespmem:v3+s4+$0x0], $0xffff;
	_ =	sdelay $0x4  }
.Ltmp11:
0xbb: {  	v3 =	vor.u32 $0x90, v0;
	(pc) =	sbr.rel @p1 .LBB2_20-.Ltmp11, $4  }
0xbc: {  	vm0 =	vlt.s32 v1, v2;
	vm1 =	vge.s32 v6, v3;
	vm2 =	vlt.s32 v6, v3  }
0xbd: {  	vm2 =	vmand vm0, vm2;
	vm0 =	vmand vm0, vm1  }
0xbe: {  	v1 =	vsel vm2, v5, v1;
	v2 =	vsel vm0, v4, v2  }
0xbf: {  	s0 =	sadd.s32 $0xFFFFFFFF, s0;
	v4 =	vadd.s32 v1, v2  }
0xc0: {  	v4 =	vshrl.u32 v4, $0x1  }
0xc1: {  	v5 =	vmin.u32 v4, $0x188F;
	_ =	sdelay $0x4  }
0xc2: {  	v5 =	vld.idx.msk [tilespmem:v5+s4+$0x0], $0xffff;
	_ =	sdelay $0x4  }
0xc3: {  	vm0 =	vlt.s32 v1, v2;
	vm1 =	vlt.s32 v5, v3  }
0xc4: {  	v2 =	vadd.s32 $0x1, v4;
	vm0 =	vmand vm0, vm1  }
0xc5: {  	v1 =	vsel vm0, v2, v1  }
0xc6: {  	v1 =	vsub.s32 v1, v7;
	_ =	sdelay $0x2  }
0xc7: {  	s0 =	simm.s32 $0xC;
	v4 =	vadd.s32 v7, v8;
	v2 =	vmov v8;
	[tilespmem:$0x1990] =	vst v1;
	v1 =	vmov v7  }
.LBB2_22:
0xc8: {  	p1 =	sne.s32 s0, $0x1;
	v4 =	vshrl.u32 v4, $0x1  }
0xc9: {  	v3 =	vmin.u32 v4, $0x188F;
	v5 =	vadd.s32 $0x1, v4;
	_ =	sdelay $0x4  }
0xca: {  	v6 =	vld.idx.msk [tilespmem:v3+s4+$0x0], $0xffff;
	_ =	sdelay $0x4  }
.Ltmp12:
0xcb: {  	v3 =	vor.u32 $0xA0, v0;
	(pc) =	sbr.rel @p1 .LBB2_22-.Ltmp12, $4  }
0xcc: {  	vm0 =	vlt.s32 v1, v2;
	vm1 =	vge.s32 v6, v3;
	vm2 =	vlt.s32 v6, v3  }
0xcd: {  	vm2 =	vmand vm0, vm2;
	vm0 =	vmand vm0, vm1  }
0xce: {  	v1 =	vsel vm2, v5, v1;
	v2 =	vsel vm0, v4, v2  }
0xcf: {  	s0 =	sadd.s32 $0xFFFFFFFF, s0;
	v4 =	vadd.s32 v1, v2  }
0xd0: {  	v4 =	vshrl.u32 v4, $0x1  }
0xd1: {  	v5 =	vmin.u32 v4, $0x188F;
	_ =	sdelay $0x4  }
0xd2: {  	v5 =	vld.idx.msk [tilespmem:v5+s4+$0x0], $0xffff;
	_ =	sdelay $0x4  }
0xd3: {  	vm0 =	vlt.s32 v1, v2;
	vm1 =	vlt.s32 v5, v3  }
0xd4: {  	v2 =	vadd.s32 $0x1, v4;
	vm0 =	vmand vm0, vm1  }
0xd5: {  	v1 =	vsel vm0, v2, v1  }
0xd6: {  	v1 =	vsub.s32 v1, v7;
	_ =	sdelay $0x2  }
0xd7: {  	s0 =	simm.s32 $0xC;
	v4 =	vadd.s32 v7, v8;
	v2 =	vmov v8;
	[tilespmem:$0x19A0] =	vst v1;
	v1 =	vmov v7  }
.LBB2_24:
0xd8: {  	p1 =	sne.s32 s0, $0x1;
	v4 =	vshrl.u32 v4, $0x1  }
0xd9: {  	v3 =	vmin.u32 v4, $0x188F;
	v5 =	vadd.s32 $0x1, v4;
	_ =	sdelay $0x4  }
0xda: {  	v6 =	vld.idx.msk [tilespmem:v3+s4+$0x0], $0xffff;
	_ =	sdelay $0x4  }
.Ltmp13:
0xdb: {  	v3 =	vor.u32 $0xB0, v0;
	(pc) =	sbr.rel @p1 .LBB2_24-.Ltmp13, $4  }
0xdc: {  	vm0 =	vlt.s32 v1, v2;
	vm1 =	vge.s32 v6, v3;
	vm2 =	vlt.s32 v6, v3  }
0xdd: {  	vm2 =	vmand vm0, vm2;
	vm0 =	vmand vm0, vm1  }
0xde: {  	v1 =	vsel vm2, v5, v1;
	v2 =	vsel vm0, v4, v2  }
0xdf: {  	s0 =	sadd.s32 $0xFFFFFFFF, s0;
	v4 =	vadd.s32 v1, v2  }
0xe0: {  	v4 =	vshrl.u32 v4, $0x1  }
0xe1: {  	v5 =	vmin.u32 v4, $0x188F;
	_ =	sdelay $0x4  }
0xe2: {  	v5 =	vld.idx.msk [tilespmem:v5+s4+$0x0], $0xffff;
	_ =	sdelay $0x4  }
0xe3: {  	vm0 =	vlt.s32 v1, v2;
	vm1 =	vlt.s32 v5, v3  }
0xe4: {  	v2 =	vadd.s32 $0x1, v4;
	vm0 =	vmand vm0, vm1  }
0xe5: {  	v1 =	vsel vm0, v2, v1  }
0xe6: {  	v1 =	vsub.s32 v1, v7;
	_ =	sdelay $0x2  }
0xe7: {  	s0 =	simm.s32 $0xC;
	v4 =	vadd.s32 v7, v8;
	v2 =	vmov v8;
	[tilespmem:$0x19B0] =	vst v1;
	v1 =	vmov v7  }
.LBB2_26:
0xe8: {  	p1 =	sne.s32 s0, $0x1;
	v4 =	vshrl.u32 v4, $0x1  }
0xe9: {  	v3 =	vmin.u32 v4, $0x188F;
	v5 =	vadd.s32 $0x1, v4;
	_ =	sdelay $0x4  }
0xea: {  	v6 =	vld.idx.msk [tilespmem:v3+s4+$0x0], $0xffff;
	_ =	sdelay $0x4  }
.Ltmp14:
0xeb: {  	v3 =	vor.u32 $0xC0, v0;
	(pc) =	sbr.rel @p1 .LBB2_26-.Ltmp14, $4  }
0xec: {  	vm0 =	vlt.s32 v1, v2;
	vm1 =	vge.s32 v6, v3;
	vm2 =	vlt.s32 v6, v3  }
0xed: {  	vm2 =	vmand vm0, vm2;
	vm0 =	vmand vm0, vm1  }
0xee: {  	v1 =	vsel vm2, v5, v1;
	v2 =	vsel vm0, v4, v2  }
0xef: {  	s0 =	sadd.s32 $0xFFFFFFFF, s0;
	v4 =	vadd.s32 v1, v2  }
0xf0: {  	v4 =	vshrl.u32 v4, $0x1  }
0xf1: {  	v5 =	vmin.u32 v4, $0x188F;
	_ =	sdelay $0x4  }
0xf2: {  	v5 =	vld.idx.msk [tilespmem:v5+s4+$0x0], $0xffff;
	_ =	sdelay $0x4  }
0xf3: {  	vm0 =	vlt.s32 v1, v2;
	vm1 =	vlt.s32 v5, v3  }
0xf4: {  	v2 =	vadd.s32 $0x1, v4;
	vm0 =	vmand vm0, vm1  }
0xf5: {  	v1 =	vsel vm0, v2, v1  }
0xf6: {  	v1 =	vsub.s32 v1, v7;
	_ =	sdelay $0x2  }
0xf7: {  	s0 =	simm.s32 $0xC;
	v4 =	vadd.s32 v7, v8;
	v2 =	vmov v8;
	[tilespmem:$0x19C0] =	vst v1;
	v1 =	vmov v7  }
.LBB2_28:
0xf8: {  	p1 =	sne.s32 s0, $0x1;
	v4 =	vshrl.u32 v4, $0x1  }
0xf9: {  	v3 =	vmin.u32 v4, $0x188F;
	v5 =	vadd.s32 $0x1, v4;
	_ =	sdelay $0x4  }
0xfa: {  	v6 =	vld.idx.msk [tilespmem:v3+s4+$0x0], $0xffff;
	_ =	sdelay $0x4  }
.Ltmp15:
0xfb: {  	v3 =	vor.u32 $0xD0, v0;
	(pc) =	sbr.rel @p1 .LBB2_28-.Ltmp15, $4  }
0xfc: {  	vm0 =	vlt.s32 v1, v2;
	vm1 =	vge.s32 v6, v3;
	vm2 =	vlt.s32 v6, v3  }
0xfd: {  	vm2 =	vmand vm0, vm2;
	vm0 =	vmand vm0, vm1  }
0xfe: {  	v1 =	vsel vm2, v5, v1;
	v2 =	vsel vm0, v4, v2  }
0xff: {  	s0 =	sadd.s32 $0xFFFFFFFF, s0;
	v4 =	vadd.s32 v1, v2  }
0x100: {  	v4 =	vshrl.u32 v4, $0x1  }
0x101: {  	v5 =	vmin.u32 v4, $0x188F;
	_ =	sdelay $0x4  }
0x102: {  	v5 =	vld.idx.msk [tilespmem:v5+s4+$0x0], $0xffff;
	_ =	sdelay $0x4  }
0x103: {  	vm0 =	vlt.s32 v1, v2;
	vm1 =	vlt.s32 v5, v3  }
0x104: {  	v2 =	vadd.s32 $0x1, v4;
	vm0 =	vmand vm0, vm1  }
0x105: {  	v1 =	vsel vm0, v2, v1  }
0x106: {  	v1 =	vsub.s32 v1, v7;
	_ =	sdelay $0x2  }
0x107: {  	s0 =	simm.s32 $0xC;
	v4 =	vadd.s32 v7, v8;
	v2 =	vmov v8;
	[tilespmem:$0x19D0] =	vst v1;
	v1 =	vmov v7  }
.LBB2_30:
0x108: {  	p1 =	sne.s32 s0, $0x1;
	v4 =	vshrl.u32 v4, $0x1  }
0x109: {  	v3 =	vmin.u32 v4, $0x188F;
	v5 =	vadd.s32 $0x1, v4;
	_ =	sdelay $0x4  }
0x10a: {  	v6 =	vld.idx.msk [tilespmem:v3+s4+$0x0], $0xffff;
	_ =	sdelay $0x4  }
.Ltmp16:
0x10b: {  	v3 =	vor.u32 $0xE0, v0;
	(pc) =	sbr.rel @p1 .LBB2_30-.Ltmp16, $4  }
0x10c: {  	vm0 =	vlt.s32 v1, v2;
	vm1 =	vge.s32 v6, v3;
	vm2 =	vlt.s32 v6, v3  }
0x10d: {  	vm2 =	vmand vm0, vm2;
	vm0 =	vmand vm0, vm1  }
0x10e: {  	v1 =	vsel vm2, v5, v1;
	v2 =	vsel vm0, v4, v2  }
0x10f: {  	s0 =	sadd.s32 $0xFFFFFFFF, s0;
	v4 =	vadd.s32 v1, v2  }
0x110: {  	v4 =	vshrl.u32 v4, $0x1  }
0x111: {  	v5 =	vmin.u32 v4, $0x188F;
	_ =	sdelay $0x4  }
0x112: {  	v5 =	vld.idx.msk [tilespmem:v5+s4+$0x0], $0xffff;
	_ =	sdelay $0x4  }
0x113: {  	vm0 =	vlt.s32 v1, v2;
	vm1 =	vlt.s32 v5, v3  }
0x114: {  	v2 =	vadd.s32 $0x1, v4;
	vm0 =	vmand vm0, vm1  }
0x115: {  	v1 =	vsel vm0, v2, v1  }
0x116: {  	v1 =	vsub.s32 v1, v7;
	_ =	sdelay $0x2  }
0x117: {  	s0 =	simm.s32 $0xC;
	v4 =	vadd.s32 v7, v8;
	v2 =	vmov v8;
	[tilespmem:$0x19E0] =	vst v1;
	v1 =	vmov v7  }
.LBB2_32:
0x118: {  	p1 =	sne.s32 s0, $0x1;
	v4 =	vshrl.u32 v4, $0x1  }
0x119: {  	v3 =	vmin.u32 v4, $0x188F;
	v5 =	vadd.s32 $0x1, v4;
	_ =	sdelay $0x4  }
0x11a: {  	v6 =	vld.idx.msk [tilespmem:v3+s4+$0x0], $0xffff;
	_ =	sdelay $0x4  }
.Ltmp17:
0x11b: {  	v3 =	vor.u32 $0xF0, v0;
	(pc) =	sbr.rel @p1 .LBB2_32-.Ltmp17, $4  }
0x11c: {  	vm0 =	vlt.s32 v1, v2;
	vm1 =	vge.s32 v6, v3;
	vm2 =	vlt.s32 v6, v3  }
0x11d: {  	vm2 =	vmand vm0, vm2;
	vm0 =	vmand vm0, vm1  }
0x11e: {  	v1 =	vsel vm2, v5, v1;
	v2 =	vsel vm0, v4, v2  }
0x11f: {  	s0 =	sadd.s32 $0xFFFFFFFF, s0;
	v4 =	vadd.s32 v1, v2  }
0x120: {  	v4 =	vshrl.u32 v4, $0x1  }
0x121: {  	v5 =	vmin.u32 v4, $0x188F;
	_ =	sdelay $0x4  }
0x122: {  	v5 =	vld.idx.msk [tilespmem:v5+s4+$0x0], $0xffff;
	_ =	sdelay $0x4  }
0x123: {  	vm0 =	vlt.s32 v1, v2;
	vm1 =	vlt.s32 v5, v3  }
0x124: {  	v2 =	vadd.s32 $0x1, v4;
	vm0 =	vmand vm0, vm1  }
0x125: {  	v1 =	vsel vm0, v2, v1  }
0x126: {  	v1 =	vsub.s32 v1, v7;
	_ =	sdelay $0x2  }
0x127: {  	s0 =	simm.s32 $0xC;
	v4 =	vadd.s32 v7, v8;
	v2 =	vmov v8;
	[tilespmem:$0x19F0] =	vst v1;
	v1 =	vmov v7  }
.LBB2_34:
0x128: {  	p1 =	sne.s32 s0, $0x1;
	v4 =	vshrl.u32 v4, $0x1  }
0x129: {  	v3 =	vmin.u32 v4, $0x188F;
	v5 =	vadd.s32 $0x1, v4;
	_ =	sdelay $0x4  }
0x12a: {  	v6 =	vld.idx.msk [tilespmem:v3+s4+$0x0], $0xffff;
	_ =	sdelay $0x4  }
.Ltmp18:
0x12b: {  	v3 =	vor.u32 $0x100, v0;
	(pc) =	sbr.rel @p1 .LBB2_34-.Ltmp18, $4  }
0x12c: {  	vm0 =	vlt.s32 v1, v2;
	vm1 =	vge.s32 v6, v3;
	vm2 =	vlt.s32 v6, v3  }
0x12d: {  	vm2 =	vmand vm0, vm2;
	vm0 =	vmand vm0, vm1  }
0x12e: {  	v1 =	vsel vm2, v5, v1;
	v2 =	vsel vm0, v4, v2  }
0x12f: {  	s0 =	sadd.s32 $0xFFFFFFFF, s0;
	v4 =	vadd.s32 v1, v2  }
0x130: {  	v4 =	vshrl.u32 v4, $0x1  }
0x131: {  	v5 =	vmin.u32 v4, $0x188F;
	_ =	sdelay $0x4  }
0x132: {  	v5 =	vld.idx.msk [tilespmem:v5+s4+$0x0], $0xffff;
	_ =	sdelay $0x4  }
0x133: {  	vm0 =	vlt.s32 v1, v2;
	vm1 =	vlt.s32 v5, v3  }
0x134: {  	v56 =	vadd.s32 $0x1, v4;
	vm0 =	vmand vm0, vm1  }
0x135: {  	v57 =	vsel vm0, v56, v1  }
0x136: {  	v1 =	vsub.s32 v57, v7  }
0x137: {  	s0 =	simm.s32 $0x1900;
	[tilespmem:$0x1A00] =	vst v1  }
0x138: {  	[spmem:s7] =	stream.linear.scatter [tilespmem:s0], [sflag:$0x2], $0x110, $0x38;
	[tilespmem:$0x1B590] =	vst v63  }
0x139: {  	_ =	swait.ge [sflag:s14], $0x110  }
0x13a: {  	[sflag:s14] =	ssyncset.done $0x0  }
0x13b: {  	[sflag:s14] =	ssyncadd.s32 $0xFFFFFEF0  }
0x13c: {  	[bflag:$0x0] =	sbarrier.arrive $0xFFFF  }
0x13d: {  	s2 =	simm.s32 $0x1A80;
	s16 =	rddreg [dreg:$0x4]  }
0x13e: {  	[tilespmem:s2], [sflag:$0x2] =	stream.linear.gather [spmem:s16], $0x1100, $0x38;
	[tilespmem:$0x1B590] =	vst v63  }
0x13f: {  	_ =	swait.ge [sflag:s14], $0x1100  }
0x140: {  	[sflag:s14] =	ssyncset.done $0x0  }
0x141: {  	[sflag:s14] =	ssyncadd.s32 $0xFFFFEF00  }
0x142: {  	v20 =	vld [tilespmem:s8+$0x1A80]  }
0x143: {  	v19 =	vld [tilespmem:s9+$0x1A80]  }
0x144: {  	v21 =	vld [tilespmem:s8+$0x1B90]  }
0x145: {  	v18 =	vld [tilespmem:s9+$0x1B90]  }
0x146: {  	v22 =	vld [tilespmem:s8+$0x1CA0]  }
0x147: {  	v17 =	vld [tilespmem:s9+$0x1CA0]  }
0x148: {  	v23 =	vld [tilespmem:s8+$0x1DB0]  }
0x149: {  	v16 =	vld [tilespmem:s9+$0x1DB0]  }
0x14a: {  	v24 =	vld [tilespmem:s8+$0x1EC0]  }
0x14b: {  	v15 =	vld [tilespmem:s9+$0x1EC0]  }
0x14c: {  	v25 =	vld [tilespmem:s8+$0x1FD0]  }
0x14d: {  	v14 =	vld [tilespmem:s9+$0x1FD0]  }
0x14e: {  	v26 =	vld [tilespmem:s8+$0x20E0]  }
0x14f: {  	v13 =	vld [tilespmem:s9+$0x20E0]  }
0x150: {  	v27 =	vld [tilespmem:s8+$0x21F0]  }
0x151: {  	v12 =	vld [tilespmem:s9+$0x21F0]  }
0x152: {  	v28 =	vld [tilespmem:s10+$0x0]  }
0x153: {  	v11 =	vld [tilespmem:s8+$0x2310]  }
0x154: {  	v29 =	vld [tilespmem:s8+$0x2410]  }
0x155: {  	v58 =	vld [tilespmem:s9+$0x2410]  }
0x156: {  	v30 =	vld [tilespmem:s8+$0x2520]  }
0x157: {  	v6 =	vld [tilespmem:s9+$0x2520]  }
0x158: {  	v31 =	vld [tilespmem:s8+$0x2630]  }
0x159: {  	v59 =	vld [tilespmem:s9+$0x2630]  }
0x15a: {  	v32 =	vld [tilespmem:s8+$0x2740]  }
0x15b: {  	v60 =	vld [tilespmem:s9+$0x2740]  }
0x15c: {  	v33 =	vld [tilespmem:s8+$0x2850]  }
0x15d: {  	v61 =	vld [tilespmem:s9+$0x2850]  }
0x15e: {  	v34 =	vld [tilespmem:s8+$0x2960]  }
0x15f: {  	v62 =	vld [tilespmem:s9+$0x2960]  }
0x160: {  	v0 =	vimm.f32 $0.0e+00;
	v35 =	vld [tilespmem:s8+$0x2A70]  }
0x161: {  	v8 =	vimm.f32 $-Inf;
	v63 =	vld [tilespmem:s9+$0x2A70];
	[tilespmem:$0x1AC80] =	vst v0  }
0x162: {  	[tilespmem:$0x1B080] =	vst v8  }
0x163: {  	[tilespmem:$0x1AC90] =	vst v0  }
0x164: {  	[tilespmem:$0x1B090] =	vst v8  }
0x165: {  	[tilespmem:$0x1ACA0] =	vst v0  }
0x166: {  	[tilespmem:$0x1B0A0] =	vst v8  }
0x167: {  	[tilespmem:$0x1ACB0] =	vst v0  }
0x168: {  	[tilespmem:$0x1B0B0] =	vst v8  }
0x169: {  	[tilespmem:$0x1ACC0] =	vst v0  }
0x16a: {  	[tilespmem:$0x1B0C0] =	vst v8  }
0x16b: {  	[tilespmem:$0x1ACD0] =	vst v0  }
0x16c: {  	[tilespmem:$0x1B0D0] =	vst v8  }
0x16d: {  	[tilespmem:$0x1ACE0] =	vst v0  }
0x16e: {  	[tilespmem:$0x1B0E0] =	vst v8  }
0x16f: {  	[tilespmem:$0x1ACF0] =	vst v0  }
0x170: {  	[tilespmem:$0x1B0F0] =	vst v8  }
0x171: {  	[tilespmem:$0x1AD00] =	vst v0  }
0x172: {  	[tilespmem:$0x1B100] =	vst v8  }
0x173: {  	[tilespmem:$0x1AD10] =	vst v0  }
0x174: {  	[tilespmem:$0x1B110] =	vst v8  }
0x175: {  	[tilespmem:$0x1AD20] =	vst v0  }
0x176: {  	[tilespmem:$0x1B120] =	vst v8  }
0x177: {  	[tilespmem:$0x1AD30] =	vst v0  }
0x178: {  	[tilespmem:$0x1B130] =	vst v8  }
0x179: {  	[tilespmem:$0x1AD40] =	vst v0  }
0x17a: {  	[tilespmem:$0x1B140] =	vst v8  }
0x17b: {  	[tilespmem:$0x1AD50] =	vst v0  }
0x17c: {  	[tilespmem:$0x1B150] =	vst v8  }
0x17d: {  	[tilespmem:$0x1AD60] =	vst v0  }
0x17e: {  	[tilespmem:$0x1B160] =	vst v8  }
0x17f: {  	[tilespmem:$0x1AD70] =	vst v0  }
0x180: {  	[tilespmem:$0x1B170] =	vst v8  }
0x181: {  	[tilespmem:$0x1AD80] =	vst v0  }
0x182: {  	[tilespmem:$0x1B180] =	vst v8  }
0x183: {  	[tilespmem:$0x1AD90] =	vst v0  }
0x184: {  	[tilespmem:$0x1B190] =	vst v8  }
0x185: {  	[tilespmem:$0x1ADA0] =	vst v0  }
0x186: {  	[tilespmem:$0x1B1A0] =	vst v8  }
0x187: {  	[tilespmem:$0x1ADB0] =	vst v0  }
0x188: {  	[tilespmem:$0x1B1B0] =	vst v8  }
0x189: {  	[tilespmem:$0x1ADC0] =	vst v0  }
0x18a: {  	[tilespmem:$0x1B1C0] =	vst v8  }
0x18b: {  	[tilespmem:$0x1ADD0] =	vst v0  }
0x18c: {  	[tilespmem:$0x1B1D0] =	vst v8  }
0x18d: {  	[tilespmem:$0x1ADE0] =	vst v0  }
0x18e: {  	[tilespmem:$0x1B1E0] =	vst v8  }
0x18f: {  	[tilespmem:$0x1ADF0] =	vst v0  }
0x190: {  	[tilespmem:$0x1B1F0] =	vst v8  }
0x191: {  	[tilespmem:$0x1AE00] =	vst v0  }
0x192: {  	[tilespmem:$0x1B200] =	vst v8;
	v20 =	vadd.s32 v20, v21  }
0x193: {  	[tilespmem:$0x1AE10] =	vst v0;
	v20 =	vadd.s32 v22, v20  }
0x194: {  	[tilespmem:$0x1B210] =	vst v8;
	v20 =	vadd.s32 v23, v20  }
0x195: {  	[tilespmem:$0x1AE20] =	vst v0;
	v20 =	vadd.s32 v24, v20  }
0x196: {  	[tilespmem:$0x1B220] =	vst v8;
	v20 =	vadd.s32 v25, v20  }
0x197: {  	[tilespmem:$0x1AE30] =	vst v0;
	v20 =	vadd.s32 v26, v20  }
0x198: {  	[tilespmem:$0x1B230] =	vst v8;
	v20 =	vadd.s32 v27, v20  }
0x199: {  	[tilespmem:$0x1AE40] =	vst v0;
	v20 =	vadd.s32 v28, v20  }
0x19a: {  	[tilespmem:$0x1B240] =	vst v8;
	v20 =	vadd.s32 v29, v20  }
0x19b: {  	[tilespmem:$0x1AE50] =	vst v0;
	v20 =	vadd.s32 v30, v20  }
0x19c: {  	[tilespmem:$0x1B250] =	vst v8;
	v20 =	vadd.s32 v31, v20  }
0x19d: {  	[tilespmem:$0x1AE60] =	vst v0;
	v20 =	vadd.s32 v32, v20  }
0x19e: {  	[tilespmem:$0x1B260] =	vst v8;
	v20 =	vadd.s32 v33, v20  }
0x19f: {  	[tilespmem:$0x1AE70] =	vst v0;
	v20 =	vadd.s32 v34, v20  }
0x1a0: {  	[tilespmem:$0x1B270] =	vst v8;
	v20 =	vadd.s32 v35, v20  }
0x1a1: {  	[tilespmem:$0x1AE80] =	vst v0;
	(v2sf) =	vpush v20, $0x8  }
0x1a2: {  	[tilespmem:$0x1B280] =	vst v8;
	(v2sf) =	vpush v20, $0x0  }
0x1a3: {  	[tilespmem:$0x1AE90] =	vst v0;
	(v2sf) =	vpush v20, $0x9  }
0x1a4: {  	[tilespmem:$0x1B290] =	vst v8;
	(v2sf) =	vpush v20, $0x1  }
0x1a5: {  	[tilespmem:$0x1AEA0] =	vst v0;
	(v2sf) =	vpush v20, $0xA  }
0x1a6: {  	[tilespmem:$0x1B2A0] =	vst v8;
	(v2sf) =	vpush v20, $0x2  }
0x1a7: {  	[tilespmem:$0x1AEB0] =	vst v0;
	(v2sf) =	vpush v20, $0xB  }
0x1a8: {  	[tilespmem:$0x1B2B0] =	vst v8;
	(v2sf) =	vpush v20, $0x3  }
0x1a9: {  	[tilespmem:$0x1AEC0] =	vst v0;
	(v2sf) =	vpush v20, $0xC  }
0x1aa: {  	[tilespmem:$0x1B2C0] =	vst v8;
	(v2sf) =	vpush v20, $0x4  }
0x1ab: {  	[tilespmem:$0x1AED0] =	vst v0;
	(v2sf) =	vpush v20, $0xD  }
0x1ac: {  	[tilespmem:$0x1B2D0] =	vst v8;
	(v2sf) =	vpush v20, $0x5  }
0x1ad: {  	[tilespmem:$0x1AEE0] =	vst v0;
	(v2sf) =	vpush v20, $0xE  }
0x1ae: {  	[tilespmem:$0x1B2E0] =	vst v8;
	(v2sf) =	vpush v20, $0x6  }
0x1af: {  	[tilespmem:$0x1AEF0] =	vst v0;
	(v2sf) =	vpush v20, $0xF  }
0x1b0: {  	[tilespmem:$0x1B2F0] =	vst v8;
	s22 =	spop (v2sf);
	(v2sf) =	vpush v20, $0x7  }
0x1b1: {  	[tilespmem:$0x1AF00] =	vst v0;
	s16 =	spop (v2sf);
	(v2sf) =	vpush v19, $0x0  }
0x1b2: {  	[tilespmem:$0x1B300] =	vst v8;
	s20 =	spop (v2sf);
	(v2sf) =	vpush v18, $0x0  }
0x1b3: {  	[tilespmem:$0x1AF10] =	vst v0;
	s18 =	spop (v2sf);
	(v2sf) =	vpush v17, $0x0  }
0x1b4: {  	[tilespmem:$0x1B310] =	vst v8;
	s26 =	spop (v2sf);
	(v2sf) =	vpush v16, $0x0  }
0x1b5: {  	[tilespmem:$0x1AF20] =	vst v0;
	s21 =	spop (v2sf);
	(v2sf) =	vpush v15, $0x0  }
0x1b6: {  	[tilespmem:$0x1B320] =	vst v8;
	s29 =	spop (v2sf);
	(v2sf) =	vpush v14, $0x0  }
0x1b7: {  	[tilespmem:$0x1AF30] =	vst v0;
	s2 =	spop (v2sf);
	(v2sf) =	vpush v13, $0x0  }
0x1b8: {  	[tilespmem:$0x1B330] =	vst v8;
	s30 =	spop (v2sf);
	(v2sf) =	vpush v12, $0x0  }
0x1b9: {  	[tilespmem:$0x1AF40] =	vst v0;
	s13 =	spop (v2sf);
	(v2sf) =	vpush v11, $0x0  }
0x1ba: {  	[tilespmem:$0x1B340] =	vst v8;
	s28 =	spop (v2sf);
	(v2sf) =	vpush v58, $0x0  }
0x1bb: {  	[tilespmem:$0x1AF50] =	vst v0;
	s15 =	spop (v2sf);
	(v2sf) =	vpush v6, $0x0  }
0x1bc: {  	[tilespmem:$0x1B350] =	vst v8;
	s23 =	spop (v2sf);
	(v2sf) =	vpush v59, $0x0  }
0x1bd: {  	[tilespmem:$0x1AF60] =	vst v0;
	s25 =	spop (v2sf);
	(v2sf) =	vpush v60, $0x0  }
0x1be: {  	[tilespmem:$0x1B360] =	vst v8;
	s0 =	spop (v2sf);
	(v2sf) =	vpush v61, $0x0  }
0x1bf: {  	[tilespmem:$0x1AF70] =	vst v0;
	s24 =	spop (v2sf);
	(v2sf) =	vpush v62, $0x0  }
0x1c0: {  	[tilespmem:$0x1B370] =	vst v8;
	s31 =	spop (v2sf);
	(v2sf) =	vpush v63, $0x0  }
0x1c1: {  	[tilespmem:$0x1AF80] =	vst v0;
	s3 =	spop (v2sf)  }
0x1c2: {  	[tilespmem:$0x1B380] =	vst v8;
	s17 =	spop (v2sf);
	s3 =	sadd.s32 s31, s3  }
0x1c3: {  	[tilespmem:$0x1AF90] =	vst v0;
	s31 =	spop (v2sf);
	s3 =	sadd.s32 s17, s3  }
0x1c4: {  	[tilespmem:$0x1B390] =	vst v8;
	s17 =	spop (v2sf);
	s3 =	sadd.s32 s31, s3  }
0x1c5: {  	[tilespmem:$0x1AFA0] =	vst v0;
	s31 =	spop (v2sf);
	s3 =	sadd.s32 s17, s3  }
0x1c6: {  	[tilespmem:$0x1B3A0] =	vst v8;
	s17 =	spop (v2sf);
	s3 =	sadd.s32 s31, s3  }
0x1c7: {  	[tilespmem:$0x1AFB0] =	vst v0;
	s31 =	spop (v2sf);
	s3 =	sadd.s32 s17, s3  }
0x1c8: {  	[tilespmem:$0x1B3B0] =	vst v8;
	s17 =	spop (v2sf);
	s3 =	sadd.s32 s31, s3  }
0x1c9: {  	[tilespmem:$0x1AFC0] =	vst v0;
	s31 =	spop (v2sf);
	s3 =	sadd.s32 s17, s3  }
0x1ca: {  	[tilespmem:$0x1B3C0] =	vst v8;
	s20 =	smov.u32 @p0 s18;
	s17 =	spop (v2sf);
	s3 =	sadd.s32 s31, s3  }
0x1cb: {  	[tilespmem:$0x1AFD0] =	vst v0;
	s31 =	smov.u32 s22;
	s3 =	sadd.s32 s17, s3;
	s17 =	spop (v2sf)  }
0x1cc: {  	[tilespmem:$0x1B3D0] =	vst v8;
	s31 =	smov.u32 @p0 s16;
	s3 =	sadd.s32 s17, s3;
	s17 =	spop (v2sf)  }
0x1cd: {  	[tilespmem:$0x1AFE0] =	vst v0;
	[smem:$0x0] =	sst s31;
	s3 =	sadd.s32 s17, s3;
	s18 =	spop (v2sf)  }
0x1ce: {  	[tilespmem:$0x1B3E0] =	vst v8;
	[smem:$0x1] =	sst s20;
	s20 =	spop (v2sf);
	s3 =	sadd.s32 s18, s3  }
0x1cf: {  	[tilespmem:$0x1AFF0] =	vst v0;
	s3 =	sadd.s32 s20, s3;
	s18 =	spop (v2sf);
	s20 =	sand.u32 $0xFFFFFFF8, s31  }
0x1d0: {  	[tilespmem:$0x1B3F0] =	vst v8;
	s26 =	smov.u32 @p0 s21;
	s21 =	sadd.s32 s18, s3;
	p1 =	slt.s32 s20, $0x18620  }
0x1d1: {  	[tilespmem:$0x1B000] =	vst v0;
	s21 =	smov.u32 @p0 s22;
	s20 =	simm.s32 @!p1 $0x18620  }
0x1d2: {  	[tilespmem:$0x1B400] =	vst v8;
	s29 =	smov.u32 @p0 s2;
	[smem:$0x2] =	sst s26;
	s26 =	ssub.s32 s21, s20  }
0x1d3: {  	[tilespmem:$0x1B010] =	vst v0;
	s30 =	smov.u32 @p0 s13;
	[smem:$0x3] =	sst s29;
	s2 =	sadd.s32 $0x7F, s26  }
0x1d4: {  	[tilespmem:$0x1B410] =	vst v8;
	[smem:$0x4] =	sst s30;
	s29 =	sand.u32 $0x7F, s2  }
0x1d5: {  	[tilespmem:$0x1B020] =	vst v0;
	s30 =	sshra.s32 s2, $0x1F;
	p2 =	slt.s32 s2, $0x1;
	p6 =	sne.s32 s29, $0x0  }
0x1d6: {  	[tilespmem:$0x1B420] =	vst v8;
	s3 =	sshrl.u32 s30, $0x19;
	p1 =	por !p2, !p6  }
0x1d7: {  	[tilespmem:$0x1B030] =	vst v0;
	s2 =	sadd.s32 s3, s2;
	s3 =	simm.s32 $0x1;
	p1 =	por !p1, !p1  }
0x1d8: {  	[tilespmem:$0x1B430] =	vst v8;
	v38 =	vld [tilespmem:$0x1AC00];
	s2 =	sshra.s32 s2, $0x7;
	s3 =	simm.s32 @!p1 $0x0  }
0x1d9: {  	[tilespmem:$0x1B040] =	vst v0;
	v21 =	vld [tilespmem:$0x1ABD0];
	p1 =	slt.s32 s31, s21;
	s22 =	ssub.s32 s2, s3  }
0x1da: {  	[tilespmem:$0x1B440] =	vst v8;
	v20 =	vld [tilespmem:$0x1ABC0];
	s22 =	simm.s32 @!p1 $0x0  }
0x1db: {  	[tilespmem:$0x1B050] =	vst v0;
	v19 =	vld [tilespmem:$0x1ABB0];
	p1 =	slt.s32 s22, $0x1  }
.Ltmp19:
0x1dc: {  	[tilespmem:$0x1B450] =	vst v8;
	v18 =	vld [tilespmem:$0x1ABA0];
	s28 =	smov.u32 @p0 s15;
	(pc) =	sbr.rel @p1 .LBB2_39-.Ltmp19, $4  }
0x1dd: {  	[tilespmem:$0x1B060] =	vst v0;
	v17 =	vld [tilespmem:$0x1AB90];
	s23 =	smov.u32 @p0 s25;
	[smem:$0x5] =	sst s28  }
0x1de: {  	[tilespmem:$0x1B460] =	vst v8;
	v15 =	vld [tilespmem:$0x1ABF0];
	s0 =	smov.u32 @p0 s24;
	[smem:$0x6] =	sst s23  }
0x1df: {  	[tilespmem:$0x1B070] =	vst v0;
	v14 =	vld [tilespmem:$0x1ABE0];
	[smem:$0x7] =	sst s0  }
0x1e0: {  	[tilespmem:$0x1B470] =	vst v8;
	v13 =	vld [tilespmem:$0x1AB80];
	[smem:$0x8] =	sst s21  }
0x1e1: {  	p1 =	slt.s32 s20, $0x18620;
	s0 =	smov.u32 s20  }
0x1e2: {  	s2 =	smov.u32 s22;
	s0 =	simm.s32 @!p1 $0x18620;
	p1 =	slt.s32 s22, $0x6  }
0x1e3: {  	s2 =	simm.s32 @!p1 $0x6  }
0x1e4: {  	p1 =	sne.s32 s2, $0x1  }
.Ltmp20:
0x1e5: {  	_ = 	snop;
	(pc) =	sbr.rel @!p1 .LBB2_38-.Ltmp20, $4  }
0x1e6: {  	_ = 	snop  }
0x1e7: {  	s13 =	sadd.s32 $0x80, s20;
	s3 =	sshll.u32 s0, $0x4  }
0x1e8: {  	s0 =	simm.s32 $0x2B80;
	s3 =	sadd.s32 s1, s3;
	s2 =	sadd.s32 $0xFFFFFFFF, s2  }
0x1e9: {  	[tilespmem:s0], [sflag:$0x1] =	stream.linear.gather [hbm4b:s3+s4], $0x4000, $0x38;
	[tilespmem:$0x1B590] =	vst v63  }
.LBB2_37:
0x1ea: {  	p1 =	slt.s32 s13, $0x18620  }
0x1eb: {  	p2 =	sne.s32 s2, $0x1;
	s2 =	sadd.s32 $0xFFFFFFFF, s2;
	s3 =	smov.u32 s13  }
.Ltmp21:
0x1ec: {  	s3 =	simm.s32 @!p1 $0x18620;
	(pc) =	sbr.rel @p2 .LBB2_37-.Ltmp21, $4  }
0x1ed: {  	s3 =	sshll.u32 s3, $0x4  }
0x1ee: {  	s0 =	sadd.s32 $0x4000, s0;
	s3 =	sadd.s32 s1, s3  }
0x1ef: {  	[tilespmem:s0], [sflag:$0x1] =	stream.linear.gather [hbm4b:s3+s4], $0x4000, $0x38;
	[tilespmem:$0x1B590] =	vst v63  }
0x1f0: {  	s13 =	sadd.s32 $0x80, s13  }
.LBB2_38:
0x1f1: {  	s0 =	simm.s32 $0x1  }
0x1f2: {  	_ =	swait.ge [sflag:s0], $0x4000  }
0x1f3: {  	[sflag:s0] =	ssyncset.done $0x0  }
0x1f4: {  	[sflag:s0] =	ssyncadd.s32 $0xFFFFC000  }
.LBB2_39:
0x1f5: {  	p1 =	sge.s32 s31, s21  }
.Ltmp22:
0x1f6: {  	_ = 	snop;
	(pc) =	sbr.rel @p1 .LBB2_52-.Ltmp22, $1  }
0x1f7: {  	_ =	sdelay $0x3  }
0x1f8: {  	v22 =	vimm.f32 $-Inf;
	v10 =	vimm.f32 $0.0e+00;
	v9 =	vimm.f32 $0.0e+00  }
0x1f9: {  	v8 =	vimm.f32 $0.0e+00;
	v29 =	vimm.f32 $0.0e+00;
	v27 =	vimm.f32 $0.0e+00  }
0x1fa: {  	v32 =	vimm.f32 $0.0e+00;
	v33 =	vimm.f32 $0.0e+00;
	v35 =	vimm.f32 $0.0e+00  }
.Ltmp23:
0x1fb: {  	v30 =	vimm.f32 $0.0e+00;
	v1 =	vimm.f32 $0.0e+00;
	v23 =	vimm.f32 $0.0e+00;
	[tilespmem:$0x1FF10] =	vst v13;
	(pc) =	sbr.rel .LBB2_41-.Ltmp23, $4  }
0x1fc: {  	v45 =	vimm.f32 $0.0e+00;
	v44 =	vimm.f32 $0.0e+00;
	v11 =	vimm.f32 $0.0e+00;
	[tilespmem:$0x1FF20] =	vst v14  }
0x1fd: {  	v2 =	vimm.f32 $0.0e+00;
	v12 =	vimm.f32 $0.0e+00;
	v24 =	vimm.f32 $-Inf;
	[tilespmem:$0x1FF30] =	vst v15  }
0x1fe: {  	v26 =	vimm.f32 $-Inf;
	v28 =	vimm.f32 $-Inf;
	v31 =	vimm.f32 $-Inf;
	[tilespmem:$0x1FF40] =	vst v38  }
0x1ff: {  	s25 =	simm.s32 $0x0;
	s28 =	simm.f32 $0.0e+00;
	v34 =	vimm.f32 $-Inf;
	v36 =	vimm.f32 $-Inf;
	v37 =	vimm.f32 $-Inf;
	s23 =	simm.s32 $0x0;
	[tilespmem:$0x1FF50] =	vst v21  }
.LBB2_43:
0x200: {  	v54 =	vmov v62  }
0x201: {  	v50 =	vmovc v60;
	v46 =	vmovc v58;
	v47 =	vmov v57;
	v48 =	vmov v56;
	v49 =	vmov v55  }
0x202: {  	v51 =	vmovc v53;
	v52 =	vmovc v59;
	v25 =	vmov v8;
	v3 =	vmov v9;
	v4 =	vmov v10  }
.LBB2_50:
0x203: {  	_ =	sdelay $0x4  }
0x204: {  	(erf) = vpow2.f32 @p1 v7;
	_ =	sdelay $0x4  }
0x205: {  	s0 =	spop @p1 (v2sf)  }
0x206: {  	v0 =	vadd.f32 v6, v5;
	v43 =	vmul.f32 v54, v15;
	s28 =	smov.u32 @p1 s0  }
0x207: {  	v6 =	vadd.f32 s28, v38  }
0x208: {  	v5 =	vpop @p2 (erf);
	v0 =	vadd.f32 v43, v0  }
0x209: {  	v7 =	vpop @p1 (erf);
	v6 =	vsub.f32 $0.0e+00, v6  }
0x20a: {  	(xrf2) =	vadd.scan.msk.f32 $0xffff, v0;
	v0 =	vadd.f32 @p1 $1.000000000e+00, v7  }
0x20b: {  	v6 =	vmul.f32 $1.442695020e+00, v6  }
0x20c: {  	(erf) = vrcp.f32 @p1 v0  }
0x20d: {  	v61 =	vld [tilespmem:$0x1FEA0];
	(erf) = vpow2.f32 v6  }
0x20e: {  	v8 =	vmul.f32 @p2 v5, v8  }
0x20f: {  	v10 =	vmul.f32 @p2 v5, v10  }
0x210: {  	v26 =	vmax.f32 v26, v50;
	v3 =	vadd.f32 @p2 v8, v3;
	v15 =	vmul.f32 @p2 v5, v40;
	v0 =	vmovc @p2 v13  }
0x211: {  	v10 =	vadd.f32 @p2 v10, v33;
	v7 =	vmovc @p1 v14;
	v14 =	vmul.f32 @p2 v5, v39;
	v0 =	vmul.f32 @p2 v5, v0  }
0x212: {  	v33 =	vmovc @p1 v58;
	v3 =	vpsel p2, v3, v61;
	v15 =	vadd.f32 @p2 v15, v27;
	v6 =	vmul.f32 @p2 v5, v9  }
0x213: {  	v42 =	vld [tilespmem:$0x1FEF0];
	v14 =	vadd.f32 @p2 v14, v32;
	v13 =	vmovc @p2 v16;
	v16 =	vmovc @p1 v62;
	v0 =	vadd.f32 @p2 v0, v25;
	v9 =	vmov @p1 v59  }
0x214: {  	v43 =	vld [tilespmem:$0x1FF00];
	v27, _, _ =	vpop (xrf2);
	v6 =	vadd.f32 @p2 v6, v35;
	v35 =	vmul.f32 @p2 v5, v41;
	v5 =	vmul.f32 @p2 v5, v13  }
0x215: {  	v58 =	vld [tilespmem:$0x1FED0];
	v25 =	vmov @p1 v57;
	(v2sf) =	vpush v27, $0xF;
	v16 =	vpsel p1, v16, v0;
	v8 =	vpop @p1 (erf)  }
0x216: {  	v57 =	vld [tilespmem:$0x1FEE0];
	v4 =	vadd.f32 @p2 v5, v4;
	v5 =	vpsel p1, v7, v0;
	v7 =	vpsel p1, v9, v0;
	v9 =	vpop (erf)  }
0x217: {  	v60 =	vld [tilespmem:$0x1FEB0];
	v27 =	vmovc @p1 v56;
	v32 =	vpsel p1, v33, v0;
	v33 =	vmovc @p1 v53;
	v25 =	vpsel p1, v25, v0;
	v9 =	vadd.f32 $1.000000000e+00, v9  }
0x218: {  	v27 =	vpsel p1, v27, v0;
	v33 =	vpsel p1, v33, v0;
	v13 =	vadd.f32 @p2 v35, v29  }
0x219: {  	v6 =	vpsel p2, v6, v43;
	v25 =	vmul.f32 @p1 v8, v25;
	(erf) = vrcp.f32 v9  }
0x21a: {  	v27 =	vmul.f32 @p1 v8, v27;
	v5 =	vmul.f32 @p1 v8, v5;
	v9 =	vpsel p2, v10, v42  }
0x21b: {  	v59 =	vld [tilespmem:$0x1FEC0];
	v29 =	vmovc @p1 v55;
	v10 =	vpsel p2, v14, v57;
	v14 =	vpsel p2, v15, v58;
	v15 =	vmul.f32 @p1 v8, v32  }
0x21c: {  	v29 =	vpsel p1, v29, v0;
	v0 =	vpsel p2, v0, v60;
	v7 =	vmul.f32 @p1 v8, v7  }
0x21d: {  	v0 =	vadd.f32 @p1 v5, v0;
	v6 =	vadd.f32 @p1 v15, v6;
	v15 =	vmul.f32 @p1 v8, v29  }
0x21e: {  	v9 =	vadd.f32 @p1 v25, v9;
	v29 =	vmul.f32 @p1 v8, v33;
	v8 =	vmul.f32 @p1 v8, v16;
	v16 =	vld [tilespmem:$0x1FE90]  }
0x21f: {  	v24 =	vmax.f32 v24, v52;
	v3 =	vadd.f32 @p1 v7, v3;
	v10 =	vadd.f32 @p1 v27, v10  }
0x220: {  	v22 =	vmax.f32 v22, v54;
	v13 =	vpsel p2, v13, v59;
	v0 =	vpsel p1, v0, v60  }
0x221: {  	v3 =	vpsel p1, v3, v61;
	v7 =	vpsel p1, v10, v57;
	v13 =	vadd.f32 @p1 v29, v13  }
0x222: {  	v14 =	vadd.f32 @p1 v15, v14;
	v62 =	vpsel p1, v6, v43;
	v6 =	vpsel p1, v9, v42;
	v9 =	vpop (erf)  }
0x223: {  	v10 =	vpsel p1, v13, v59;
	v4 =	vpsel p2, v4, v16;
	v12 =	vmul.f32 v9, v12  }
0x224: {  	v4 =	vadd.f32 @p1 v8, v4;
	v2 =	vmul.f32 v9, v2;
	v11 =	vmul.f32 v9, v11  }
0x225: {  	v63 =	vmul.f32 v9, v44;
	v1 =	vmul.f32 v9, v1;
	v35 =	vadd.f32 v12, v62  }
0x226: {  	v12 =	vmul.f32 v9, v45;
	v33 =	vadd.f32 v2, v6;
	v2 =	vmul.f32 v9, v23  }
0x227: {  	v8 =	vpsel p1, v14, v58;
	v4 =	vpsel p1, v4, v16;
	v32 =	vadd.f32 v11, v7  }
0x228: {  	v15 =	vld [tilespmem:$0x1FF30];
	v44 =	vmovc v49;
	v6 =	vmul.f32 v9, v30;
	v27 =	vadd.f32 v63, v8;
	v9 =	vadd.f32 v1, v3  }
0x229: {  	v13 =	vld [tilespmem:$0x1FF10];
	v45 =	vmovc v51;
	v23 =	vmovc v50;
	v30 =	vmov v54;
	v29 =	vadd.f32 v12, v10;
	v8 =	vadd.f32 v2, v0  }
0x22a: {  	s28 =	spop (v2sf);
	v14 =	vld [tilespmem:$0x1FF20];
	v10 =	vadd.f32 v6, v4;
	v11 =	vmovc v48;
	v1 =	vmovc v52;
	v12 =	vmov v46;
	v2 =	vmov v47  }
.LBB2_51:
0x22b: {  	p2 =	sgt.s32 s29, s30  }
0x22c: {  	v0 =	vadd.f32 @!p2 s28, v38;
	_ =	sdelay $0x1  }
0x22d: {  	v0 =	vsub.f32 @!p2 $0.0e+00, v0;
	_ =	sdelay $0x1  }
0x22e: {  	v0 =	vmul.f32 @!p2 $1.442695020e+00, v0;
	_ =	sdelay $0x1  }
0x22f: {  	(erf) = vpow2.f32 @!p2 v0;
	_ =	sdelay $0x8  }
0x230: {  	v0 =	vpop @!p2 (erf)  }
0x231: {  	v0 =	vadd.f32 @!p2 $1.000000000e+00, v0;
	_ =	sdelay $0x1  }
0x232: {  	(erf) = vrcp.f32 @!p2 v0;
	_ =	sdelay $0x8  }
0x233: {  	v0 =	vpop @!p2 (erf)  }
0x234: {  	v3 =	vmul.f32 @!p2 v0, v12  }
0x235: {  	s0 =	sshll.u32 @!p2 s25, $0x8;
	s2 =	sshll.u32 @!p2 s25, $0x7  }
0x236: {  	s0 =	sand.u32 @!p2 $0xFFFFF800, s0;
	s2 =	sand.u32 @!p2 $0x380, s2;
	v3 =	vadd.f32 @!p2 v3, v35  }
0x237: {  	s0 =	sor.u32 @!p2 s2, s0  }
0x238: {  	v4 =	vmul.f32 @!p2 v0, v2;
	[tilespmem:s0+$0x1AC80] =	vst @!p2 v3;
	s0 =	sadd.s32 @!p2 $0x1AC80, s0  }
0x239: {  	[tilespmem:s0+$0x400] =	vst @!p2 v37  }
0x23a: {  	v3 =	vadd.f32 @!p2 v4, v33;
	v4 =	vmul.f32 @!p2 v0, v11;
	[tilespmem:s0+$0x410] =	vst @!p2 v36  }
0x23b: {  	[tilespmem:s0+$0x420] =	vst @!p2 v34  }
0x23c: {  	p3 =	sle.s32 s30, s29;
	p1 =	slt.s32 s24, s21;
	[tilespmem:s0+$0x10] =	vst @!p2 v3;
	v3 =	vadd.f32 @!p2 v4, v32;
	v4 =	vmul.f32 @!p2 v0, v44  }
0x23d: {  	p3 =	por !p3, !p1;
	[tilespmem:s0+$0x430] =	vst @!p2 v31  }
0x23e: {  	p3 =	por !p3, !p3;
	s2 =	sadd.s32 $0x6, s23;
	[tilespmem:s0+$0x20] =	vst @!p2 v3;
	v3 =	vadd.f32 @!p2 v4, v27;
	v4 =	vmul.f32 @!p2 v0, v45  }
0x23f: {  	p5 =	por !p3, !p3;
	p4 =	sge.s32 s2, s22;
	[tilespmem:s0+$0x440] =	vst @!p2 v28  }
0x240: {  	p4 =	por p4, p5;
	[tilespmem:s0+$0x30] =	vst @!p2 v3;
	v3 =	vadd.f32 @!p2 v4, v29;
	v4 =	vmul.f32 @!p2 v0, v23  }
0x241: {  	s2 =	sshll.u32 @!p4 s2, $0x7;
	[tilespmem:s0+$0x450] =	vst @!p2 v26  }
0x242: {  	s2 =	sadd.s32 @!p4 s20, s2;
	[tilespmem:s0+$0x40] =	vst @!p2 v3;
	v3 =	vadd.f32 @!p2 v4, v8;
	v4 =	vmul.f32 @!p2 v0, v1  }
0x243: {  	p5 =	slt.s32 @!p4 s2, $0x18620;
	[tilespmem:s0+$0x460] =	vst @!p2 v24;
	v0 =	vmul.f32 @!p2 v0, v30  }
0x244: {  	p5 =	por !p5, p4;
	[tilespmem:s0+$0x50] =	vst @!p2 v3;
	v3 =	vadd.f32 @!p2 v4, v9  }
0x245: {  	s3 =	sshll.u32 @!p4 s26, $0x10;
	s2 =	simm.s32 @p5 $0x18620;
	[tilespmem:s0+$0x470] =	vst @!p2 v22;
	v0 =	vadd.f32 @!p2 v0, v10  }
0x246: {  	s3 =	sshra.s32 @!p4 s3, $0x2;
	s2 =	sshll.u32 @!p4 s2, $0x4;
	v12 =	vpsel !p2, $0x0, v12;
	v2 =	vpsel !p2, $0x0, v2;
	v35 =	vpsel !p2, $0x0, v35;
	[tilespmem:s0+$0x60] =	vst @!p2 v3  }
0x247: {  	s2 =	sadd.s32 @!p4 s1, s2;
	v33 =	vpsel !p2, $0x0, v33;
	v11 =	vpsel !p2, $0x0, v11;
	v37 =	vpsel !p2, $0xFF800000, v37;
	[tilespmem:s0+$0x70] =	vst @!p2 v0;
	s0 =	sor.u32 @!p4 $0x2B80, s3;
	s3 =	simm.s32 @!p4 $0x0  }
0x248: {  	v36 =	vpsel !p2, $0xFF800000, v36;
	v34 =	vpsel !p2, $0xFF800000, v34;
	v31 =	vpsel !p2, $0xFF800000, v31;
	[tilespmem:s0], [sflag:$0x1] =	stream.linear.gather @!p4 [hbm4b:s2+s3], $0x4000, $0x38;
	[tilespmem:$0x1B590] =	vst v63  }
.Ltmp24:
0x249: {  	v28 =	vpsel !p2, $0xFF800000, v28;
	v26 =	vpsel !p2, $0xFF800000, v26;
	v24 =	vpsel !p2, $0xFF800000, v24;
	(pc) =	sbr.rel @!p1 .LBB2_52-.Ltmp24, $4  }
0x24a: {  	s31 =	smov.u32 s24;
	s28 =	simm.s32 @!p2 $0x0;
	v22 =	vpsel !p2, $0xFF800000, v22;
	v32 =	vpsel !p2, $0x0, v32;
	v44 =	vpsel !p2, $0x0, v44;
	s0 =	simm.s32 @p3 $0x1  }
0x24b: {  	v27 =	vpsel !p2, $0x0, v27;
	v45 =	vpsel !p2, $0x0, v45;
	v29 =	vpsel !p2, $0x0, v29;
	s2 =	sadd.s32 $0x1, s25;
	s3 =	simm.s32 $0x1;
	_ =	swait.ge @p3 [sflag:s0], $0x4000  }
0x24c: {  	v23 =	vpsel !p2, $0x0, v23;
	v8 =	vpsel !p2, $0x0, v8;
	v1 =	vpsel !p2, $0x0, v1;
	s2 =	smov.u32 @p2 s25;
	s3 =	simm.s32 @!p3 $0x0;
	[sflag:s0] =	ssyncset.done @p3 $0x0  }
0x24d: {  	v30 =	vpsel !p2, $0x0, v30;
	v9 =	vpsel !p2, $0x0, v9;
	v10 =	vpsel !p2, $0x0, v10;
	s23 =	sadd.s32 s3, s23;
	s25 =	smov.u32 s2;
	[sflag:s0] =	ssyncadd.s32 @p3 $0xFFFFC000  }
.LBB2_41:
0x24e: {  	s0 =	sshll.u32 s23, $0x7  }
0x24f: {  	s0 =	sadd.s32 s20, s0  }
0x250: {  	s29 =	sld [smem:s25+$0x1];
	p1 =	slt.s32 s0, $0x18620  }
0x251: {  	s0 =	simm.s32 @!p1 $0x18620  }
0x252: {  	s2 =	smulhi.u32 $0x2AAAAAAB, s23;
	s30 =	sadd.s32 $0x80, s0  }
0x253: {  	s3 =	sshra.s32 s23, $0x1F;
	p1 =	slt.s32 s29, s30;
	s24 =	smov.u32 s30  }
0x254: {  	s3 =	smul.u32 $0x2AAAAAAB, s3;
	s24 =	smov.u32 @p1 s29  }
0x255: {  	s26 =	ssub.s32 s24, s31  }
0x256: {  	s2 =	sadd.s32 s3, s2;
	p1 =	slt.s32 s26, $0x1  }
.Ltmp25:
0x257: {  	s3 =	sshrl.u32 s2, $0x1F;
	(pc) =	sbr.rel @p1 .LBB2_51-.Ltmp25, $3  }
0x258: {  	s2 =	sadd.s32 s3, s2  }
0x259: {  	s2 =	smul.u32 $0x6, s2;
	_ =	sdelay $0x1  }
0x25a: {  	s26 =	ssub.s32 s23, s2  }
0x25b: {  	s2 =	sshll.u32 s26, $0x7  }
0x25c: {  	s2 =	sadd.s32 s2, s31  }
0x25d: {  	s0 =	ssub.s32 s2, s0  }
0x25e: {  	s0 =	sshll.u32 s0, $0x9  }
0x25f: {  	s0 =	sshra.s32 s0, $0x2  }
0x260: {  	s18 =	sadd.s32 $0x2BC0, s0  }
0x261: {  	v58 =	vld [tilespmem:s18+$0xFFFFFFC0]  }
0x262: {  	v57 =	vld [tilespmem:s18+$0xFFFFFFD0];
	_ =	sdelay $0x1  }
0x263: {  	v56 =	vld [tilespmem:s18+$0xFFFFFFE0];
	_ =	sdelay $0x1  }
0x264: {  	v55 =	vld [tilespmem:s18+$0xFFFFFFF0]  }
0x265: {  	v3 =	vmul.f32 v58, v13;
	v4 =	vmul.f32 v57, v17  }
0x266: {  	v53 =	vld [tilespmem:s18+$0x0]  }
0x267: {  	v3 =	vadd.f32 v4, v3;
	v4 =	vmul.f32 v56, v18  }
0x268: {  	[tilespmem:$0x1FE90] =	vst v10;
	s31 =	ssub.s32 s31, s24;
	v60 =	vld [tilespmem:s18+$0x10]  }
0x269: {  	[tilespmem:$0x1FEA0] =	vst v9;
	s0 =	sadd.s32 $0x1, s31;
	v3 =	vadd.f32 v4, v3;
	v4 =	vmul.f32 v55, v19  }
0x26a: {  	[tilespmem:$0x1FEB0] =	vst v8;
	v59 =	vld [tilespmem:s18+$0x20];
	p3 =	seq.s32 s0, $0x0  }
.Ltmp26:
0x26b: {  	[tilespmem:$0x1FEC0] =	vst v29;
	v62 =	vld [tilespmem:s18+$0x30];
	v3 =	vadd.f32 v4, v3;
	v4 =	vmul.f32 v53, v20;
	(pc) =	sbr.rel @p3 .LBB2_43-.Ltmp26, $4  }
0x26c: {  	[tilespmem:$0x1FED0] =	vst v27  }
0x26d: {  	[tilespmem:$0x1FEE0] =	vst v32;
	v37 =	vmax.f32 v37, v58;
	v3 =	vadd.f32 v4, v3;
	v4 =	vmul.f32 v60, v21  }
0x26e: {  	[tilespmem:$0x1FEF0] =	vst v33;
	v36 =	vmax.f32 v36, v57;
	v34 =	vmax.f32 v34, v56;
	v31 =	vmax.f32 v31, v55  }
0x26f: {  	p1 =	por $0x0, $0x0;
	p2 =	por $0x0, $0x0;
	[tilespmem:$0x1FF00] =	vst v35;
	s2 =	sadd.s32 $0x80, s18;
	v6 =	vmul.f32 v59, v14;
	v28 =	vmax.f32 v28, v53;
	v5 =	vadd.f32 v4, v3  }
0x270: {  	_ = 	snop  }
0x271: {  	v4 =	vmul.f32 v62, v15;
	v3 =	vadd.f32 v6, v5;
	_ =	sdelay $0x1  }
0x272: {  	v3 =	vadd.f32 v4, v3  }
0x273: {  	v41 =	vld [tilespmem:s2+$0xFFFFFFC0]  }
0x274: {  	v42 =	vld [tilespmem:s2+$0xFFFFFFD0];
	(xrf2) =	vadd.scan.msk.f32 $0xffff, v3;
	_ =	sdelay $0x1  }
0x275: {  	v43 =	vld [tilespmem:s2+$0xFFFFFFE0];
	_ =	sdelay $0x1  }
0x276: {  	v63 =	vld [tilespmem:s2+$0xFFFFFFF0]  }
0x277: {  	v3 =	vmul.f32 v41, v13;
	v4 =	vmul.f32 v42, v17  }
0x278: {  	v61 =	vld [tilespmem:s2+$0x0]  }
0x279: {  	v3 =	vadd.f32 v4, v3;
	v4 =	vmul.f32 v43, v18  }
0x27a: {  	v40 =	vld [tilespmem:s2+$0x10]  }
0x27b: {  	s0 =	sadd.s32 $0x1, s0;
	v3 =	vadd.f32 v4, v3;
	v4 =	vmul.f32 v63, v19  }
0x27c: {  	v26 =	vmax.f32 v26, v60;
	v39 =	vld [tilespmem:s2+$0x20];
	v24 =	vmax.f32 v24, v59;
	v5 =	vadd.f32 s28, v38;
	p3 =	seq.s32 s0, $0x0;
	v6, _, _ =	vpop (xrf2)  }
.Ltmp27:
0x27d: {  	v3 =	vadd.f32 v4, v3;
	v4 =	vmul.f32 v61, v20;
	(v2sf) =	vpush v6, $0xF;
	(pc) =	sbr.rel @p3 .LBB2_45-.Ltmp27, $4  }
0x27e: {  	v22 =	vmax.f32 v22, v62;
	v7 =	vsub.f32 $0.0e+00, v5;
	v37 =	vmax.f32 v37, v41  }
0x27f: {  	v36 =	vmax.f32 v36, v42;
	v3 =	vadd.f32 v4, v3;
	v4 =	vmul.f32 v40, v21  }
0x280: {  	v34 =	vmax.f32 v34, v43;
	v31 =	vmax.f32 v31, v63;
	v28 =	vmax.f32 v28, v61  }
0x281: {  	p1 =	por $0x1, $0x1;
	v38 =	vld [tilespmem:s2+$0x30];
	s2 =	sadd.s32 $0x80, s2;
	v7 =	vmul.f32 $1.442695020e+00, v7;
	v5 =	vadd.f32 v4, v3;
	v6 =	vmul.f32 v39, v14  }
0x282: {  	_ =	sdelay $0x3  }
0x283: {  	v3 =	vadd.f32 v6, v5;
	(erf) = vpow2.f32 v7;
	v4 =	vmul.f32 v38, v15  }
0x284: {  	v46 =	vld [tilespmem:s2+$0xFFFFFFC0]  }
0x285: {  	v47 =	vld [tilespmem:s2+$0xFFFFFFD0];
	v3 =	vadd.f32 v4, v3;
	_ =	sdelay $0x1  }
0x286: {  	v48 =	vld [tilespmem:s2+$0xFFFFFFE0];
	(xrf2) =	vadd.scan.msk.f32 $0xffff, v3;
	_ =	sdelay $0x1  }
0x287: {  	v49 =	vld [tilespmem:s2+$0xFFFFFFF0]  }
0x288: {  	v4 =	vmul.f32 v47, v17;
	v3 =	vmul.f32 v46, v13  }
0x289: {  	v51 =	vld [tilespmem:s2+$0x0]  }
0x28a: {  	v0 =	vld [tilespmem:$0x1FF40];
	v3 =	vadd.f32 v4, v3;
	v4 =	vmul.f32 v48, v18;
	v5 =	vpop (erf)  }
0x28b: {  	v50 =	vld [tilespmem:s2+$0x10];
	v5 =	vadd.f32 $1.000000000e+00, v5  }
0x28c: {  	v3 =	vadd.f32 v4, v3;
	v4 =	vmul.f32 v49, v19  }
0x28d: {  	v26 =	vmax.f32 v26, v40  }
0x28e: {  	v24 =	vmax.f32 v24, v39;
	v52 =	vld [tilespmem:s2+$0x20];
	s31 =	sadd.s32 $0x1, s0;
	s3 =	spop (v2sf);
	v3 =	vadd.f32 v4, v3;
	v4 =	vmul.f32 v51, v20  }
0x28f: {  	p3 =	seq.s32 s31, $0x0;
	v22 =	vmax.f32 v22, v38;
	v6 =	vadd.f32 s3, v0;
	(erf) = vrcp.f32 v5;
	v5, _, _ =	vpop (xrf2)  }
.Ltmp28:
0x290: {  	v3 =	vadd.f32 v4, v3;
	v4 =	vmul.f32 v50, v21;
	(v2sf) =	vpush v5, $0xF;
	(pc) =	sbr.rel @p3 .LBB2_47-.Ltmp28, $4  }
0x291: {  	v37 =	vmax.f32 v37, v46;
	v36 =	vmax.f32 v36, v47;
	v7 =	vsub.f32 $0.0e+00, v6  }
0x292: {  	v25 =	vmovc v8;
	v34 =	vmax.f32 v34, v48;
	v31 =	vmax.f32 v31, v49;
	v28 =	vmax.f32 v28, v51  }
0x293: {  	v6 =	vmul.f32 v52, v14;
	v7 =	vmul.f32 $1.442695020e+00, v7;
	v21 =	vmovc v20;
	v20 =	vmovc v19;
	v19 =	vmov v18  }
0x294: {  	v54 =	vld [tilespmem:s2+$0x30];
	s0 =	sadd.s32 $0x80, s2;
	p2 =	por $0x1, $0x1;
	v18 =	vmovc v17;
	v17 =	vmovc v13;
	v5 =	vadd.f32 v4, v3;
	v3 =	vmov v9;
	v4 =	vmov v10  }
.LBB2_48:
0x295: {  	_ =	sdelay $0x1  }
0x296: {  	v8 =	vmov v46;
	v46 =	vld [tilespmem:s0+$0xFFFFFFC0]  }
0x297: {  	v26 =	vmax.f32 v26, v50;
	v9 =	vmov v47;
	v47 =	vld [tilespmem:s0+$0xFFFFFFD0]  }
0x298: {  	v10 =	vmovc v48;
	v5 =	vadd.f32 v6, v5;
	(erf) = vpow2.f32 v7;
	v15 =	vmul.f32 v54, v15  }
0x299: {  	v0 =	vmovc v49;
	v13 =	vmovc v51;
	v14 =	vmov v23;
	v24 =	vmax.f32 v24, v52;
	v23 =	vmov v60;
	v48 =	vld [tilespmem:s0+$0xFFFFFFE0]  }
0x29a: {  	v60 =	vmovc v40;
	v40 =	vmovc v50;
	v6 =	vmov v1;
	v1 =	vmov v59;
	v15 =	vadd.f32 v15, v5  }
0x29b: {  	v49 =	vld [tilespmem:s0+$0xFFFFFFF0];
	v59 =	vmovc v39;
	v7 =	vmovc v30;
	v30 =	vmov v62;
	v62 =	vmov v38;
	v22 =	vmax.f32 v22, v54  }
0x29c: {  	v38 =	vmov v54;
	v54 =	vmul.f32 v47, v18;
	v5 =	vpop (erf);
	(xrf2) =	vadd.scan.msk.f32 $0xffff, v15;
	v15 =	vmul.f32 v46, v17  }
0x29d: {  	v51 =	vld [tilespmem:s0+$0x0];
	v39 =	vmovc v52;
	v50 =	vmul.f32 v5, v12;
	v52 =	vmul.f32 v5, v2;
	v12 =	vmovc v58;
	v58 =	vmov v41  }
0x29e: {  	v11 =	vmul.f32 v5, v11;
	v41 =	vmovc v8;
	v8 =	vadd.f32 v54, v15;
	v54 =	vmul.f32 v48, v19  }
0x29f: {  	v44 =	vmul.f32 v5, v44;
	v45 =	vmul.f32 v5, v45  }
0x2a0: {  	v2 =	vmovc v57;
	v15 =	vmul.f32 v5, v6;
	v6 =	vadd.f32 v54, v8;
	v8 =	vmul.f32 v49, v20  }
0x2a1: {  	v14 =	vmul.f32 v5, v14;
	v57 =	vmov v42;
	v16 =	vmul.f32 v5, v7;
	v42 =	vpop (erf)  }
0x2a2: {  	v5 =	vadd.f32 $1.000000000e+00, v42;
	v42 =	vmovc v9;
	v9 =	vmul.f32 v51, v21;
	v6 =	vadd.f32 v8, v6;
	v8 =	vld [tilespmem:$0x1FF40]  }
0x2a3: {  	v35 =	vadd.f32 v50, v35;
	v50 =	vld [tilespmem:s0+$0x10]  }
0x2a4: {  	v37 =	vmax.f32 v37, v46;
	(erf) = vrcp.f32 v5;
	v5 =	vadd.f32 v9, v6;
	v6 =	vld [tilespmem:$0x1FF50]  }
0x2a5: {  	s31 =	sadd.s32 $0x1, s31;
	v36 =	vmax.f32 v36, v47;
	v34 =	vmax.f32 v34, v48;
	v33 =	vadd.f32 v52, v33;
	v52 =	vld [tilespmem:s0+$0x20]  }
0x2a6: {  	p3 =	seq.s32 s31, $0x0;
	v32 =	vadd.f32 v11, v32;
	v27 =	vadd.f32 v44, v27;
	v44 =	vmovc v55;
	v55 =	vmovc v63;
	v63 =	vmov v0;
	v0 =	vld [tilespmem:$0x1FF20];
	s2 =	spop (v2sf)  }
.Ltmp29:
0x2a7: {  	v31 =	vmax.f32 v31, v49;
	v29 =	vadd.f32 v45, v29;
	v8 =	vadd.f32 s2, v8;
	(pc) =	sbr.rel @!p3 .LBB2_48-.Ltmp29, $4  }
0x2a8: {  	v28 =	vmax.f32 v28, v51;
	v25 =	vadd.f32 v14, v25;
	v4 =	vadd.f32 v16, v4  }
0x2a9: {  	v11 =	vmov v56;
	v7, _, _ =	vpop (xrf2);
	v6 =	vmul.f32 v50, v6;
	v8 =	vsub.f32 $0.0e+00, v8  }
0x2aa: {  	v56 =	vmovc v43;
	v43 =	vmovc v10;
	v45 =	vmov v53;
	v54 =	vld [tilespmem:s0+$0x30];
	v3 =	vadd.f32 v15, v3;
	(v2sf) =	vpush v7, $0xF  }
0x2ab: {  	v53 =	vmovc v61;
	v61 =	vmovc v13;
	v15 =	vld [tilespmem:$0x1FF30];
	s0 =	sadd.s32 $0x80, s0;
	v5 =	vadd.f32 v6, v5;
	v6 =	vmul.f32 v52, v0;
	v7 =	vmul.f32 $1.442695020e+00, v8  }
.Ltmp30:
0x2ac: {  	v13 =	vmov v23;
	(pc) =	sbr.rel .LBB2_50-.Ltmp30, $4  }
0x2ad: {  	v8 =	vmovc v1;
	v16 =	vmovc v30;
	v9 =	vmov v12;
	v10 =	vmov v2;
	v14 =	vmov v60  }
0x2ae: {  	v23 =	vmovc v40;
	v40 =	vmovc v44;
	v1 =	vmov v39;
	v39 =	vmov v11;
	v30 =	vmov v38  }
0x2af: {  	v12 =	vmovc v41;
	v17 =	vmovc v18;
	v18 =	vmov v19;
	v19 =	vmov v20;
	v20 =	vmov v21;
	v21 =	vld [tilespmem:$0x1FF50]  }
0x2b0: {  	v41 =	vmovc v45;
	v2 =	vmovc v42;
	v11 =	vmov v43;
	v44 =	vmov v63;
	v45 =	vmov v61;
	v38 =	vld [tilespmem:$0x1FF40]  }
.LBB2_45:
0x2b1: {  	v14 =	vmov v23;
	[tilespmem:$0x1FE50] =	vst v2  }
.Ltmp31:
0x2b2: {  	v0 =	vmovc v1;
	v3 =	vmovc v30;
	v4 =	vmov v12;
	[tilespmem:$0x1FE60] =	vst v11;
	v50 =	vmov v40;
	v2 =	vmov v57;
	v57 =	vld [tilespmem:$0x1FE50];
	(pc) =	sbr.rel .LBB2_50-.Ltmp31, $4  }
0x2b3: {  	[tilespmem:$0x1FE70] =	vst v44;
	v46 =	vmovc v41;
	v47 =	vmovc v42;
	v48 =	vmov v43;
	v49 =	vmov v63;
	v11 =	vmov v56;
	v56 =	vld [tilespmem:$0x1FE60]  }
0x2b4: {  	[tilespmem:$0x1FE80] =	vst v45;
	v51 =	vmovc v61;
	v52 =	vmovc v39;
	v23 =	vmov v60;
	v1 =	vmov v59;
	v44 =	vmov v55;
	v55 =	vld [tilespmem:$0x1FE70]  }
0x2b5: {  	v30 =	vmovc v62;
	v12 =	vmovc v58;
	v25 =	vmov v8;
	v45 =	vmov v53;
	v59 =	vmov v0;
	v53 =	vld [tilespmem:$0x1FE80]  }
0x2b6: {  	v62 =	vmovc v3;
	v58 =	vmovc v4;
	v3 =	vmov v9;
	v4 =	vmov v10;
	v54 =	vmov v38;
	v38 =	vld [tilespmem:$0x1FF40]  }
.LBB2_47:
0x2b7: {  	v35 =	vld [tilespmem:$0x1FF00]  }
0x2b8: {  	v33 =	vld [tilespmem:$0x1FEF0]  }
0x2b9: {  	v32 =	vld [tilespmem:$0x1FEE0]  }
0x2ba: {  	v27 =	vld [tilespmem:$0x1FED0]  }
0x2bb: {  	v29 =	vld [tilespmem:$0x1FEC0]  }
.Ltmp32:
0x2bc: {  	v13 =	vmov v23;
	v25 =	vld [tilespmem:$0x1FEB0];
	(pc) =	sbr.rel .LBB2_50-.Ltmp32, $4  }
0x2bd: {  	v8 =	vmovc v1;
	v16 =	vmovc v30;
	v9 =	vmov v12;
	v10 =	vmov v2;
	v14 =	vmov v60;
	v3 =	vld [tilespmem:$0x1FEA0]  }
0x2be: {  	v23 =	vmovc v40;
	v40 =	vmovc v44;
	v1 =	vmov v39;
	v39 =	vmov v11;
	v30 =	vmov v38;
	v4 =	vld [tilespmem:$0x1FE90]  }
0x2bf: {  	v12 =	vmovc v41;
	v17 =	vmovc v18;
	v18 =	vmov v19;
	v19 =	vmov v20;
	v20 =	vmov v21;
	v21 =	vld [tilespmem:$0x1FF50]  }
0x2c0: {  	v41 =	vmovc v45;
	v2 =	vmovc v42;
	v11 =	vmov v43;
	v44 =	vmov v63;
	v45 =	vmov v61;
	v38 =	vld [tilespmem:$0x1FF40]  }
.LBB2_53:
0x2c1: {  	_ =	sfence.sel $0x180000  }
0x2c2: {  	[bflag:$0x0] =	sbarrier.arrive $0xFFFF  }
0x2c3: {  	_ =	strace $0x90000047  }
0x2c4: {  	s0 =	stileid.u32;
	[bflag:$0x2] =	sbarrier.arrive $0xFFFF  }
0x2c5: {  	p0 =	sne.s32 s0, $0x0;
	s0 =	rddreg [dreg:$0x5]  }
0x2c6: {  	s0 =	sadd.s32 @!p0 $0x100000, s0  }
0x2c7: {  	[sflag:s0] =	ssyncadd.tile.s32 @!p0 $0x1;
	_ =	shalt  }
.Lfunc_end2:
_tile_overlayer_lowered:
.L_overlay_start_2:
0x2c8: {  	(tag) =	ssettag $0x2  }
0x2c9: {  	s0 =	rddreg [dreg:$0x0];
	s2 =	stileid.u32  }
0x2ca: {  	s1 =	rddreg [dreg:$0x1];
	p0 =	sne.s32 s2, $0x0  }
0x2cb: {  	s3 =	rddreg [dreg:$0x2];
	[bflag:$0x3] =	sbarrier.arrive $0xFFFF;
	s2 =	simm.s32 @!p0 $0x1C02  }
0x2cc: {  	[timem:s3], [sflag:s2] =	dma.local @!p0 [hbm:s0], s1  }
0x2cd: {  	s0 =	simm.s32 @!p0 $0x2  }
0x2ce: {  	_ =	swait.ge @!p0 [sflag:s0], s1  }
0x2cf: {  	s1 =	ssub.s32 @!p0 $0x0, s1;
	[sflag:s0] =	ssyncset.done @!p0 $0x0  }
0x2d0: {  	[sflag:s0] =	ssyncadd.s32 @!p0 s1  }
0x2d1: {  	[bflag:$0x3] =	sbarrier.arrive $0xFFFF  }
0x2d2: {  	_ =	shalt  }

</sc_bundles>
